<compile_context>
chip_gen: v7x
topology: tpu7x:2x2x1
jax: 0.10.2.dev20260603
libtpu: 0.0.44.dev20260713+nightly
codegen_flags: <defaults>
</compile_context>

<pallas_src>
import jax
import jax.numpy as jnp
from jax import lax
from jax.experimental import pallas as pl
from jax.experimental.pallas import tpu as pltpu
from jax.experimental.pallas import tpu_sc as plsc

B, T, D = 8, 2048, 256
MAX_LEN = 14336
NC, NS, L = 2, 16, 16
BPC = B // NC
ROWS_PER_CORE = BPC * MAX_LEN
ROWS_PER_TILE = ROWS_PER_CORE // NS
CHUNK = 128
N_CHUNKS = ROWS_PER_TILE // CHUNK
WIN = 64
TCH = T // L
PCH = MAX_LEN // L
GROUPS = D // L


def _sc_body(x_hbm, dur_hbm, out_hbm, mel_hbm,
             dur_v, arr_v, gidx_sh, idx_all, x_win0, x_win1,
             out_buf0, out_buf1, mel_v, wsem0, wsem1, xsem0, xsem1):
    c = lax.axis_index("c")
    s = lax.axis_index("s")

    @pl.when(s < BPC)
    def _build_indices():
        b = c * BPC + s
        pltpu.sync_copy(dur_hbm.at[b], dur_v)

        def zero_body(j, carry):
            arr_v[pl.ds(j * L, L)] = jnp.zeros((L,), jnp.int32)
            return carry
        lax.fori_loop(0, PCH, zero_body, jnp.int32(0))

        def scatter_body(i, carry):
            dv = dur_v[pl.ds(i * L, L)]
            cs = plsc.cumsum(dv) + carry
            start = cs - dv
            vals = lax.iota(jnp.int32, L) + i * L
            ok = (dv > 0) & (start < MAX_LEN)
            plsc.store_scatter(arr_v, [start], vals, mask=ok)
            return jnp.max(cs)
        total = lax.fori_loop(0, TCH, scatter_body, jnp.int32(0))

        def fill_body(j, carry):
            a = arr_v[pl.ds(j * L, L)]
            m = jnp.maximum(plsc.cummax(a), carry)
            pos = lax.iota(jnp.int32, L) + j * L
            arr_v[pl.ds(j * L, L)] = jnp.where(pos < total, m, -1)
            return jnp.max(m)
        lax.fori_loop(0, PCH, fill_body, jnp.int32(0))

        pltpu.sync_copy(arr_v, gidx_sh.at[pl.ds(s * MAX_LEN, MAX_LEN)])
        mel_v[...] = jnp.zeros((L,), jnp.int32) + total
        pltpu.sync_copy(mel_v, mel_hbm.at[b])

    plsc.subcore_barrier()

    core_row_base = c * ROWS_PER_CORE
    tile_off = s * ROWS_PER_TILE
    x_base = (c * BPC + s // (NS // BPC)) * T

    pltpu.sync_copy(gidx_sh.at[pl.ds(tile_off, ROWS_PER_TILE)], idx_all)

    x_wins = (x_win0, x_win1)
    out_bufs = (out_buf0, out_buf1)
    wsems = (wsem0, wsem1)
    xsems = (xsem0, xsem1)

    for g in range(GROUPS):
        x_win0[pl.ds(WIN * D + g * L, L)] = jnp.zeros((L,), jnp.float32)
        x_win1[pl.ds(WIN * D + g * L, L)] = jnp.zeros((L,), jnp.float32)

    iota_v = lax.iota(jnp.int32, L)
    iota_d = iota_v * D

    def win0_of(k):
        head = idx_all[pl.ds(k * CHUNK, L)][0]
        return jnp.minimum((jnp.maximum(head, 0) // 8) * 8, T - WIN)

    def win_src(wb):
        off = pl.multiple_of((x_base + wb) * D, 256)
        return x_hbm.at[pl.ds(off, WIN * D)]

    def process_chunk(k, x_win, out_buf):
        kbase = k * CHUNK
        mv = idx_all[pl.ds(kbase, L)]
        for q in range(1, CHUNK // L):
            mv = jnp.maximum(mv, idx_all[pl.ds(kbase + q * L, L)])
        max_idx = jnp.max(mv)
        wb0 = win0_of(k)

        def frame_pass(wb):
            def group_body(q, gcarry):
                iv = idx_all[pl.ds(kbase + q * L, L)]
                lpv = jnp.minimum(jnp.where(iv < 0, wb + WIN, iv) - wb, WIN)
                mask = lpv >= 0
                rowoff = jnp.maximum(lpv, 0) * D
                scatoff = iota_d + q * (L * D)

                def col_body(j, ccarry):
                    e0 = j * L
                    for i in range(L):
                        gi = rowoff + (e0 + i)
                        si = scatoff + (e0 + i)
                        v = plsc.load_gather(x_win, [gi])
                        plsc.store_scatter(out_buf, [si], v, mask=mask)
                    return ccarry
                lax.fori_loop(0, D // L, col_body, jnp.int32(0))
                return gcarry
            lax.fori_loop(0, CHUNK // L, group_body, jnp.int32(0))

        frame_pass(wb0)

        def wcond(wb):
            return wb + WIN <= max_idx

        def wbody(wb):
            nwb = jnp.minimum(wb + WIN, T - WIN)
            pltpu.sync_copy(win_src(nwb), x_win.at[pl.ds(0, WIN * D)])
            frame_pass(nwb)
            return nwb
        lax.while_loop(wcond, wbody, wb0)

    def out_slice(k):
        off = pl.multiple_of(
            (core_row_base + tile_off + k * CHUNK) * D, 256)
        return out_hbm.at[pl.ds(off, CHUNK * D)]

    pltpu.async_copy(win_src(win0_of(0)), x_win0.at[pl.ds(0, WIN * D)], xsem0)

    def pair_body(gp, carry):
        for bi in range(2):
            k = 2 * gp + bi
            pltpu.make_async_copy(
                win_src(0), x_wins[bi].at[pl.ds(0, WIN * D)],
                xsems[bi]).wait()

            @pl.when(k + 1 < N_CHUNKS)
            def _prefetch():
                pltpu.async_copy(
                    win_src(win0_of(k + 1)),
                    x_wins[1 - bi].at[pl.ds(0, WIN * D)], xsems[1 - bi])

            @pl.when(gp > 0)
            def _drain():
                pltpu.make_async_copy(
                    out_bufs[bi], out_slice(k), wsems[bi]).wait()

            process_chunk(k, x_wins[bi], out_bufs[bi])
            pltpu.async_copy(out_bufs[bi], out_slice(k), wsems[bi])
        return carry
    lax.fori_loop(0, N_CHUNKS // 2, pair_body, jnp.int32(0))

    for bi in range(2):
        pltpu.make_async_copy(out_bufs[bi], out_slice(0), wsems[bi]).wait()


@jax.jit
def _upsample_sc(x_flat, duration):
    mesh = plsc.VectorSubcoreMesh(core_axis_name="c", subcore_axis_name="s")
    f = pl.kernel(
        _sc_body,
        mesh=mesh,
        compiler_params=pltpu.CompilerParams(needs_layout_passes=False),
        out_type=[
            jax.ShapeDtypeStruct((B * MAX_LEN * D,), jnp.float32),
            jax.ShapeDtypeStruct((B, L), jnp.int32),
        ],
        scratch_types=[
            pltpu.VMEM((T,), jnp.int32),
            pltpu.VMEM((MAX_LEN,), jnp.int32),
            pltpu.VMEM_SHARED((BPC * MAX_LEN,), jnp.int32),
            pltpu.VMEM((ROWS_PER_TILE,), jnp.int32),
            pltpu.VMEM(((WIN + 8) * D,), jnp.float32),
            pltpu.VMEM(((WIN + 8) * D,), jnp.float32),
            pltpu.VMEM((CHUNK * D,), jnp.float32),
            pltpu.VMEM((CHUNK * D,), jnp.float32),
            pltpu.VMEM((L,), jnp.int32),
            pltpu.SemaphoreType.DMA,
            pltpu.SemaphoreType.DMA,
            pltpu.SemaphoreType.DMA,
            pltpu.SemaphoreType.DMA,
        ],
    )
    return f(x_flat, duration)


def kernel(x, log_duration_prediction, max_len, duration_target):
    del log_duration_prediction, max_len
    out_flat, mel16 = _upsample_sc(x.reshape(B * T * D), duration_target)
    out = out_flat.reshape(B, MAX_LEN, D)
    mel_len = mel16[:, 0]
    return out, duration_target, mel_len

# --- scband reference (transcript-rebuilt; emitter-appended) ---
"""Pipeline reference for scband-upsampling-22204980920920 (READ-ONLY COPY).

The authoritative reference and input builder live on the scoring server;
editing this copy changes nothing except your own understanding.
"""

import jax, jax.numpy as jnp
import numpy as np

B, T, D = 8, 2048, 256
MAX_LEN = 14336


def setup_inputs(seed: int = 0) -> dict:
    key = jax.random.key(seed)
    k1, k2, k3 = jax.random.split(key, 3)
    x = jax.random.normal(k1, (B, T, D), dtype=jnp.float32)
    log_duration_prediction = jax.random.normal(k2, (B, T), dtype=jnp.float32)
    duration_target = jax.random.randint(k3, (B, T), 0, 8, dtype=jnp.int32)
    return {
        "x": x,
        "log_duration_prediction": log_duration_prediction,
        "max_len": MAX_LEN,
        "duration_target": duration_target,
    }


def _length_regulate(x, duration, max_len):
    # Vectorized equivalent of LengthRegulator.LR: each phoneme vector x[b, t]
    # is repeated duration[b, t] times, then padded to max_len.
    cum = jnp.cumsum(duration, axis=1)              # [B, T] exclusive-right cumsum
    total = cum[:, -1]                              # mel_len per batch
    pos = jnp.arange(MAX_LEN) + max_len * 0         # [max_len]
    # source phoneme index for each output frame: count of cum entries <= pos
    idx = jax.vmap(lambda c: jnp.searchsorted(c, pos, side="right"))(cum)  # [B, max_len]
    idx_c = jnp.clip(idx, 0, x.shape[1] - 1)
    out = jnp.take_along_axis(x, idx_c[:, :, None], axis=1)  # gather [B, max_len, D]
    mask = (pos[None, :] < total[:, None]).astype(x.dtype)
    out = out * mask[:, :, None]                    # zero padding beyond mel_len
    return out, total


def reference(x, log_duration_prediction, max_len, duration_target):
    # duration_target is provided -> Upsampling takes the duration_target branch:
    # expansion uses duration_target, duration_rounded = duration_target, mel_mask unchanged (None).
    out, mel_len = _length_regulate(x, duration_target, max_len)
    duration_rounded = duration_target
    return (out, duration_rounded, mel_len)

if __name__ == "__main__":
    import jax
    _d = setup_inputs()
    print(jax.jit(kernel)(*tuple(_d.values())))

</pallas_src>

<mosaic_0001>
#map = affine_map<(d0, d1) -> (0)>
#map1 = affine_map<(d0, d1) -> (0, 0)>
module attributes {stable_mosaic.version = 14 : i64} {
  func.func @_sc_body(%arg0: i32, %arg1: i32, %arg2: memref<4194304xf32, #tpu.memory_space<hbm>>, %arg3: memref<8x2048xi32, #tpu.memory_space<hbm>>, %arg4: memref<29360128xf32, #tpu.memory_space<hbm>>, %arg5: memref<8x16xi32, #tpu.memory_space<hbm>>, %arg6: memref<2048xi32, #tpu.memory_space<vmem>>, %arg7: memref<14336xi32, #tpu.memory_space<vmem>>, %arg8: memref<57344xi32, #tpu.memory_space<vmem_shared>>, %arg9: memref<3584xi32, #tpu.memory_space<vmem>>, %arg10: memref<18432xf32, #tpu.memory_space<vmem>>, %arg11: memref<18432xf32, #tpu.memory_space<vmem>>, %arg12: memref<32768xf32, #tpu.memory_space<vmem>>, %arg13: memref<32768xf32, #tpu.memory_space<vmem>>, %arg14: memref<16xi32, #tpu.memory_space<vmem>>, %arg15: memref<!tpu.dma_semaphore, #tpu.memory_space<semaphore_mem>>, %arg16: memref<!tpu.dma_semaphore, #tpu.memory_space<semaphore_mem>>, %arg17: memref<!tpu.dma_semaphore, #tpu.memory_space<semaphore_mem>>, %arg18: memref<!tpu.dma_semaphore, #tpu.memory_space<semaphore_mem>>) attributes {dimension_semantics = [#tpu.dimension_semantics<core_parallel>, #tpu.dimension_semantics<subcore_parallel>], iteration_bounds = array<i64: 2, 16>, scalar_prefetch = 0 : i64, scratch_operands = 13 : i64, tpu.core_type = #tpu.core_type<sc_vector_subcore>, window_params = [{transform_indices = #map}, {transform_indices = #map1}, {transform_indices = #map}, {transform_indices = #map1}]} {
    %lt3A = arith.constant 4 : i32
    %lt3A_0 = arith.cmpi slt, %arg1, %lt3A : i32
    %convert_element_type3A = arith.extui %lt3A_0 : i1 to i32
    %cond3A = arith.constant 0 : i32
    %cond3A_1 = arith.cmpi ne, %convert_element_type3A, %cond3A : i32
    scf.if %cond3A_1 {
      %mul3A_211 = arith.constant 4 : i32
      %mul3A_212 = arith.muli %arg0, %mul3A_211 : i32
      %add3A_213 = arith.addi %mul3A_212, %arg1 : i32
      "tpu.region"() ({
        %run_scoped3A = tpu.sem_alloc : memref<!tpu.dma_semaphore, #tpu.memory_space<semaphore_mem>>
        %dma_start3A_242 = arith.constant 0 : i32
        %dma_start3A_243 = tpu.memref_slice %arg3[%add3A_213, %dma_start3A_242] : memref<8x2048xi32, #tpu.memory_space<hbm>> -> memref<1x2048xi32, #tpu.memory_space<hbm>>
        %dma_start3A_244 = tpu.memref_squeeze %dma_start3A_243 : memref<1x2048xi32, #tpu.memory_space<hbm>> -> memref<2048xi32, #tpu.memory_space<hbm>>
        %dma_start3A_245 = arith.constant 0 : i32
        %dma_start3A_246 = tpu.memref_slice %arg3[%add3A_213, %dma_start3A_245] : memref<8x2048xi32, #tpu.memory_space<hbm>> -> memref<1x2048xi32, #tpu.memory_space<hbm>>
        %dma_start3A_247 = tpu.memref_squeeze %dma_start3A_246 : memref<1x2048xi32, #tpu.memory_space<hbm>> -> memref<2048xi32, #tpu.memory_space<hbm>>
        tpu.enqueue_dma source(%dma_start3A_247 : memref<2048xi32, #tpu.memory_space<hbm>>) target(%arg6 : memref<2048xi32, #tpu.memory_space<vmem>>) target_semaphore(%run_scoped3A : memref<!tpu.dma_semaphore, #tpu.memory_space<semaphore_mem>>)
        %dma_wait3A_248 = arith.constant 0 : i32
        %dma_wait3A_249 = tpu.memref_slice %arg3[%add3A_213, %dma_wait3A_248] : memref<8x2048xi32, #tpu.memory_space<hbm>> -> memref<1x2048xi32, #tpu.memory_space<hbm>>
        %dma_wait3A_250 = tpu.memref_squeeze %dma_wait3A_249 : memref<1x2048xi32, #tpu.memory_space<hbm>> -> memref<2048xi32, #tpu.memory_space<hbm>>
        %dma_wait3A_251 = arith.constant 0 : i32
        %dma_wait3A_252 = tpu.memref_slice %arg3[%add3A_213, %dma_wait3A_251] : memref<8x2048xi32, #tpu.memory_space<hbm>> -> memref<1x2048xi32, #tpu.memory_space<hbm>>
        %dma_wait3A_253 = tpu.memref_squeeze %dma_wait3A_252 : memref<1x2048xi32, #tpu.memory_space<hbm>> -> memref<2048xi32, #tpu.memory_space<hbm>>
        tpu.wait_dma2 semaphore(%run_scoped3A : memref<!tpu.dma_semaphore, #tpu.memory_space<semaphore_mem>>) src(%dma_wait3A_253 : memref<2048xi32, #tpu.memory_space<hbm>>) dst(%arg6 : memref<2048xi32, #tpu.memory_space<vmem>>)
        tpu.yield
      }) : () -> ()
      %scan3A_214 = arith.constant 0 : i32
      %scan3A_215 = arith.constant 0 : i32
      %scan3A_216 = arith.constant 896 : i32
      %scan3A_217 = arith.addi %scan3A_215, %scan3A_216 : i32
      %scan3A_218 = arith.constant 1 : i32
      scf.for %scan3A_242 = %scan3A_215 to %scan3A_217 step %scan3A_218  : i32 {
        %broadcast_in_dim3A_243 = arith.constant 0 : i32
        %broadcast_in_dim3A_244 = vector.broadcast %broadcast_in_dim3A_243 : i32 to vector<16xi32>
        %mul3A_245 = arith.constant 16 : i32
        %mul3A_246 = arith.muli %scan3A_242, %mul3A_245 : i32
        %swap3A_247 = arith.index_cast %mul3A_246 : i32 to index
        %swap3A_248 = tpu.vector_load %arg7[%swap3A_247] {strides = array<i32>} : memref<14336xi32, #tpu.memory_space<vmem>>, vector<16xi32>,
        tpu.vector_store %arg7[%swap3A_247], %broadcast_in_dim3A_244 {strides = array<i32>} : memref<14336xi32, #tpu.memory_space<vmem>>, vector<16xi32>,
      }
      %scan3A_219 = arith.constant 896 : i32
      %scan3A_220 = arith.constant 0 : i32
      %scan3A_221 = arith.constant 0 : i32
      %scan3A_222 = arith.constant 128 : i32
      %scan3A_223 = arith.addi %scan3A_221, %scan3A_222 : i32
      %scan3A_224 = arith.constant 1 : i32
      %scan3A_225 = scf.for %scan3A_242 = %scan3A_221 to %scan3A_223 step %scan3A_224 iter_args(%scan3A_243 = %scan3A_220) -> (i32)  : i32 {
        %mul3A_244 = arith.constant 16 : i32
        %mul3A_245 = arith.muli %scan3A_242, %mul3A_244 : i32
        %get3A_246 = arith.index_cast %mul3A_245 : i32 to index
        %get3A_247 = tpu.vector_load %arg6[%get3A_246] {strides = array<i32>} : memref<2048xi32, #tpu.memory_space<vmem>>, vector<16xi32>,
        %broadcast_in_dim3A_248 = arith.constant true
        %broadcast_in_dim3A_249 = vector.broadcast %broadcast_in_dim3A_248 : i1 to vector<16xi1>
        %masked_cumsum3A = tpu.scan <sum>, %get3A_247 masked %broadcast_in_dim3A_249 : vector<16xi32>, vector<16xi1> -> vector<16xi32>
        %add3A_250 = vector.broadcast %scan3A_243 : i32 to vector<16xi32>
        %add3A_251 = arith.addi %masked_cumsum3A, %add3A_250 : vector<16xi32>
        %sub3A_252 = arith.subi %add3A_251, %get3A_247 : vector<16xi32>
        %iota3A_253 = tpu.iota {dimensions = array<i32: 0>} : vector<16xi32>
        %mul3A_254 = arith.constant 16 : i32
        %mul3A_255 = arith.muli %scan3A_242, %mul3A_254 : i32
        %add3A_256 = vector.broadcast %mul3A_255 : i32 to vector<16xi32>
        %add3A_257 = arith.addi %iota3A_253, %add3A_256 : vector<16xi32>
        %gt3A = arith.constant 0 : i32
        %gt3A_258 = vector.broadcast %gt3A : i32 to vector<16xi32>
        %gt3A_259 = arith.cmpi sgt, %get3A_247, %gt3A_258 : vector<16xi32>
        %lt3A_260 = arith.constant 14336 : i32
        %lt3A_261 = vector.broadcast %lt3A_260 : i32 to vector<16xi32>
        %lt3A_262 = arith.cmpi slt, %sub3A_252, %lt3A_261 : vector<16xi32>
        %and3A_263 = arith.andi %gt3A_259, %lt3A_262 : vector<16xi1>
        tpu.vector_store_idx %arg7[%sub3A_252], %add3A_257 masked %and3A_263 : memref<14336xi32, #tpu.memory_space<vmem>>[vector<16xi32>], vector<16xi32>, vector<16xi1>
        %reduce_max3A = arith.constant true
        %reduce_max3A_264 = vector.broadcast %reduce_max3A : i1 to vector<16xi1>
        %reduce_max3A_265 = arith.constant -2147483648 : i32
        %reduce_max3A_266 = vector.broadcast %reduce_max3A_265 : i32 to vector<16xi32>
        %reduce_max3A_267 = arith.xori %add3A_251, %reduce_max3A_266 : vector<16xi32>
        %reduce_max3A_268 = tpu.scan <max>, %reduce_max3A_267 masked %reduce_max3A_264 : vector<16xi32>, vector<16xi1> -> vector<16xi32>
        %reduce_max3A_269 = arith.xori %reduce_max3A_268, %reduce_max3A_266 : vector<16xi32>
        %reduce_max3A_270 = vector.extract %reduce_max3A_269[15] : i32 from vector<16xi32>
        scf.yield %reduce_max3A_270 : i32
      }
      %scan3A_226 = arith.constant 128 : i32
      %scan3A_227 = arith.constant 0 : i32
      %scan3A_228 = arith.constant 0 : i32
      %scan3A_229 = arith.constant 896 : i32
      %scan3A_230 = arith.addi %scan3A_228, %scan3A_229 : i32
      %scan3A_231 = arith.constant 1 : i32
      %scan3A_232 = scf.for %scan3A_242 = %scan3A_228 to %scan3A_230 step %scan3A_231 iter_args(%scan3A_243 = %scan3A_227) -> (i32)  : i32 {
        %mul3A_244 = arith.constant 16 : i32
        %mul3A_245 = arith.muli %scan3A_242, %mul3A_244 : i32
        %get3A_246 = arith.index_cast %mul3A_245 : i32 to index
        %get3A_247 = tpu.vector_load %arg7[%get3A_246] {strides = array<i32>} : memref<14336xi32, #tpu.memory_space<vmem>>, vector<16xi32>,
        %broadcast_in_dim3A_248 = arith.constant true
        %broadcast_in_dim3A_249 = vector.broadcast %broadcast_in_dim3A_248 : i1 to vector<16xi1>
        %masked_cummax3A = arith.constant -2147483648 : i32
        %masked_cummax3A_250 = vector.broadcast %masked_cummax3A : i32 to vector<16xi32>
        %masked_cummax3A_251 = arith.xori %get3A_247, %masked_cummax3A_250 : vector<16xi32>
        %masked_cummax3A_252 = tpu.scan <max>, %masked_cummax3A_251 masked %broadcast_in_dim3A_249 : vector<16xi32>, vector<16xi1> -> vector<16xi32>
        %masked_cummax3A_253 = arith.xori %masked_cummax3A_252, %masked_cummax3A_250 : vector<16xi32>
        %max3A_254 = vector.broadcast %scan3A_243 : i32 to vector<16xi32>
        %max3A_255 = arith.maxsi %masked_cummax3A_253, %max3A_254 : vector<16xi32>
        %iota3A_256 = tpu.iota {dimensions = array<i32: 0>} : vector<16xi32>
        %mul3A_257 = arith.constant 16 : i32
        %mul3A_258 = arith.muli %scan3A_242, %mul3A_257 : i32
        %add3A_259 = vector.broadcast %mul3A_258 : i32 to vector<16xi32>
        %add3A_260 = arith.addi %iota3A_256, %add3A_259 : vector<16xi32>
        %lt3A_261 = vector.broadcast %scan3A_225 : i32 to vector<16xi32>
        %lt3A_262 = arith.cmpi slt, %add3A_260, %lt3A_261 : vector<16xi32>
        %jit3A_263 = arith.constant -1 : i32
        %broadcast_in_dim3A_264 = vector.broadcast %jit3A_263 : i32 to vector<16xi32>
        %select_n3A_265 = arith.select %lt3A_262, %max3A_255, %broadcast_in_dim3A_264 : vector<16xi1>, vector<16xi32>
        %mul3A_266 = arith.constant 16 : i32
        %mul3A_267 = arith.muli %scan3A_242, %mul3A_266 : i32
        %swap3A_268 = arith.index_cast %mul3A_267 : i32 to index
        %swap3A_269 = tpu.vector_load %arg7[%swap3A_268] {strides = array<i32>} : memref<14336xi32, #tpu.memory_space<vmem>>, vector<16xi32>,
        tpu.vector_store %arg7[%swap3A_268], %select_n3A_265 {strides = array<i32>} : memref<14336xi32, #tpu.memory_space<vmem>>, vector<16xi32>,
        %reduce_max3A = arith.constant true
        %reduce_max3A_270 = vector.broadcast %reduce_max3A : i1 to vector<16xi1>
        %reduce_max3A_271 = arith.constant -2147483648 : i32
        %reduce_max3A_272 = vector.broadcast %reduce_max3A_271 : i32 to vector<16xi32>
        %reduce_max3A_273 = arith.xori %max3A_255, %reduce_max3A_272 : vector<16xi32>
        %reduce_max3A_274 = tpu.scan <max>, %reduce_max3A_273 masked %reduce_max3A_270 : vector<16xi32>, vector<16xi1> -> vector<16xi32>
        %reduce_max3A_275 = arith.xori %reduce_max3A_274, %reduce_max3A_272 : vector<16xi32>
        %reduce_max3A_276 = vector.extract %reduce_max3A_275[15] : i32 from vector<16xi32>
        scf.yield %reduce_max3A_276 : i32
      }
      %scan3A_233 = arith.constant 896 : i32
      %mul3A_234 = arith.constant 14336 : i32
      %mul3A_235 = arith.muli %arg1, %mul3A_234 : i32
      "tpu.region"() ({
        %run_scoped3A = tpu.sem_alloc : memref<!tpu.dma_semaphore, #tpu.memory_space<semaphore_mem>>
        %dma_start3A_242 = tpu.memref_slice %arg8[%mul3A_235] : memref<57344xi32, #tpu.memory_space<vmem_shared>> -> memref<14336xi32, #tpu.memory_space<vmem_shared>>
        %dma_start3A_243 = tpu.memref_slice %arg8[%mul3A_235] : memref<57344xi32, #tpu.memory_space<vmem_shared>> -> memref<14336xi32, #tpu.memory_space<vmem_shared>>
        tpu.enqueue_dma source(%arg7 : memref<14336xi32, #tpu.memory_space<vmem>>) target(%dma_start3A_243 : memref<14336xi32, #tpu.memory_space<vmem_shared>>) target_semaphore(%run_scoped3A : memref<!tpu.dma_semaphore, #tpu.memory_space<semaphore_mem>>)
        %dma_wait3A_244 = tpu.memref_slice %arg8[%mul3A_235] : memref<57344xi32, #tpu.memory_space<vmem_shared>> -> memref<14336xi32, #tpu.memory_space<vmem_shared>>
        %dma_wait3A_245 = tpu.memref_slice %arg8[%mul3A_235] : memref<57344xi32, #tpu.memory_space<vmem_shared>> -> memref<14336xi32, #tpu.memory_space<vmem_shared>>
        tpu.wait_dma2 semaphore(%run_scoped3A : memref<!tpu.dma_semaphore, #tpu.memory_space<semaphore_mem>>) src(%arg7 : memref<14336xi32, #tpu.memory_space<vmem>>) dst(%dma_wait3A_245 : memref<14336xi32, #tpu.memory_space<vmem_shared>>)
        tpu.yield
      }) : () -> ()
      %broadcast_in_dim3A_236 = arith.constant 0 : i32
      %broadcast_in_dim3A_237 = vector.broadcast %broadcast_in_dim3A_236 : i32 to vector<16xi32>
      %add3A_238 = vector.broadcast %scan3A_225 : i32 to vector<16xi32>
      %add3A_239 = arith.addi %broadcast_in_dim3A_237, %add3A_238 : vector<16xi32>
      %swap3A_240 = arith.constant 0 : index
      %swap3A_241 = tpu.vector_load %arg14[%swap3A_240] {strides = array<i32>} : memref<16xi32, #tpu.memory_space<vmem>>, vector<16xi32>,
      tpu.vector_store %arg14[%swap3A_240], %add3A_239 {strides = array<i32>} : memref<16xi32, #tpu.memory_space<vmem>>, vector<16xi32>,
      "tpu.region"() ({
        %run_scoped3A = tpu.sem_alloc : memref<!tpu.dma_semaphore, #tpu.memory_space<semaphore_mem>>
        %dma_start3A_242 = arith.constant 0 : i32
        %dma_start3A_243 = tpu.memref_slice %arg5[%add3A_213, %dma_start3A_242] : memref<8x16xi32, #tpu.memory_space<hbm>> -> memref<1x16xi32, #tpu.memory_space<hbm>>
        %dma_start3A_244 = tpu.memref_squeeze %dma_start3A_243 : memref<1x16xi32, #tpu.memory_space<hbm>> -> memref<16xi32, #tpu.memory_space<hbm>>
        %dma_start3A_245 = arith.constant 0 : i32
        %dma_start3A_246 = tpu.memref_slice %arg5[%add3A_213, %dma_start3A_245] : memref<8x16xi32, #tpu.memory_space<hbm>> -> memref<1x16xi32, #tpu.memory_space<hbm>>
        %dma_start3A_247 = tpu.memref_squeeze %dma_start3A_246 : memref<1x16xi32, #tpu.memory_space<hbm>> -> memref<16xi32, #tpu.memory_space<hbm>>
        tpu.enqueue_dma source(%arg14 : memref<16xi32, #tpu.memory_space<vmem>>) target(%dma_start3A_247 : memref<16xi32, #tpu.memory_space<hbm>>) target_semaphore(%run_scoped3A : memref<!tpu.dma_semaphore, #tpu.memory_space<semaphore_mem>>)
        %dma_wait3A_248 = arith.constant 0 : i32
        %dma_wait3A_249 = tpu.memref_slice %arg5[%add3A_213, %dma_wait3A_248] : memref<8x16xi32, #tpu.memory_space<hbm>> -> memref<1x16xi32, #tpu.memory_space<hbm>>
        %dma_wait3A_250 = tpu.memref_squeeze %dma_wait3A_249 : memref<1x16xi32, #tpu.memory_space<hbm>> -> memref<16xi32, #tpu.memory_space<hbm>>
        %dma_wait3A_251 = arith.constant 0 : i32
        %dma_wait3A_252 = tpu.memref_slice %arg5[%add3A_213, %dma_wait3A_251] : memref<8x16xi32, #tpu.memory_space<hbm>> -> memref<1x16xi32, #tpu.memory_space<hbm>>
        %dma_wait3A_253 = tpu.memref_squeeze %dma_wait3A_252 : memref<1x16xi32, #tpu.memory_space<hbm>> -> memref<16xi32, #tpu.memory_space<hbm>>
        tpu.wait_dma2 semaphore(%run_scoped3A : memref<!tpu.dma_semaphore, #tpu.memory_space<semaphore_mem>>) src(%arg14 : memref<16xi32, #tpu.memory_space<vmem>>) dst(%dma_wait3A_253 : memref<16xi32, #tpu.memory_space<hbm>>)
        tpu.yield
      }) : () -> ()
    } else {
    }
    %barrier3A = arith.constant 0 : index
    tpu.barrier barrier_id(%barrier3A)
    %mul3A = arith.constant 57344 : i32
    %mul3A_2 = arith.muli %arg0, %mul3A : i32
    %mul3A_3 = arith.constant 3584 : i32
    %mul3A_4 = arith.muli %arg1, %mul3A_3 : i32
    %mul3A_5 = arith.constant 4 : i32
    %mul3A_6 = arith.muli %arg0, %mul3A_5 : i32
    %jit3A = arith.constant 4 : i32
    %div3A = arith.divsi %arg1, %jit3A : i32
    %sign3A = arith.constant 0 : i32
    %sign3A_7 = arith.cmpi sgt, %arg1, %sign3A : i32
    %sign3A_8 = arith.extui %sign3A_7 : i1 to i32
    %sign3A_9 = arith.constant 0 : i32
    %sign3A_10 = arith.cmpi slt, %arg1, %sign3A_9 : i32
    %sign3A_11 = arith.extui %sign3A_10 : i1 to i32
    %sign3A_12 = arith.subi %sign3A_8, %sign3A_11 : i32
    %sign3A_13 = arith.constant 0 : i32
    %sign3A_14 = arith.cmpi sgt, %jit3A, %sign3A_13 : i32
    %sign3A_15 = arith.extui %sign3A_14 : i1 to i32
    %sign3A_16 = arith.constant 0 : i32
    %sign3A_17 = arith.cmpi slt, %jit3A, %sign3A_16 : i32
    %sign3A_18 = arith.extui %sign3A_17 : i1 to i32
    %sign3A_19 = arith.subi %sign3A_15, %sign3A_18 : i32
    %ne3A = arith.cmpi ne, %sign3A_12, %sign3A_19 : i32
    %rem3A = arith.remsi %arg1, %jit3A : i32
    %ne3A_20 = arith.constant 0 : i32
    %ne3A_21 = arith.cmpi ne, %rem3A, %ne3A_20 : i32
    %and3A = arith.andi %ne3A, %ne3A_21 : i1
    %sub3A = arith.constant 1 : i32
    %sub3A_22 = arith.subi %div3A, %sub3A : i32
    %select_n3A = arith.select %and3A, %sub3A_22, %div3A : i32
    %add3A = arith.addi %mul3A_6, %select_n3A : i32
    %mul3A_23 = arith.constant 2048 : i32
    %mul3A_24 = arith.muli %add3A, %mul3A_23 : i32
    "tpu.region"() ({
      %run_scoped3A = tpu.sem_alloc : memref<!tpu.dma_semaphore, #tpu.memory_space<semaphore_mem>>
      %dma_start3A_211 = tpu.memref_slice %arg8[%mul3A_4] : memref<57344xi32, #tpu.memory_space<vmem_shared>> -> memref<3584xi32, #tpu.memory_space<vmem_shared>>
      %dma_start3A_212 = tpu.memref_slice %arg8[%mul3A_4] : memref<57344xi32, #tpu.memory_space<vmem_shared>> -> memref<3584xi32, #tpu.memory_space<vmem_shared>>
      tpu.enqueue_dma source(%dma_start3A_212 : memref<3584xi32, #tpu.memory_space<vmem_shared>>) target(%arg9 : memref<3584xi32, #tpu.memory_space<vmem>>) target_semaphore(%run_scoped3A : memref<!tpu.dma_semaphore, #tpu.memory_space<semaphore_mem>>)
      %dma_wait3A_213 = tpu.memref_slice %arg8[%mul3A_4] : memref<57344xi32, #tpu.memory_space<vmem_shared>> -> memref<3584xi32, #tpu.memory_space<vmem_shared>>
      %dma_wait3A_214 = tpu.memref_slice %arg8[%mul3A_4] : memref<57344xi32, #tpu.memory_space<vmem_shared>> -> memref<3584xi32, #tpu.memory_space<vmem_shared>>
      tpu.wait_dma2 semaphore(%run_scoped3A : memref<!tpu.dma_semaphore, #tpu.memory_space<semaphore_mem>>) src(%dma_wait3A_214 : memref<3584xi32, #tpu.memory_space<vmem_shared>>) dst(%arg9 : memref<3584xi32, #tpu.memory_space<vmem>>)
      tpu.yield
    }) : () -> ()
    %broadcast_in_dim3A = arith.constant 0.000000e+00 : f32
    %broadcast_in_dim3A_25 = vector.broadcast %broadcast_in_dim3A : f32 to vector<16xf32>
    %swap3A = arith.constant 16384 : index
    %swap3A_26 = tpu.vector_load %arg10[%swap3A] {strides = array<i32>} : memref<18432xf32, #tpu.memory_space<vmem>>, vector<16xf32>,
    tpu.vector_store %arg10[%swap3A], %broadcast_in_dim3A_25 {strides = array<i32>} : memref<18432xf32, #tpu.memory_space<vmem>>, vector<16xf32>,
    %broadcast_in_dim3A_27 = arith.constant 0.000000e+00 : f32
    %broadcast_in_dim3A_28 = vector.broadcast %broadcast_in_dim3A_27 : f32 to vector<16xf32>
    %swap3A_29 = arith.constant 16384 : index
    %swap3A_30 = tpu.vector_load %arg11[%swap3A_29] {strides = array<i32>} : memref<18432xf32, #tpu.memory_space<vmem>>, vector<16xf32>,
    tpu.vector_store %arg11[%swap3A_29], %broadcast_in_dim3A_28 {strides = array<i32>} : memref<18432xf32, #tpu.memory_space<vmem>>, vector<16xf32>,
    %broadcast_in_dim3A_31 = arith.constant 0.000000e+00 : f32
    %broadcast_in_dim3A_32 = vector.broadcast %broadcast_in_dim3A_31 : f32 to vector<16xf32>
    %swap3A_33 = arith.constant 16400 : index
    %swap3A_34 = tpu.vector_load %arg10[%swap3A_33] {strides = array<i32>} : memref<18432xf32, #tpu.memory_space<vmem>>, vector<16xf32>,
    tpu.vector_store %arg10[%swap3A_33], %broadcast_in_dim3A_32 {strides = array<i32>} : memref<18432xf32, #tpu.memory_space<vmem>>, vector<16xf32>,
    %broadcast_in_dim3A_35 = arith.constant 0.000000e+00 : f32
    %broadcast_in_dim3A_36 = vector.broadcast %broadcast_in_dim3A_35 : f32 to vector<16xf32>
    %swap3A_37 = arith.constant 16400 : index
    %swap3A_38 = tpu.vector_load %arg11[%swap3A_37] {strides = array<i32>} : memref<18432xf32, #tpu.memory_space<vmem>>, vector<16xf32>,
    tpu.vector_store %arg11[%swap3A_37], %broadcast_in_dim3A_36 {strides = array<i32>} : memref<18432xf32, #tpu.memory_space<vmem>>, vector<16xf32>,
    %broadcast_in_dim3A_39 = arith.constant 0.000000e+00 : f32
    %broadcast_in_dim3A_40 = vector.broadcast %broadcast_in_dim3A_39 : f32 to vector<16xf32>
    %swap3A_41 = arith.constant 16416 : index
    %swap3A_42 = tpu.vector_load %arg10[%swap3A_41] {strides = array<i32>} : memref<18432xf32, #tpu.memory_space<vmem>>, vector<16xf32>,
    tpu.vector_store %arg10[%swap3A_41], %broadcast_in_dim3A_40 {strides = array<i32>} : memref<18432xf32, #tpu.memory_space<vmem>>, vector<16xf32>,
    %broadcast_in_dim3A_43 = arith.constant 0.000000e+00 : f32
    %broadcast_in_dim3A_44 = vector.broadcast %broadcast_in_dim3A_43 : f32 to vector<16xf32>
    %swap3A_45 = arith.constant 16416 : index
    %swap3A_46 = tpu.vector_load %arg11[%swap3A_45] {strides = array<i32>} : memref<18432xf32, #tpu.memory_space<vmem>>, vector<16xf32>,
    tpu.vector_store %arg11[%swap3A_45], %broadcast_in_dim3A_44 {strides = array<i32>} : memref<18432xf32, #tpu.memory_space<vmem>>, vector<16xf32>,
    %broadcast_in_dim3A_47 = arith.constant 0.000000e+00 : f32
    %broadcast_in_dim3A_48 = vector.broadcast %broadcast_in_dim3A_47 : f32 to vector<16xf32>
    %swap3A_49 = arith.constant 16432 : index
    %swap3A_50 = tpu.vector_load %arg10[%swap3A_49] {strides = array<i32>} : memref<18432xf32, #tpu.memory_space<vmem>>, vector<16xf32>,
    tpu.vector_store %arg10[%swap3A_49], %broadcast_in_dim3A_48 {strides = array<i32>} : memref<18432xf32, #tpu.memory_space<vmem>>, vector<16xf32>,
    %broadcast_in_dim3A_51 = arith.constant 0.000000e+00 : f32
    %broadcast_in_dim3A_52 = vector.broadcast %broadcast_in_dim3A_51 : f32 to vector<16xf32>
    %swap3A_53 = arith.constant 16432 : index
    %swap3A_54 = tpu.vector_load %arg11[%swap3A_53] {strides = array<i32>} : memref<18432xf32, #tpu.memory_space<vmem>>, vector<16xf32>,
    tpu.vector_store %arg11[%swap3A_53], %broadcast_in_dim3A_52 {strides = array<i32>} : memref<18432xf32, #tpu.memory_space<vmem>>, vector<16xf32>,
    %broadcast_in_dim3A_55 = arith.constant 0.000000e+00 : f32
    %broadcast_in_dim3A_56 = vector.broadcast %broadcast_in_dim3A_55 : f32 to vector<16xf32>
    %swap3A_57 = arith.constant 16448 : index
    %swap3A_58 = tpu.vector_load %arg10[%swap3A_57] {strides = array<i32>} : memref<18432xf32, #tpu.memory_space<vmem>>, vector<16xf32>,
    tpu.vector_store %arg10[%swap3A_57], %broadcast_in_dim3A_56 {strides = array<i32>} : memref<18432xf32, #tpu.memory_space<vmem>>, vector<16xf32>,
    %broadcast_in_dim3A_59 = arith.constant 0.000000e+00 : f32
    %broadcast_in_dim3A_60 = vector.broadcast %broadcast_in_dim3A_59 : f32 to vector<16xf32>
    %swap3A_61 = arith.constant 16448 : index
    %swap3A_62 = tpu.vector_load %arg11[%swap3A_61] {strides = array<i32>} : memref<18432xf32, #tpu.memory_space<vmem>>, vector<16xf32>,
    tpu.vector_store %arg11[%swap3A_61], %broadcast_in_dim3A_60 {strides = array<i32>} : memref<18432xf32, #tpu.memory_space<vmem>>, vector<16xf32>,
    %broadcast_in_dim3A_63 = arith.constant 0.000000e+00 : f32
    %broadcast_in_dim3A_64 = vector.broadcast %broadcast_in_dim3A_63 : f32 to vector<16xf32>
    %swap3A_65 = arith.constant 16464 : index
    %swap3A_66 = tpu.vector_load %arg10[%swap3A_65] {strides = array<i32>} : memref<18432xf32, #tpu.memory_space<vmem>>, vector<16xf32>,
    tpu.vector_store %arg10[%swap3A_65], %broadcast_in_dim3A_64 {strides = array<i32>} : memref<18432xf32, #tpu.memory_space<vmem>>, vector<16xf32>,
    %broadcast_in_dim3A_67 = arith.constant 0.000000e+00 : f32
    %broadcast_in_dim3A_68 = vector.broadcast %broadcast_in_dim3A_67 : f32 to vector<16xf32>
    %swap3A_69 = arith.constant 16464 : index
    %swap3A_70 = tpu.vector_load %arg11[%swap3A_69] {strides = array<i32>} : memref<18432xf32, #tpu.memory_space<vmem>>, vector<16xf32>,
    tpu.vector_store %arg11[%swap3A_69], %broadcast_in_dim3A_68 {strides = array<i32>} : memref<18432xf32, #tpu.memory_space<vmem>>, vector<16xf32>,
    %broadcast_in_dim3A_71 = arith.constant 0.000000e+00 : f32
    %broadcast_in_dim3A_72 = vector.broadcast %broadcast_in_dim3A_71 : f32 to vector<16xf32>
    %swap3A_73 = arith.constant 16480 : index
    %swap3A_74 = tpu.vector_load %arg10[%swap3A_73] {strides = array<i32>} : memref<18432xf32, #tpu.memory_space<vmem>>, vector<16xf32>,
    tpu.vector_store %arg10[%swap3A_73], %broadcast_in_dim3A_72 {strides = array<i32>} : memref<18432xf32, #tpu.memory_space<vmem>>, vector<16xf32>,
    %broadcast_in_dim3A_75 = arith.constant 0.000000e+00 : f32
    %broadcast_in_dim3A_76 = vector.broadcast %broadcast_in_dim3A_75 : f32 to vector<16xf32>
    %swap3A_77 = arith.constant 16480 : index
    %swap3A_78 = tpu.vector_load %arg11[%swap3A_77] {strides = array<i32>} : memref<18432xf32, #tpu.memory_space<vmem>>, vector<16xf32>,
    tpu.vector_store %arg11[%swap3A_77], %broadcast_in_dim3A_76 {strides = array<i32>} : memref<18432xf32, #tpu.memory_space<vmem>>, vector<16xf32>,
    %broadcast_in_dim3A_79 = arith.constant 0.000000e+00 : f32
    %broadcast_in_dim3A_80 = vector.broadcast %broadcast_in_dim3A_79 : f32 to vector<16xf32>
    %swap3A_81 = arith.constant 16496 : index
    %swap3A_82 = tpu.vector_load %arg10[%swap3A_81] {strides = array<i32>} : memref<18432xf32, #tpu.memory_space<vmem>>, vector<16xf32>,
    tpu.vector_store %arg10[%swap3A_81], %broadcast_in_dim3A_80 {strides = array<i32>} : memref<18432xf32, #tpu.memory_space<vmem>>, vector<16xf32>,
    %broadcast_in_dim3A_83 = arith.constant 0.000000e+00 : f32
    %broadcast_in_dim3A_84 = vector.broadcast %broadcast_in_dim3A_83 : f32 to vector<16xf32>
    %swap3A_85 = arith.constant 16496 : index
    %swap3A_86 = tpu.vector_load %arg11[%swap3A_85] {strides = array<i32>} : memref<18432xf32, #tpu.memory_space<vmem>>, vector<16xf32>,
    tpu.vector_store %arg11[%swap3A_85], %broadcast_in_dim3A_84 {strides = array<i32>} : memref<18432xf32, #tpu.memory_space<vmem>>, vector<16xf32>,
    %broadcast_in_dim3A_87 = arith.constant 0.000000e+00 : f32
    %broadcast_in_dim3A_88 = vector.broadcast %broadcast_in_dim3A_87 : f32 to vector<16xf32>
    %swap3A_89 = arith.constant 16512 : index
    %swap3A_90 = tpu.vector_load %arg10[%swap3A_89] {strides = array<i32>} : memref<18432xf32, #tpu.memory_space<vmem>>, vector<16xf32>,
    tpu.vector_store %arg10[%swap3A_89], %broadcast_in_dim3A_88 {strides = array<i32>} : memref<18432xf32, #tpu.memory_space<vmem>>, vector<16xf32>,
    %broadcast_in_dim3A_91 = arith.constant 0.000000e+00 : f32
    %broadcast_in_dim3A_92 = vector.broadcast %broadcast_in_dim3A_91 : f32 to vector<16xf32>
    %swap3A_93 = arith.constant 16512 : index
    %swap3A_94 = tpu.vector_load %arg11[%swap3A_93] {strides = array<i32>} : memref<18432xf32, #tpu.memory_space<vmem>>, vector<16xf32>,
    tpu.vector_store %arg11[%swap3A_93], %broadcast_in_dim3A_92 {strides = array<i32>} : memref<18432xf32, #tpu.memory_space<vmem>>, vector<16xf32>,
    %broadcast_in_dim3A_95 = arith.constant 0.000000e+00 : f32
    %broadcast_in_dim3A_96 = vector.broadcast %broadcast_in_dim3A_95 : f32 to vector<16xf32>
    %swap3A_97 = arith.constant 16528 : index
    %swap3A_98 = tpu.vector_load %arg10[%swap3A_97] {strides = array<i32>} : memref<18432xf32, #tpu.memory_space<vmem>>, vector<16xf32>,
    tpu.vector_store %arg10[%swap3A_97], %broadcast_in_dim3A_96 {strides = array<i32>} : memref<18432xf32, #tpu.memory_space<vmem>>, vector<16xf32>,
    %broadcast_in_dim3A_99 = arith.constant 0.000000e+00 : f32
    %broadcast_in_dim3A_100 = vector.broadcast %broadcast_in_dim3A_99 : f32 to vector<16xf32>
    %swap3A_101 = arith.constant 16528 : index
    %swap3A_102 = tpu.vector_load %arg11[%swap3A_101] {strides = array<i32>} : memref<18432xf32, #tpu.memory_space<vmem>>, vector<16xf32>,
    tpu.vector_store %arg11[%swap3A_101], %broadcast_in_dim3A_100 {strides = array<i32>} : memref<18432xf32, #tpu.memory_space<vmem>>, vector<16xf32>,
    %broadcast_in_dim3A_103 = arith.constant 0.000000e+00 : f32
    %broadcast_in_dim3A_104 = vector.broadcast %broadcast_in_dim3A_103 : f32 to vector<16xf32>
    %swap3A_105 = arith.constant 16544 : index
    %swap3A_106 = tpu.vector_load %arg10[%swap3A_105] {strides = array<i32>} : memref<18432xf32, #tpu.memory_space<vmem>>, vector<16xf32>,
    tpu.vector_store %arg10[%swap3A_105], %broadcast_in_dim3A_104 {strides = array<i32>} : memref<18432xf32, #tpu.memory_space<vmem>>, vector<16xf32>,
    %broadcast_in_dim3A_107 = arith.constant 0.000000e+00 : f32
    %broadcast_in_dim3A_108 = vector.broadcast %broadcast_in_dim3A_107 : f32 to vector<16xf32>
    %swap3A_109 = arith.constant 16544 : index
    %swap3A_110 = tpu.vector_load %arg11[%swap3A_109] {strides = array<i32>} : memref<18432xf32, #tpu.memory_space<vmem>>, vector<16xf32>,
    tpu.vector_store %arg11[%swap3A_109], %broadcast_in_dim3A_108 {strides = array<i32>} : memref<18432xf32, #tpu.memory_space<vmem>>, vector<16xf32>,
    %broadcast_in_dim3A_111 = arith.constant 0.000000e+00 : f32
    %broadcast_in_dim3A_112 = vector.broadcast %broadcast_in_dim3A_111 : f32 to vector<16xf32>
    %swap3A_113 = arith.constant 16560 : index
    %swap3A_114 = tpu.vector_load %arg10[%swap3A_113] {strides = array<i32>} : memref<18432xf32, #tpu.memory_space<vmem>>, vector<16xf32>,
    tpu.vector_store %arg10[%swap3A_113], %broadcast_in_dim3A_112 {strides = array<i32>} : memref<18432xf32, #tpu.memory_space<vmem>>, vector<16xf32>,
    %broadcast_in_dim3A_115 = arith.constant 0.000000e+00 : f32
    %broadcast_in_dim3A_116 = vector.broadcast %broadcast_in_dim3A_115 : f32 to vector<16xf32>
    %swap3A_117 = arith.constant 16560 : index
    %swap3A_118 = tpu.vector_load %arg11[%swap3A_117] {strides = array<i32>} : memref<18432xf32, #tpu.memory_space<vmem>>, vector<16xf32>,
    tpu.vector_store %arg11[%swap3A_117], %broadcast_in_dim3A_116 {strides = array<i32>} : memref<18432xf32, #tpu.memory_space<vmem>>, vector<16xf32>,
    %broadcast_in_dim3A_119 = arith.constant 0.000000e+00 : f32
    %broadcast_in_dim3A_120 = vector.broadcast %broadcast_in_dim3A_119 : f32 to vector<16xf32>
    %swap3A_121 = arith.constant 16576 : index
    %swap3A_122 = tpu.vector_load %arg10[%swap3A_121] {strides = array<i32>} : memref<18432xf32, #tpu.memory_space<vmem>>, vector<16xf32>,
    tpu.vector_store %arg10[%swap3A_121], %broadcast_in_dim3A_120 {strides = array<i32>} : memref<18432xf32, #tpu.memory_space<vmem>>, vector<16xf32>,
    %broadcast_in_dim3A_123 = arith.constant 0.000000e+00 : f32
    %broadcast_in_dim3A_124 = vector.broadcast %broadcast_in_dim3A_123 : f32 to vector<16xf32>
    %swap3A_125 = arith.constant 16576 : index
    %swap3A_126 = tpu.vector_load %arg11[%swap3A_125] {strides = array<i32>} : memref<18432xf32, #tpu.memory_space<vmem>>, vector<16xf32>,
    tpu.vector_store %arg11[%swap3A_125], %broadcast_in_dim3A_124 {strides = array<i32>} : memref<18432xf32, #tpu.memory_space<vmem>>, vector<16xf32>,
    %broadcast_in_dim3A_127 = arith.constant 0.000000e+00 : f32
    %broadcast_in_dim3A_128 = vector.broadcast %broadcast_in_dim3A_127 : f32 to vector<16xf32>
    %swap3A_129 = arith.constant 16592 : index
    %swap3A_130 = tpu.vector_load %arg10[%swap3A_129] {strides = array<i32>} : memref<18432xf32, #tpu.memory_space<vmem>>, vector<16xf32>,
    tpu.vector_store %arg10[%swap3A_129], %broadcast_in_dim3A_128 {strides = array<i32>} : memref<18432xf32, #tpu.memory_space<vmem>>, vector<16xf32>,
    %broadcast_in_dim3A_131 = arith.constant 0.000000e+00 : f32
    %broadcast_in_dim3A_132 = vector.broadcast %broadcast_in_dim3A_131 : f32 to vector<16xf32>
    %swap3A_133 = arith.constant 16592 : index
    %swap3A_134 = tpu.vector_load %arg11[%swap3A_133] {strides = array<i32>} : memref<18432xf32, #tpu.memory_space<vmem>>, vector<16xf32>,
    tpu.vector_store %arg11[%swap3A_133], %broadcast_in_dim3A_132 {strides = array<i32>} : memref<18432xf32, #tpu.memory_space<vmem>>, vector<16xf32>,
    %broadcast_in_dim3A_135 = arith.constant 0.000000e+00 : f32
    %broadcast_in_dim3A_136 = vector.broadcast %broadcast_in_dim3A_135 : f32 to vector<16xf32>
    %swap3A_137 = arith.constant 16608 : index
    %swap3A_138 = tpu.vector_load %arg10[%swap3A_137] {strides = array<i32>} : memref<18432xf32, #tpu.memory_space<vmem>>, vector<16xf32>,
    tpu.vector_store %arg10[%swap3A_137], %broadcast_in_dim3A_136 {strides = array<i32>} : memref<18432xf32, #tpu.memory_space<vmem>>, vector<16xf32>,
    %broadcast_in_dim3A_139 = arith.constant 0.000000e+00 : f32
    %broadcast_in_dim3A_140 = vector.broadcast %broadcast_in_dim3A_139 : f32 to vector<16xf32>
    %swap3A_141 = arith.constant 16608 : index
    %swap3A_142 = tpu.vector_load %arg11[%swap3A_141] {strides = array<i32>} : memref<18432xf32, #tpu.memory_space<vmem>>, vector<16xf32>,
    tpu.vector_store %arg11[%swap3A_141], %broadcast_in_dim3A_140 {strides = array<i32>} : memref<18432xf32, #tpu.memory_space<vmem>>, vector<16xf32>,
    %broadcast_in_dim3A_143 = arith.constant 0.000000e+00 : f32
    %broadcast_in_dim3A_144 = vector.broadcast %broadcast_in_dim3A_143 : f32 to vector<16xf32>
    %swap3A_145 = arith.constant 16624 : index
    %swap3A_146 = tpu.vector_load %arg10[%swap3A_145] {strides = array<i32>} : memref<18432xf32, #tpu.memory_space<vmem>>, vector<16xf32>,
    tpu.vector_store %arg10[%swap3A_145], %broadcast_in_dim3A_144 {strides = array<i32>} : memref<18432xf32, #tpu.memory_space<vmem>>, vector<16xf32>,
    %broadcast_in_dim3A_147 = arith.constant 0.000000e+00 : f32
    %broadcast_in_dim3A_148 = vector.broadcast %broadcast_in_dim3A_147 : f32 to vector<16xf32>
    %swap3A_149 = arith.constant 16624 : index
    %swap3A_150 = tpu.vector_load %arg11[%swap3A_149] {strides = array<i32>} : memref<18432xf32, #tpu.memory_space<vmem>>, vector<16xf32>,
    tpu.vector_store %arg11[%swap3A_149], %broadcast_in_dim3A_148 {strides = array<i32>} : memref<18432xf32, #tpu.memory_space<vmem>>, vector<16xf32>,
    %iota3A = tpu.iota {dimensions = array<i32: 0>} : vector<16xi32>
    %mul3A_151 = arith.constant 256 : i32
    %mul3A_152 = vector.broadcast %mul3A_151 : i32 to vector<16xi32>
    %mul3A_153 = arith.muli %iota3A, %mul3A_152 : vector<16xi32>
    %get3A = arith.constant 0 : index
    %get3A_154 = tpu.vector_load %arg9[%get3A] {strides = array<i32>} : memref<3584xi32, #tpu.memory_space<vmem>>, vector<16xi32>,
    %slice3A = vector.extract_strided_slice %get3A_154 {offsets = [0], sizes = [1], strides = [1]} : vector<16xi32> to vector<1xi32>
    %squeeze3A = vector.extract %slice3A[0] : i32 from vector<1xi32>
    %max3A = arith.constant 0 : i32
    %max3A_155 = arith.maxsi %squeeze3A, %max3A : i32
    %jit3A_156 = arith.constant 8 : i32
    %div3A_157 = arith.divsi %max3A_155, %jit3A_156 : i32
    %sign3A_158 = arith.constant 0 : i32
    %sign3A_159 = arith.cmpi sgt, %max3A_155, %sign3A_158 : i32
    %sign3A_160 = arith.extui %sign3A_159 : i1 to i32
    %sign3A_161 = arith.constant 0 : i32
    %sign3A_162 = arith.cmpi slt, %max3A_155, %sign3A_161 : i32
    %sign3A_163 = arith.extui %sign3A_162 : i1 to i32
    %sign3A_164 = arith.subi %sign3A_160, %sign3A_163 : i32
    %sign3A_165 = arith.constant 0 : i32
    %sign3A_166 = arith.cmpi sgt, %jit3A_156, %sign3A_165 : i32
    %sign3A_167 = arith.extui %sign3A_166 : i1 to i32
    %sign3A_168 = arith.constant 0 : i32
    %sign3A_169 = arith.cmpi slt, %jit3A_156, %sign3A_168 : i32
    %sign3A_170 = arith.extui %sign3A_169 : i1 to i32
    %sign3A_171 = arith.subi %sign3A_167, %sign3A_170 : i32
    %ne3A_172 = arith.cmpi ne, %sign3A_164, %sign3A_171 : i32
    %rem3A_173 = arith.remsi %max3A_155, %jit3A_156 : i32
    %ne3A_174 = arith.constant 0 : i32
    %ne3A_175 = arith.cmpi ne, %rem3A_173, %ne3A_174 : i32
    %and3A_176 = arith.andi %ne3A_172, %ne3A_175 : i1
    %sub3A_177 = arith.constant 1 : i32
    %sub3A_178 = arith.subi %div3A_157, %sub3A_177 : i32
    %select_n3A_179 = arith.select %and3A_176, %sub3A_178, %div3A_157 : i32
    %mul3A_180 = arith.constant 8 : i32
    %mul3A_181 = arith.muli %select_n3A_179, %mul3A_180 : i32
    %min3A = arith.constant 1984 : i32
    %min3A_182 = arith.minsi %mul3A_181, %min3A : i32
    %add3A_183 = arith.addi %mul3A_24, %min3A_182 : i32
    %mul3A_184 = arith.constant 256 : i32
    %mul3A_185 = arith.muli %add3A_183, %mul3A_184 : i32
    %multiple_of3A = tpu.assume_multiple %mul3A_185, 256 : i32
    %dma_start3A = arith.constant 0 : i32
    %dma_start3A_186 = tpu.memref_slice %arg10[%dma_start3A] : memref<18432xf32, #tpu.memory_space<vmem>> -> memref<16384xf32, #tpu.memory_space<vmem>>
    %dma_start3A_187 = tpu.memref_slice %arg2[%multiple_of3A] : memref<4194304xf32, #tpu.memory_space<hbm>> -> memref<16384xf32, #tpu.memory_space<hbm>>
    %dma_start3A_188 = arith.constant 0 : i32
    %dma_start3A_189 = tpu.memref_slice %arg10[%dma_start3A_188] : memref<18432xf32, #tpu.memory_space<vmem>> -> memref<16384xf32, #tpu.memory_space<vmem>>
    %dma_start3A_190 = tpu.memref_slice %arg2[%multiple_of3A] : memref<4194304xf32, #tpu.memory_space<hbm>> -> memref<16384xf32, #tpu.memory_space<hbm>>
    tpu.enqueue_dma source(%dma_start3A_190 : memref<16384xf32, #tpu.memory_space<hbm>>) target(%dma_start3A_189 : memref<16384xf32, #tpu.memory_space<vmem>>) target_semaphore(%arg17 : memref<!tpu.dma_semaphore, #tpu.memory_space<semaphore_mem>>)
    %scan3A = arith.constant 0 : i32
    %scan3A_191 = arith.constant 0 : i32
    %scan3A_192 = arith.constant 14 : i32
    %scan3A_193 = arith.addi %scan3A_191, %scan3A_192 : i32
    %scan3A_194 = arith.constant 1 : i32
    scf.for %scan3A_211 = %scan3A_191 to %scan3A_193 step %scan3A_194  : i32 {
      %mul3A_212 = arith.constant 2 : i32
      %mul3A_213 = arith.muli %mul3A_212, %scan3A_211 : i32
      %add3A_214 = arith.constant 0 : i32
      %add3A_215 = arith.addi %mul3A_213, %add3A_214 : i32
      %add3A_216 = arith.constant 0 : i32
      %add3A_217 = arith.addi %mul3A_24, %add3A_216 : i32
      %mul3A_218 = arith.constant 256 : i32
      %mul3A_219 = arith.muli %add3A_217, %mul3A_218 : i32
      %multiple_of3A_220 = tpu.assume_multiple %mul3A_219, 256 : i32
      %dma_wait3A_221 = arith.constant 0 : i32
      %dma_wait3A_222 = tpu.memref_slice %arg10[%dma_wait3A_221] : memref<18432xf32, #tpu.memory_space<vmem>> -> memref<16384xf32, #tpu.memory_space<vmem>>
      %dma_wait3A_223 = tpu.memref_slice %arg2[%multiple_of3A_220] : memref<4194304xf32, #tpu.memory_space<hbm>> -> memref<16384xf32, #tpu.memory_space<hbm>>
      %dma_wait3A_224 = arith.constant 0 : i32
      %dma_wait3A_225 = tpu.memref_slice %arg10[%dma_wait3A_224] : memref<18432xf32, #tpu.memory_space<vmem>> -> memref<16384xf32, #tpu.memory_space<vmem>>
      %dma_wait3A_226 = tpu.memref_slice %arg2[%multiple_of3A_220] : memref<4194304xf32, #tpu.memory_space<hbm>> -> memref<16384xf32, #tpu.memory_space<hbm>>
      tpu.wait_dma2 semaphore(%arg17 : memref<!tpu.dma_semaphore, #tpu.memory_space<semaphore_mem>>) src(%dma_wait3A_226 : memref<16384xf32, #tpu.memory_space<hbm>>) dst(%dma_wait3A_225 : memref<16384xf32, #tpu.memory_space<vmem>>)
      %add3A_227 = arith.constant 1 : i32
      %add3A_228 = arith.addi %add3A_215, %add3A_227 : i32
      %lt3A_229 = arith.constant 28 : i32
      %lt3A_230 = arith.cmpi slt, %add3A_228, %lt3A_229 : i32
      %convert_element_type3A_231 = arith.extui %lt3A_230 : i1 to i32
      %cond3A_232 = arith.constant 0 : i32
      %cond3A_233 = arith.cmpi ne, %convert_element_type3A_231, %cond3A_232 : i32
      scf.if %cond3A_233 {
        %add3A_461 = arith.constant 1 : i32
        %add3A_462 = arith.addi %add3A_215, %add3A_461 : i32
        %mul3A_463 = arith.constant 128 : i32
        %mul3A_464 = arith.muli %add3A_462, %mul3A_463 : i32
        %get3A_465 = arith.index_cast %mul3A_464 : i32 to index
        %get3A_466 = tpu.vector_load %arg9[%get3A_465] {strides = array<i32>} : memref<3584xi32, #tpu.memory_space<vmem>>, vector<16xi32>,
        %slice3A_467 = vector.extract_strided_slice %get3A_466 {offsets = [0], sizes = [1], strides = [1]} : vector<16xi32> to vector<1xi32>
        %squeeze3A_468 = vector.extract %slice3A_467[0] : i32 from vector<1xi32>
        %max3A_469 = arith.constant 0 : i32
        %max3A_470 = arith.maxsi %squeeze3A_468, %max3A_469 : i32
        %jit3A_471 = arith.constant 8 : i32
        %div3A_472 = arith.divsi %max3A_470, %jit3A_471 : i32
        %sign3A_473 = arith.constant 0 : i32
        %sign3A_474 = arith.cmpi sgt, %max3A_470, %sign3A_473 : i32
        %sign3A_475 = arith.extui %sign3A_474 : i1 to i32
        %sign3A_476 = arith.constant 0 : i32
        %sign3A_477 = arith.cmpi slt, %max3A_470, %sign3A_476 : i32
        %sign3A_478 = arith.extui %sign3A_477 : i1 to i32
        %sign3A_479 = arith.subi %sign3A_475, %sign3A_478 : i32
        %sign3A_480 = arith.constant 0 : i32
        %sign3A_481 = arith.cmpi sgt, %jit3A_471, %sign3A_480 : i32
        %sign3A_482 = arith.extui %sign3A_481 : i1 to i32
        %sign3A_483 = arith.constant 0 : i32
        %sign3A_484 = arith.cmpi slt, %jit3A_471, %sign3A_483 : i32
        %sign3A_485 = arith.extui %sign3A_484 : i1 to i32
        %sign3A_486 = arith.subi %sign3A_482, %sign3A_485 : i32
        %ne3A_487 = arith.cmpi ne, %sign3A_479, %sign3A_486 : i32
        %rem3A_488 = arith.remsi %max3A_470, %jit3A_471 : i32
        %ne3A_489 = arith.constant 0 : i32
        %ne3A_490 = arith.cmpi ne, %rem3A_488, %ne3A_489 : i32
        %and3A_491 = arith.andi %ne3A_487, %ne3A_490 : i1
        %sub3A_492 = arith.constant 1 : i32
        %sub3A_493 = arith.subi %div3A_472, %sub3A_492 : i32
        %select_n3A_494 = arith.select %and3A_491, %sub3A_493, %div3A_472 : i32
        %mul3A_495 = arith.constant 8 : i32
        %mul3A_496 = arith.muli %select_n3A_494, %mul3A_495 : i32
        %min3A_497 = arith.constant 1984 : i32
        %min3A_498 = arith.minsi %mul3A_496, %min3A_497 : i32
        %add3A_499 = arith.addi %mul3A_24, %min3A_498 : i32
        %mul3A_500 = arith.constant 256 : i32
        %mul3A_501 = arith.muli %add3A_499, %mul3A_500 : i32
        %multiple_of3A_502 = tpu.assume_multiple %mul3A_501, 256 : i32
        %dma_start3A_503 = arith.constant 0 : i32
        %dma_start3A_504 = tpu.memref_slice %arg11[%dma_start3A_503] : memref<18432xf32, #tpu.memory_space<vmem>> -> memref<16384xf32, #tpu.memory_space<vmem>>
        %dma_start3A_505 = tpu.memref_slice %arg2[%multiple_of3A_502] : memref<4194304xf32, #tpu.memory_space<hbm>> -> memref<16384xf32, #tpu.memory_space<hbm>>
        %dma_start3A_506 = arith.constant 0 : i32
        %dma_start3A_507 = tpu.memref_slice %arg11[%dma_start3A_506] : memref<18432xf32, #tpu.memory_space<vmem>> -> memref<16384xf32, #tpu.memory_space<vmem>>
        %dma_start3A_508 = tpu.memref_slice %arg2[%multiple_of3A_502] : memref<4194304xf32, #tpu.memory_space<hbm>> -> memref<16384xf32, #tpu.memory_space<hbm>>
        tpu.enqueue_dma source(%dma_start3A_508 : memref<16384xf32, #tpu.memory_space<hbm>>) target(%dma_start3A_507 : memref<16384xf32, #tpu.memory_space<vmem>>) target_semaphore(%arg18 : memref<!tpu.dma_semaphore, #tpu.memory_space<semaphore_mem>>)
      } else {
      }
      %gt3A = arith.constant 0 : i32
      %gt3A_234 = arith.cmpi sgt, %scan3A_211, %gt3A : i32
      %convert_element_type3A_235 = arith.extui %gt3A_234 : i1 to i32
      %cond3A_236 = arith.constant 0 : i32
      %cond3A_237 = arith.cmpi ne, %convert_element_type3A_235, %cond3A_236 : i32
      scf.if %cond3A_237 {
        %add3A_461 = arith.addi %mul3A_2, %mul3A_4 : i32
        %mul3A_462 = arith.constant 128 : i32
        %mul3A_463 = arith.muli %add3A_215, %mul3A_462 : i32
        %add3A_464 = arith.addi %add3A_461, %mul3A_463 : i32
        %mul3A_465 = arith.constant 256 : i32
        %mul3A_466 = arith.muli %add3A_464, %mul3A_465 : i32
        %multiple_of3A_467 = tpu.assume_multiple %mul3A_466, 256 : i32
        %dma_wait3A_468 = tpu.memref_slice %arg4[%multiple_of3A_467] : memref<29360128xf32, #tpu.memory_space<hbm>> -> memref<32768xf32, #tpu.memory_space<hbm>>
        %dma_wait3A_469 = tpu.memref_slice %arg4[%multiple_of3A_467] : memref<29360128xf32, #tpu.memory_space<hbm>> -> memref<32768xf32, #tpu.memory_space<hbm>>
        tpu.wait_dma2 semaphore(%arg15 : memref<!tpu.dma_semaphore, #tpu.memory_space<semaphore_mem>>) src(%arg12 : memref<32768xf32, #tpu.memory_space<vmem>>) dst(%dma_wait3A_469 : memref<32768xf32, #tpu.memory_space<hbm>>)
      } else {
      }
      %mul3A_238 = arith.constant 128 : i32
      %mul3A_239 = arith.muli %add3A_215, %mul3A_238 : i32
      %get3A_240 = arith.index_cast %mul3A_239 : i32 to index
      %get3A_241 = tpu.vector_load %arg9[%get3A_240] {strides = array<i32>} : memref<3584xi32, #tpu.memory_space<vmem>>, vector<16xi32>,
      %add3A_242 = arith.constant 16 : i32
      %add3A_243 = arith.addi %mul3A_239, %add3A_242 : i32
      %get3A_244 = arith.index_cast %add3A_243 : i32 to index
      %get3A_245 = tpu.vector_load %arg9[%get3A_244] {strides = array<i32>} : memref<3584xi32, #tpu.memory_space<vmem>>, vector<16xi32>,
      %max3A_246 = arith.maxsi %get3A_241, %get3A_245 : vector<16xi32>
      %add3A_247 = arith.constant 32 : i32
      %add3A_248 = arith.addi %mul3A_239, %add3A_247 : i32
      %get3A_249 = arith.index_cast %add3A_248 : i32 to index
      %get3A_250 = tpu.vector_load %arg9[%get3A_249] {strides = array<i32>} : memref<3584xi32, #tpu.memory_space<vmem>>, vector<16xi32>,
      %max3A_251 = arith.maxsi %max3A_246, %get3A_250 : vector<16xi32>
      %add3A_252 = arith.constant 48 : i32
      %add3A_253 = arith.addi %mul3A_239, %add3A_252 : i32
      %get3A_254 = arith.index_cast %add3A_253 : i32 to index
      %get3A_255 = tpu.vector_load %arg9[%get3A_254] {strides = array<i32>} : memref<3584xi32, #tpu.memory_space<vmem>>, vector<16xi32>,
      %max3A_256 = arith.maxsi %max3A_251, %get3A_255 : vector<16xi32>
      %add3A_257 = arith.constant 64 : i32
      %add3A_258 = arith.addi %mul3A_239, %add3A_257 : i32
      %get3A_259 = arith.index_cast %add3A_258 : i32 to index
      %get3A_260 = tpu.vector_load %arg9[%get3A_259] {strides = array<i32>} : memref<3584xi32, #tpu.memory_space<vmem>>, vector<16xi32>,
      %max3A_261 = arith.maxsi %max3A_256, %get3A_260 : vector<16xi32>
      %add3A_262 = arith.constant 80 : i32
      %add3A_263 = arith.addi %mul3A_239, %add3A_262 : i32
      %get3A_264 = arith.index_cast %add3A_263 : i32 to index
      %get3A_265 = tpu.vector_load %arg9[%get3A_264] {strides = array<i32>} : memref<3584xi32, #tpu.memory_space<vmem>>, vector<16xi32>,
      %max3A_266 = arith.maxsi %max3A_261, %get3A_265 : vector<16xi32>
      %add3A_267 = arith.constant 96 : i32
      %add3A_268 = arith.addi %mul3A_239, %add3A_267 : i32
      %get3A_269 = arith.index_cast %add3A_268 : i32 to index
      %get3A_270 = tpu.vector_load %arg9[%get3A_269] {strides = array<i32>} : memref<3584xi32, #tpu.memory_space<vmem>>, vector<16xi32>,
      %max3A_271 = arith.maxsi %max3A_266, %get3A_270 : vector<16xi32>
      %add3A_272 = arith.constant 112 : i32
      %add3A_273 = arith.addi %mul3A_239, %add3A_272 : i32
      %get3A_274 = arith.index_cast %add3A_273 : i32 to index
      %get3A_275 = tpu.vector_load %arg9[%get3A_274] {strides = array<i32>} : memref<3584xi32, #tpu.memory_space<vmem>>, vector<16xi32>,
      %max3A_276 = arith.maxsi %max3A_271, %get3A_275 : vector<16xi32>
      %reduce_max3A = arith.constant true
      %reduce_max3A_277 = vector.broadcast %reduce_max3A : i1 to vector<16xi1>
      %reduce_max3A_278 = arith.constant -2147483648 : i32
      %reduce_max3A_279 = vector.broadcast %reduce_max3A_278 : i32 to vector<16xi32>
      %reduce_max3A_280 = arith.xori %max3A_276, %reduce_max3A_279 : vector<16xi32>
      %reduce_max3A_281 = tpu.scan <max>, %reduce_max3A_280 masked %reduce_max3A_277 : vector<16xi32>, vector<16xi1> -> vector<16xi32>
      %reduce_max3A_282 = arith.xori %reduce_max3A_281, %reduce_max3A_279 : vector<16xi32>
      %reduce_max3A_283 = vector.extract %reduce_max3A_282[15] : i32 from vector<16xi32>
      %mul3A_284 = arith.constant 128 : i32
      %mul3A_285 = arith.muli %add3A_215, %mul3A_284 : i32
      %get3A_286 = arith.index_cast %mul3A_285 : i32 to index
      %get3A_287 = tpu.vector_load %arg9[%get3A_286] {strides = array<i32>} : memref<3584xi32, #tpu.memory_space<vmem>>, vector<16xi32>,
      %slice3A_288 = vector.extract_strided_slice %get3A_287 {offsets = [0], sizes = [1], strides = [1]} : vector<16xi32> to vector<1xi32>
      %squeeze3A_289 = vector.extract %slice3A_288[0] : i32 from vector<1xi32>
      %max3A_290 = arith.constant 0 : i32
      %max3A_291 = arith.maxsi %squeeze3A_289, %max3A_290 : i32
      %jit3A_292 = arith.constant 8 : i32
      %div3A_293 = arith.divsi %max3A_291, %jit3A_292 : i32
      %sign3A_294 = arith.constant 0 : i32
      %sign3A_295 = arith.cmpi sgt, %max3A_291, %sign3A_294 : i32
      %sign3A_296 = arith.extui %sign3A_295 : i1 to i32
      %sign3A_297 = arith.constant 0 : i32
      %sign3A_298 = arith.cmpi slt, %max3A_291, %sign3A_297 : i32
      %sign3A_299 = arith.extui %sign3A_298 : i1 to i32
      %sign3A_300 = arith.subi %sign3A_296, %sign3A_299 : i32
      %sign3A_301 = arith.constant 0 : i32
      %sign3A_302 = arith.cmpi sgt, %jit3A_292, %sign3A_301 : i32
      %sign3A_303 = arith.extui %sign3A_302 : i1 to i32
      %sign3A_304 = arith.constant 0 : i32
      %sign3A_305 = arith.cmpi slt, %jit3A_292, %sign3A_304 : i32
      %sign3A_306 = arith.extui %sign3A_305 : i1 to i32
      %sign3A_307 = arith.subi %sign3A_303, %sign3A_306 : i32
      %ne3A_308 = arith.cmpi ne, %sign3A_300, %sign3A_307 : i32
      %rem3A_309 = arith.remsi %max3A_291, %jit3A_292 : i32
      %ne3A_310 = arith.constant 0 : i32
      %ne3A_311 = arith.cmpi ne, %rem3A_309, %ne3A_310 : i32
      %and3A_312 = arith.andi %ne3A_308, %ne3A_311 : i1
      %sub3A_313 = arith.constant 1 : i32
      %sub3A_314 = arith.subi %div3A_293, %sub3A_313 : i32
      %select_n3A_315 = arith.select %and3A_312, %sub3A_314, %div3A_293 : i32
      %mul3A_316 = arith.constant 8 : i32
      %mul3A_317 = arith.muli %select_n3A_315, %mul3A_316 : i32
      %min3A_318 = arith.constant 1984 : i32
      %min3A_319 = arith.minsi %mul3A_317, %min3A_318 : i32
      %scan3A_320 = arith.constant 0 : i32
      %scan3A_321 = arith.constant 0 : i32
      %scan3A_322 = arith.constant 8 : i32
      %scan3A_323 = arith.addi %scan3A_321, %scan3A_322 : i32
      %scan3A_324 = arith.constant 1 : i32
      scf.for %scan3A_461 = %scan3A_321 to %scan3A_323 step %scan3A_324  : i32 {
        %mul3A_462 = arith.constant 16 : i32
        %mul3A_463 = arith.muli %scan3A_461, %mul3A_462 : i32
        %add3A_464 = arith.addi %mul3A_239, %mul3A_463 : i32
        %get3A_465 = arith.index_cast %add3A_464 : i32 to index
        %get3A_466 = tpu.vector_load %arg9[%get3A_465] {strides = array<i32>} : memref<3584xi32, #tpu.memory_space<vmem>>, vector<16xi32>,
        %lt3A_467 = arith.constant 0 : i32
        %lt3A_468 = vector.broadcast %lt3A_467 : i32 to vector<16xi32>
        %lt3A_469 = arith.cmpi slt, %get3A_466, %lt3A_468 : vector<16xi32>
        %add3A_470 = arith.constant 64 : i32
        %add3A_471 = arith.addi %min3A_319, %add3A_470 : i32
        %broadcast_in_dim3A_472 = vector.broadcast %add3A_471 : i32 to vector<16xi32>
        %select_n3A_473 = arith.select %lt3A_469, %broadcast_in_dim3A_472, %get3A_466 : vector<16xi1>, vector<16xi32>
        %sub3A_474 = vector.broadcast %min3A_319 : i32 to vector<16xi32>
        %sub3A_475 = arith.subi %select_n3A_473, %sub3A_474 : vector<16xi32>
        %min3A_476 = arith.constant 64 : i32
        %min3A_477 = vector.broadcast %min3A_476 : i32 to vector<16xi32>
        %min3A_478 = arith.minsi %sub3A_475, %min3A_477 : vector<16xi32>
        %ge3A = arith.constant 0 : i32
        %ge3A_479 = vector.broadcast %ge3A : i32 to vector<16xi32>
        %ge3A_480 = arith.cmpi sge, %min3A_478, %ge3A_479 : vector<16xi32>
        %max3A_481 = arith.constant 0 : i32
        %max3A_482 = vector.broadcast %max3A_481 : i32 to vector<16xi32>
        %max3A_483 = arith.maxsi %min3A_478, %max3A_482 : vector<16xi32>
        %mul3A_484 = arith.constant 256 : i32
        %mul3A_485 = vector.broadcast %mul3A_484 : i32 to vector<16xi32>
        %mul3A_486 = arith.muli %max3A_483, %mul3A_485 : vector<16xi32>
        %mul3A_487 = arith.constant 4096 : i32
        %mul3A_488 = arith.muli %scan3A_461, %mul3A_487 : i32
        %add3A_489 = vector.broadcast %mul3A_488 : i32 to vector<16xi32>
        %add3A_490 = arith.addi %mul3A_153, %add3A_489 : vector<16xi32>
        %scan3A_491 = arith.constant 0 : i32
        %scan3A_492 = arith.constant 0 : i32
        %scan3A_493 = arith.constant 16 : i32
        %scan3A_494 = arith.addi %scan3A_492, %scan3A_493 : i32
        %scan3A_495 = arith.constant 1 : i32
        scf.for %scan3A_497 = %scan3A_492 to %scan3A_494 step %scan3A_495  : i32 {
          %mul3A_498 = arith.constant 16 : i32
          %mul3A_499 = arith.muli %scan3A_497, %mul3A_498 : i32
          %add3A_500 = arith.constant 0 : i32
          %add3A_501 = arith.addi %mul3A_499, %add3A_500 : i32
          %add3A_502 = vector.broadcast %add3A_501 : i32 to vector<16xi32>
          %add3A_503 = arith.addi %mul3A_486, %add3A_502 : vector<16xi32>
          %add3A_504 = arith.constant 0 : i32
          %add3A_505 = arith.addi %mul3A_499, %add3A_504 : i32
          %add3A_506 = vector.broadcast %add3A_505 : i32 to vector<16xi32>
          %add3A_507 = arith.addi %add3A_490, %add3A_506 : vector<16xi32>
          %gather3A = tpu.vector_load_idx %arg10[%add3A_503] : memref<18432xf32, #tpu.memory_space<vmem>>[vector<16xi32>], vector<16xf32>,
          tpu.vector_store_idx %arg12[%add3A_507], %gather3A masked %ge3A_480 : memref<32768xf32, #tpu.memory_space<vmem>>[vector<16xi32>], vector<16xf32>, vector<16xi1>
          %add3A_508 = arith.constant 1 : i32
          %add3A_509 = arith.addi %mul3A_499, %add3A_508 : i32
          %add3A_510 = vector.broadcast %add3A_509 : i32 to vector<16xi32>
          %add3A_511 = arith.addi %mul3A_486, %add3A_510 : vector<16xi32>
          %add3A_512 = arith.constant 1 : i32
          %add3A_513 = arith.addi %mul3A_499, %add3A_512 : i32
          %add3A_514 = vector.broadcast %add3A_513 : i32 to vector<16xi32>
          %add3A_515 = arith.addi %add3A_490, %add3A_514 : vector<16xi32>
          %gather3A_516 = tpu.vector_load_idx %arg10[%add3A_511] : memref<18432xf32, #tpu.memory_space<vmem>>[vector<16xi32>], vector<16xf32>,
          tpu.vector_store_idx %arg12[%add3A_515], %gather3A_516 masked %ge3A_480 : memref<32768xf32, #tpu.memory_space<vmem>>[vector<16xi32>], vector<16xf32>, vector<16xi1>
          %add3A_517 = arith.constant 2 : i32
          %add3A_518 = arith.addi %mul3A_499, %add3A_517 : i32
          %add3A_519 = vector.broadcast %add3A_518 : i32 to vector<16xi32>
          %add3A_520 = arith.addi %mul3A_486, %add3A_519 : vector<16xi32>
          %add3A_521 = arith.constant 2 : i32
          %add3A_522 = arith.addi %mul3A_499, %add3A_521 : i32
          %add3A_523 = vector.broadcast %add3A_522 : i32 to vector<16xi32>
          %add3A_524 = arith.addi %add3A_490, %add3A_523 : vector<16xi32>
          %gather3A_525 = tpu.vector_load_idx %arg10[%add3A_520] : memref<18432xf32, #tpu.memory_space<vmem>>[vector<16xi32>], vector<16xf32>,
          tpu.vector_store_idx %arg12[%add3A_524], %gather3A_525 masked %ge3A_480 : memref<32768xf32, #tpu.memory_space<vmem>>[vector<16xi32>], vector<16xf32>, vector<16xi1>
          %add3A_526 = arith.constant 3 : i32
          %add3A_527 = arith.addi %mul3A_499, %add3A_526 : i32
          %add3A_528 = vector.broadcast %add3A_527 : i32 to vector<16xi32>
          %add3A_529 = arith.addi %mul3A_486, %add3A_528 : vector<16xi32>
          %add3A_530 = arith.constant 3 : i32
          %add3A_531 = arith.addi %mul3A_499, %add3A_530 : i32
          %add3A_532 = vector.broadcast %add3A_531 : i32 to vector<16xi32>
          %add3A_533 = arith.addi %add3A_490, %add3A_532 : vector<16xi32>
          %gather3A_534 = tpu.vector_load_idx %arg10[%add3A_529] : memref<18432xf32, #tpu.memory_space<vmem>>[vector<16xi32>], vector<16xf32>,
          tpu.vector_store_idx %arg12[%add3A_533], %gather3A_534 masked %ge3A_480 : memref<32768xf32, #tpu.memory_space<vmem>>[vector<16xi32>], vector<16xf32>, vector<16xi1>
          %add3A_535 = arith.constant 4 : i32
          %add3A_536 = arith.addi %mul3A_499, %add3A_535 : i32
          %add3A_537 = vector.broadcast %add3A_536 : i32 to vector<16xi32>
          %add3A_538 = arith.addi %mul3A_486, %add3A_537 : vector<16xi32>
          %add3A_539 = arith.constant 4 : i32
          %add3A_540 = arith.addi %mul3A_499, %add3A_539 : i32
          %add3A_541 = vector.broadcast %add3A_540 : i32 to vector<16xi32>
          %add3A_542 = arith.addi %add3A_490, %add3A_541 : vector<16xi32>
          %gather3A_543 = tpu.vector_load_idx %arg10[%add3A_538] : memref<18432xf32, #tpu.memory_space<vmem>>[vector<16xi32>], vector<16xf32>,
          tpu.vector_store_idx %arg12[%add3A_542], %gather3A_543 masked %ge3A_480 : memref<32768xf32, #tpu.memory_space<vmem>>[vector<16xi32>], vector<16xf32>, vector<16xi1>
          %add3A_544 = arith.constant 5 : i32
          %add3A_545 = arith.addi %mul3A_499, %add3A_544 : i32
          %add3A_546 = vector.broadcast %add3A_545 : i32 to vector<16xi32>
          %add3A_547 = arith.addi %mul3A_486, %add3A_546 : vector<16xi32>
          %add3A_548 = arith.constant 5 : i32
          %add3A_549 = arith.addi %mul3A_499, %add3A_548 : i32
          %add3A_550 = vector.broadcast %add3A_549 : i32 to vector<16xi32>
          %add3A_551 = arith.addi %add3A_490, %add3A_550 : vector<16xi32>
          %gather3A_552 = tpu.vector_load_idx %arg10[%add3A_547] : memref<18432xf32, #tpu.memory_space<vmem>>[vector<16xi32>], vector<16xf32>,
          tpu.vector_store_idx %arg12[%add3A_551], %gather3A_552 masked %ge3A_480 : memref<32768xf32, #tpu.memory_space<vmem>>[vector<16xi32>], vector<16xf32>, vector<16xi1>
          %add3A_553 = arith.constant 6 : i32
          %add3A_554 = arith.addi %mul3A_499, %add3A_553 : i32
          %add3A_555 = vector.broadcast %add3A_554 : i32 to vector<16xi32>
          %add3A_556 = arith.addi %mul3A_486, %add3A_555 : vector<16xi32>
          %add3A_557 = arith.constant 6 : i32
          %add3A_558 = arith.addi %mul3A_499, %add3A_557 : i32
          %add3A_559 = vector.broadcast %add3A_558 : i32 to vector<16xi32>
          %add3A_560 = arith.addi %add3A_490, %add3A_559 : vector<16xi32>
          %gather3A_561 = tpu.vector_load_idx %arg10[%add3A_556] : memref<18432xf32, #tpu.memory_space<vmem>>[vector<16xi32>], vector<16xf32>,
          tpu.vector_store_idx %arg12[%add3A_560], %gather3A_561 masked %ge3A_480 : memref<32768xf32, #tpu.memory_space<vmem>>[vector<16xi32>], vector<16xf32>, vector<16xi1>
          %add3A_562 = arith.constant 7 : i32
          %add3A_563 = arith.addi %mul3A_499, %add3A_562 : i32
          %add3A_564 = vector.broadcast %add3A_563 : i32 to vector<16xi32>
          %add3A_565 = arith.addi %mul3A_486, %add3A_564 : vector<16xi32>
          %add3A_566 = arith.constant 7 : i32
          %add3A_567 = arith.addi %mul3A_499, %add3A_566 : i32
          %add3A_568 = vector.broadcast %add3A_567 : i32 to vector<16xi32>
          %add3A_569 = arith.addi %add3A_490, %add3A_568 : vector<16xi32>
          %gather3A_570 = tpu.vector_load_idx %arg10[%add3A_565] : memref<18432xf32, #tpu.memory_space<vmem>>[vector<16xi32>], vector<16xf32>,
          tpu.vector_store_idx %arg12[%add3A_569], %gather3A_570 masked %ge3A_480 : memref<32768xf32, #tpu.memory_space<vmem>>[vector<16xi32>], vector<16xf32>, vector<16xi1>
          %add3A_571 = arith.constant 8 : i32
          %add3A_572 = arith.addi %mul3A_499, %add3A_571 : i32
          %add3A_573 = vector.broadcast %add3A_572 : i32 to vector<16xi32>
          %add3A_574 = arith.addi %mul3A_486, %add3A_573 : vector<16xi32>
          %add3A_575 = arith.constant 8 : i32
          %add3A_576 = arith.addi %mul3A_499, %add3A_575 : i32
          %add3A_577 = vector.broadcast %add3A_576 : i32 to vector<16xi32>
          %add3A_578 = arith.addi %add3A_490, %add3A_577 : vector<16xi32>
          %gather3A_579 = tpu.vector_load_idx %arg10[%add3A_574] : memref<18432xf32, #tpu.memory_space<vmem>>[vector<16xi32>], vector<16xf32>,
          tpu.vector_store_idx %arg12[%add3A_578], %gather3A_579 masked %ge3A_480 : memref<32768xf32, #tpu.memory_space<vmem>>[vector<16xi32>], vector<16xf32>, vector<16xi1>
          %add3A_580 = arith.constant 9 : i32
          %add3A_581 = arith.addi %mul3A_499, %add3A_580 : i32
          %add3A_582 = vector.broadcast %add3A_581 : i32 to vector<16xi32>
          %add3A_583 = arith.addi %mul3A_486, %add3A_582 : vector<16xi32>
          %add3A_584 = arith.constant 9 : i32
          %add3A_585 = arith.addi %mul3A_499, %add3A_584 : i32
          %add3A_586 = vector.broadcast %add3A_585 : i32 to vector<16xi32>
          %add3A_587 = arith.addi %add3A_490, %add3A_586 : vector<16xi32>
          %gather3A_588 = tpu.vector_load_idx %arg10[%add3A_583] : memref<18432xf32, #tpu.memory_space<vmem>>[vector<16xi32>], vector<16xf32>,
          tpu.vector_store_idx %arg12[%add3A_587], %gather3A_588 masked %ge3A_480 : memref<32768xf32, #tpu.memory_space<vmem>>[vector<16xi32>], vector<16xf32>, vector<16xi1>
          %add3A_589 = arith.constant 10 : i32
          %add3A_590 = arith.addi %mul3A_499, %add3A_589 : i32
          %add3A_591 = vector.broadcast %add3A_590 : i32 to vector<16xi32>
          %add3A_592 = arith.addi %mul3A_486, %add3A_591 : vector<16xi32>
          %add3A_593 = arith.constant 10 : i32
          %add3A_594 = arith.addi %mul3A_499, %add3A_593 : i32
          %add3A_595 = vector.broadcast %add3A_594 : i32 to vector<16xi32>
          %add3A_596 = arith.addi %add3A_490, %add3A_595 : vector<16xi32>
          %gather3A_597 = tpu.vector_load_idx %arg10[%add3A_592] : memref<18432xf32, #tpu.memory_space<vmem>>[vector<16xi32>], vector<16xf32>,
          tpu.vector_store_idx %arg12[%add3A_596], %gather3A_597 masked %ge3A_480 : memref<32768xf32, #tpu.memory_space<vmem>>[vector<16xi32>], vector<16xf32>, vector<16xi1>
          %add3A_598 = arith.constant 11 : i32
          %add3A_599 = arith.addi %mul3A_499, %add3A_598 : i32
          %add3A_600 = vector.broadcast %add3A_599 : i32 to vector<16xi32>
          %add3A_601 = arith.addi %mul3A_486, %add3A_600 : vector<16xi32>
          %add3A_602 = arith.constant 11 : i32
          %add3A_603 = arith.addi %mul3A_499, %add3A_602 : i32
          %add3A_604 = vector.broadcast %add3A_603 : i32 to vector<16xi32>
          %add3A_605 = arith.addi %add3A_490, %add3A_604 : vector<16xi32>
          %gather3A_606 = tpu.vector_load_idx %arg10[%add3A_601] : memref<18432xf32, #tpu.memory_space<vmem>>[vector<16xi32>], vector<16xf32>,
          tpu.vector_store_idx %arg12[%add3A_605], %gather3A_606 masked %ge3A_480 : memref<32768xf32, #tpu.memory_space<vmem>>[vector<16xi32>], vector<16xf32>, vector<16xi1>
          %add3A_607 = arith.constant 12 : i32
          %add3A_608 = arith.addi %mul3A_499, %add3A_607 : i32
          %add3A_609 = vector.broadcast %add3A_608 : i32 to vector<16xi32>
          %add3A_610 = arith.addi %mul3A_486, %add3A_609 : vector<16xi32>
          %add3A_611 = arith.constant 12 : i32
          %add3A_612 = arith.addi %mul3A_499, %add3A_611 : i32
          %add3A_613 = vector.broadcast %add3A_612 : i32 to vector<16xi32>
          %add3A_614 = arith.addi %add3A_490, %add3A_613 : vector<16xi32>
          %gather3A_615 = tpu.vector_load_idx %arg10[%add3A_610] : memref<18432xf32, #tpu.memory_space<vmem>>[vector<16xi32>], vector<16xf32>,
          tpu.vector_store_idx %arg12[%add3A_614], %gather3A_615 masked %ge3A_480 : memref<32768xf32, #tpu.memory_space<vmem>>[vector<16xi32>], vector<16xf32>, vector<16xi1>
          %add3A_616 = arith.constant 13 : i32
          %add3A_617 = arith.addi %mul3A_499, %add3A_616 : i32
          %add3A_618 = vector.broadcast %add3A_617 : i32 to vector<16xi32>
          %add3A_619 = arith.addi %mul3A_486, %add3A_618 : vector<16xi32>
          %add3A_620 = arith.constant 13 : i32
          %add3A_621 = arith.addi %mul3A_499, %add3A_620 : i32
          %add3A_622 = vector.broadcast %add3A_621 : i32 to vector<16xi32>
          %add3A_623 = arith.addi %add3A_490, %add3A_622 : vector<16xi32>
          %gather3A_624 = tpu.vector_load_idx %arg10[%add3A_619] : memref<18432xf32, #tpu.memory_space<vmem>>[vector<16xi32>], vector<16xf32>,
          tpu.vector_store_idx %arg12[%add3A_623], %gather3A_624 masked %ge3A_480 : memref<32768xf32, #tpu.memory_space<vmem>>[vector<16xi32>], vector<16xf32>, vector<16xi1>
          %add3A_625 = arith.constant 14 : i32
          %add3A_626 = arith.addi %mul3A_499, %add3A_625 : i32
          %add3A_627 = vector.broadcast %add3A_626 : i32 to vector<16xi32>
          %add3A_628 = arith.addi %mul3A_486, %add3A_627 : vector<16xi32>
          %add3A_629 = arith.constant 14 : i32
          %add3A_630 = arith.addi %mul3A_499, %add3A_629 : i32
          %add3A_631 = vector.broadcast %add3A_630 : i32 to vector<16xi32>
          %add3A_632 = arith.addi %add3A_490, %add3A_631 : vector<16xi32>
          %gather3A_633 = tpu.vector_load_idx %arg10[%add3A_628] : memref<18432xf32, #tpu.memory_space<vmem>>[vector<16xi32>], vector<16xf32>,
          tpu.vector_store_idx %arg12[%add3A_632], %gather3A_633 masked %ge3A_480 : memref<32768xf32, #tpu.memory_space<vmem>>[vector<16xi32>], vector<16xf32>, vector<16xi1>
          %add3A_634 = arith.constant 15 : i32
          %add3A_635 = arith.addi %mul3A_499, %add3A_634 : i32
          %add3A_636 = vector.broadcast %add3A_635 : i32 to vector<16xi32>
          %add3A_637 = arith.addi %mul3A_486, %add3A_636 : vector<16xi32>
          %add3A_638 = arith.constant 15 : i32
          %add3A_639 = arith.addi %mul3A_499, %add3A_638 : i32
          %add3A_640 = vector.broadcast %add3A_639 : i32 to vector<16xi32>
          %add3A_641 = arith.addi %add3A_490, %add3A_640 : vector<16xi32>
          %gather3A_642 = tpu.vector_load_idx %arg10[%add3A_637] : memref<18432xf32, #tpu.memory_space<vmem>>[vector<16xi32>], vector<16xf32>,
          tpu.vector_store_idx %arg12[%add3A_641], %gather3A_642 masked %ge3A_480 : memref<32768xf32, #tpu.memory_space<vmem>>[vector<16xi32>], vector<16xf32>, vector<16xi1>
        }
        %scan3A_496 = arith.constant 16 : i32
      }
      %scan3A_325 = arith.constant 8 : i32
      %while3A = scf.while (%while3A_461 = %min3A_319) : (i32) -> i32 {
        %add3A_462 = arith.constant 64 : i32
        %add3A_463 = arith.addi %while3A_461, %add3A_462 : i32
        %le3A = arith.cmpi sle, %add3A_463, %reduce_max3A_283 : i32
        scf.condition(%le3A) %while3A_461 : i32
      } do {
      ^bb0(%while3A_461: i32):
        %add3A_462 = arith.constant 64 : i32
        %add3A_463 = arith.addi %while3A_461, %add3A_462 : i32
        %min3A_464 = arith.constant 1984 : i32
        %min3A_465 = arith.minsi %add3A_463, %min3A_464 : i32
        %add3A_466 = arith.addi %mul3A_24, %min3A_465 : i32
        %mul3A_467 = arith.constant 256 : i32
        %mul3A_468 = arith.muli %add3A_466, %mul3A_467 : i32
        %multiple_of3A_469 = tpu.assume_multiple %mul3A_468, 256 : i32
        "tpu.region"() ({
          %run_scoped3A = tpu.sem_alloc : memref<!tpu.dma_semaphore, #tpu.memory_space<semaphore_mem>>
          %dma_start3A_476 = arith.constant 0 : i32
          %dma_start3A_477 = tpu.memref_slice %arg10[%dma_start3A_476] : memref<18432xf32, #tpu.memory_space<vmem>> -> memref<16384xf32, #tpu.memory_space<vmem>>
          %dma_start3A_478 = tpu.memref_slice %arg2[%multiple_of3A_469] : memref<4194304xf32, #tpu.memory_space<hbm>> -> memref<16384xf32, #tpu.memory_space<hbm>>
          %dma_start3A_479 = arith.constant 0 : i32
          %dma_start3A_480 = tpu.memref_slice %arg10[%dma_start3A_479] : memref<18432xf32, #tpu.memory_space<vmem>> -> memref<16384xf32, #tpu.memory_space<vmem>>
          %dma_start3A_481 = tpu.memref_slice %arg2[%multiple_of3A_469] : memref<4194304xf32, #tpu.memory_space<hbm>> -> memref<16384xf32, #tpu.memory_space<hbm>>
          tpu.enqueue_dma source(%dma_start3A_481 : memref<16384xf32, #tpu.memory_space<hbm>>) target(%dma_start3A_480 : memref<16384xf32, #tpu.memory_space<vmem>>) target_semaphore(%run_scoped3A : memref<!tpu.dma_semaphore, #tpu.memory_space<semaphore_mem>>)
          %dma_wait3A_482 = arith.constant 0 : i32
          %dma_wait3A_483 = tpu.memref_slice %arg10[%dma_wait3A_482] : memref<18432xf32, #tpu.memory_space<vmem>> -> memref<16384xf32, #tpu.memory_space<vmem>>
          %dma_wait3A_484 = tpu.memref_slice %arg2[%multiple_of3A_469] : memref<4194304xf32, #tpu.memory_space<hbm>> -> memref<16384xf32, #tpu.memory_space<hbm>>
          %dma_wait3A_485 = arith.constant 0 : i32
          %dma_wait3A_486 = tpu.memref_slice %arg10[%dma_wait3A_485] : memref<18432xf32, #tpu.memory_space<vmem>> -> memref<16384xf32, #tpu.memory_space<vmem>>
          %dma_wait3A_487 = tpu.memref_slice %arg2[%multiple_of3A_469] : memref<4194304xf32, #tpu.memory_space<hbm>> -> memref<16384xf32, #tpu.memory_space<hbm>>
          tpu.wait_dma2 semaphore(%run_scoped3A : memref<!tpu.dma_semaphore, #tpu.memory_space<semaphore_mem>>) src(%dma_wait3A_487 : memref<16384xf32, #tpu.memory_space<hbm>>) dst(%dma_wait3A_486 : memref<16384xf32, #tpu.memory_space<vmem>>)
          tpu.yield
        }) : () -> ()
        %scan3A_470 = arith.constant 0 : i32
        %scan3A_471 = arith.constant 0 : i32
        %scan3A_472 = arith.constant 8 : i32
        %scan3A_473 = arith.addi %scan3A_471, %scan3A_472 : i32
        %scan3A_474 = arith.constant 1 : i32
        scf.for %scan3A_476 = %scan3A_471 to %scan3A_473 step %scan3A_474  : i32 {
          %mul3A_477 = arith.constant 16 : i32
          %mul3A_478 = arith.muli %scan3A_476, %mul3A_477 : i32
          %add3A_479 = arith.addi %mul3A_239, %mul3A_478 : i32
          %get3A_480 = arith.index_cast %add3A_479 : i32 to index
          %get3A_481 = tpu.vector_load %arg9[%get3A_480] {strides = array<i32>} : memref<3584xi32, #tpu.memory_space<vmem>>, vector<16xi32>,
          %lt3A_482 = arith.constant 0 : i32
          %lt3A_483 = vector.broadcast %lt3A_482 : i32 to vector<16xi32>
          %lt3A_484 = arith.cmpi slt, %get3A_481, %lt3A_483 : vector<16xi32>
          %add3A_485 = arith.constant 64 : i32
          %add3A_486 = arith.addi %min3A_465, %add3A_485 : i32
          %broadcast_in_dim3A_487 = vector.broadcast %add3A_486 : i32 to vector<16xi32>
          %select_n3A_488 = arith.select %lt3A_484, %broadcast_in_dim3A_487, %get3A_481 : vector<16xi1>, vector<16xi32>
          %sub3A_489 = vector.broadcast %min3A_465 : i32 to vector<16xi32>
          %sub3A_490 = arith.subi %select_n3A_488, %sub3A_489 : vector<16xi32>
          %min3A_491 = arith.constant 64 : i32
          %min3A_492 = vector.broadcast %min3A_491 : i32 to vector<16xi32>
          %min3A_493 = arith.minsi %sub3A_490, %min3A_492 : vector<16xi32>
          %ge3A = arith.constant 0 : i32
          %ge3A_494 = vector.broadcast %ge3A : i32 to vector<16xi32>
          %ge3A_495 = arith.cmpi sge, %min3A_493, %ge3A_494 : vector<16xi32>
          %max3A_496 = arith.constant 0 : i32
          %max3A_497 = vector.broadcast %max3A_496 : i32 to vector<16xi32>
          %max3A_498 = arith.maxsi %min3A_493, %max3A_497 : vector<16xi32>
          %mul3A_499 = arith.constant 256 : i32
          %mul3A_500 = vector.broadcast %mul3A_499 : i32 to vector<16xi32>
          %mul3A_501 = arith.muli %max3A_498, %mul3A_500 : vector<16xi32>
          %mul3A_502 = arith.constant 4096 : i32
          %mul3A_503 = arith.muli %scan3A_476, %mul3A_502 : i32
          %add3A_504 = vector.broadcast %mul3A_503 : i32 to vector<16xi32>
          %add3A_505 = arith.addi %mul3A_153, %add3A_504 : vector<16xi32>
          %scan3A_506 = arith.constant 0 : i32
          %scan3A_507 = arith.constant 0 : i32
          %scan3A_508 = arith.constant 16 : i32
          %scan3A_509 = arith.addi %scan3A_507, %scan3A_508 : i32
          %scan3A_510 = arith.constant 1 : i32
          scf.for %scan3A_512 = %scan3A_507 to %scan3A_509 step %scan3A_510  : i32 {
            %mul3A_513 = arith.constant 16 : i32
            %mul3A_514 = arith.muli %scan3A_512, %mul3A_513 : i32
            %add3A_515 = arith.constant 0 : i32
            %add3A_516 = arith.addi %mul3A_514, %add3A_515 : i32
            %add3A_517 = vector.broadcast %add3A_516 : i32 to vector<16xi32>
            %add3A_518 = arith.addi %mul3A_501, %add3A_517 : vector<16xi32>
            %add3A_519 = arith.constant 0 : i32
            %add3A_520 = arith.addi %mul3A_514, %add3A_519 : i32
            %add3A_521 = vector.broadcast %add3A_520 : i32 to vector<16xi32>
            %add3A_522 = arith.addi %add3A_505, %add3A_521 : vector<16xi32>
            %gather3A = tpu.vector_load_idx %arg10[%add3A_518] : memref<18432xf32, #tpu.memory_space<vmem>>[vector<16xi32>], vector<16xf32>,
            tpu.vector_store_idx %arg12[%add3A_522], %gather3A masked %ge3A_495 : memref<32768xf32, #tpu.memory_space<vmem>>[vector<16xi32>], vector<16xf32>, vector<16xi1>
            %add3A_523 = arith.constant 1 : i32
            %add3A_524 = arith.addi %mul3A_514, %add3A_523 : i32
            %add3A_525 = vector.broadcast %add3A_524 : i32 to vector<16xi32>
            %add3A_526 = arith.addi %mul3A_501, %add3A_525 : vector<16xi32>
            %add3A_527 = arith.constant 1 : i32
            %add3A_528 = arith.addi %mul3A_514, %add3A_527 : i32
            %add3A_529 = vector.broadcast %add3A_528 : i32 to vector<16xi32>
            %add3A_530 = arith.addi %add3A_505, %add3A_529 : vector<16xi32>
            %gather3A_531 = tpu.vector_load_idx %arg10[%add3A_526] : memref<18432xf32, #tpu.memory_space<vmem>>[vector<16xi32>], vector<16xf32>,
            tpu.vector_store_idx %arg12[%add3A_530], %gather3A_531 masked %ge3A_495 : memref<32768xf32, #tpu.memory_space<vmem>>[vector<16xi32>], vector<16xf32>, vector<16xi1>
            %add3A_532 = arith.constant 2 : i32
            %add3A_533 = arith.addi %mul3A_514, %add3A_532 : i32
            %add3A_534 = vector.broadcast %add3A_533 : i32 to vector<16xi32>
            %add3A_535 = arith.addi %mul3A_501, %add3A_534 : vector<16xi32>
            %add3A_536 = arith.constant 2 : i32
            %add3A_537 = arith.addi %mul3A_514, %add3A_536 : i32
            %add3A_538 = vector.broadcast %add3A_537 : i32 to vector<16xi32>
            %add3A_539 = arith.addi %add3A_505, %add3A_538 : vector<16xi32>
            %gather3A_540 = tpu.vector_load_idx %arg10[%add3A_535] : memref<18432xf32, #tpu.memory_space<vmem>>[vector<16xi32>], vector<16xf32>,
            tpu.vector_store_idx %arg12[%add3A_539], %gather3A_540 masked %ge3A_495 : memref<32768xf32, #tpu.memory_space<vmem>>[vector<16xi32>], vector<16xf32>, vector<16xi1>
            %add3A_541 = arith.constant 3 : i32
            %add3A_542 = arith.addi %mul3A_514, %add3A_541 : i32
            %add3A_543 = vector.broadcast %add3A_542 : i32 to vector<16xi32>
            %add3A_544 = arith.addi %mul3A_501, %add3A_543 : vector<16xi32>
            %add3A_545 = arith.constant 3 : i32
            %add3A_546 = arith.addi %mul3A_514, %add3A_545 : i32
            %add3A_547 = vector.broadcast %add3A_546 : i32 to vector<16xi32>
            %add3A_548 = arith.addi %add3A_505, %add3A_547 : vector<16xi32>
            %gather3A_549 = tpu.vector_load_idx %arg10[%add3A_544] : memref<18432xf32, #tpu.memory_space<vmem>>[vector<16xi32>], vector<16xf32>,
            tpu.vector_store_idx %arg12[%add3A_548], %gather3A_549 masked %ge3A_495 : memref<32768xf32, #tpu.memory_space<vmem>>[vector<16xi32>], vector<16xf32>, vector<16xi1>
            %add3A_550 = arith.constant 4 : i32
            %add3A_551 = arith.addi %mul3A_514, %add3A_550 : i32
            %add3A_552 = vector.broadcast %add3A_551 : i32 to vector<16xi32>
            %add3A_553 = arith.addi %mul3A_501, %add3A_552 : vector<16xi32>
            %add3A_554 = arith.constant 4 : i32
            %add3A_555 = arith.addi %mul3A_514, %add3A_554 : i32
            %add3A_556 = vector.broadcast %add3A_555 : i32 to vector<16xi32>
            %add3A_557 = arith.addi %add3A_505, %add3A_556 : vector<16xi32>
            %gather3A_558 = tpu.vector_load_idx %arg10[%add3A_553] : memref<18432xf32, #tpu.memory_space<vmem>>[vector<16xi32>], vector<16xf32>,
            tpu.vector_store_idx %arg12[%add3A_557], %gather3A_558 masked %ge3A_495 : memref<32768xf32, #tpu.memory_space<vmem>>[vector<16xi32>], vector<16xf32>, vector<16xi1>
            %add3A_559 = arith.constant 5 : i32
            %add3A_560 = arith.addi %mul3A_514, %add3A_559 : i32
            %add3A_561 = vector.broadcast %add3A_560 : i32 to vector<16xi32>
            %add3A_562 = arith.addi %mul3A_501, %add3A_561 : vector<16xi32>
            %add3A_563 = arith.constant 5 : i32
            %add3A_564 = arith.addi %mul3A_514, %add3A_563 : i32
            %add3A_565 = vector.broadcast %add3A_564 : i32 to vector<16xi32>
            %add3A_566 = arith.addi %add3A_505, %add3A_565 : vector<16xi32>
            %gather3A_567 = tpu.vector_load_idx %arg10[%add3A_562] : memref<18432xf32, #tpu.memory_space<vmem>>[vector<16xi32>], vector<16xf32>,
            tpu.vector_store_idx %arg12[%add3A_566], %gather3A_567 masked %ge3A_495 : memref<32768xf32, #tpu.memory_space<vmem>>[vector<16xi32>], vector<16xf32>, vector<16xi1>
            %add3A_568 = arith.constant 6 : i32
            %add3A_569 = arith.addi %mul3A_514, %add3A_568 : i32
            %add3A_570 = vector.broadcast %add3A_569 : i32 to vector<16xi32>
            %add3A_571 = arith.addi %mul3A_501, %add3A_570 : vector<16xi32>
            %add3A_572 = arith.constant 6 : i32
            %add3A_573 = arith.addi %mul3A_514, %add3A_572 : i32
            %add3A_574 = vector.broadcast %add3A_573 : i32 to vector<16xi32>
            %add3A_575 = arith.addi %add3A_505, %add3A_574 : vector<16xi32>
            %gather3A_576 = tpu.vector_load_idx %arg10[%add3A_571] : memref<18432xf32, #tpu.memory_space<vmem>>[vector<16xi32>], vector<16xf32>,
            tpu.vector_store_idx %arg12[%add3A_575], %gather3A_576 masked %ge3A_495 : memref<32768xf32, #tpu.memory_space<vmem>>[vector<16xi32>], vector<16xf32>, vector<16xi1>
            %add3A_577 = arith.constant 7 : i32
            %add3A_578 = arith.addi %mul3A_514, %add3A_577 : i32
            %add3A_579 = vector.broadcast %add3A_578 : i32 to vector<16xi32>
            %add3A_580 = arith.addi %mul3A_501, %add3A_579 : vector<16xi32>
            %add3A_581 = arith.constant 7 : i32
            %add3A_582 = arith.addi %mul3A_514, %add3A_581 : i32
            %add3A_583 = vector.broadcast %add3A_582 : i32 to vector<16xi32>
            %add3A_584 = arith.addi %add3A_505, %add3A_583 : vector<16xi32>
            %gather3A_585 = tpu.vector_load_idx %arg10[%add3A_580] : memref<18432xf32, #tpu.memory_space<vmem>>[vector<16xi32>], vector<16xf32>,
            tpu.vector_store_idx %arg12[%add3A_584], %gather3A_585 masked %ge3A_495 : memref<32768xf32, #tpu.memory_space<vmem>>[vector<16xi32>], vector<16xf32>, vector<16xi1>
            %add3A_586 = arith.constant 8 : i32
            %add3A_587 = arith.addi %mul3A_514, %add3A_586 : i32
            %add3A_588 = vector.broadcast %add3A_587 : i32 to vector<16xi32>
            %add3A_589 = arith.addi %mul3A_501, %add3A_588 : vector<16xi32>
            %add3A_590 = arith.constant 8 : i32
            %add3A_591 = arith.addi %mul3A_514, %add3A_590 : i32
            %add3A_592 = vector.broadcast %add3A_591 : i32 to vector<16xi32>
            %add3A_593 = arith.addi %add3A_505, %add3A_592 : vector<16xi32>
            %gather3A_594 = tpu.vector_load_idx %arg10[%add3A_589] : memref<18432xf32, #tpu.memory_space<vmem>>[vector<16xi32>], vector<16xf32>,
            tpu.vector_store_idx %arg12[%add3A_593], %gather3A_594 masked %ge3A_495 : memref<32768xf32, #tpu.memory_space<vmem>>[vector<16xi32>], vector<16xf32>, vector<16xi1>
            %add3A_595 = arith.constant 9 : i32
            %add3A_596 = arith.addi %mul3A_514, %add3A_595 : i32
            %add3A_597 = vector.broadcast %add3A_596 : i32 to vector<16xi32>
            %add3A_598 = arith.addi %mul3A_501, %add3A_597 : vector<16xi32>
            %add3A_599 = arith.constant 9 : i32
            %add3A_600 = arith.addi %mul3A_514, %add3A_599 : i32
            %add3A_601 = vector.broadcast %add3A_600 : i32 to vector<16xi32>
            %add3A_602 = arith.addi %add3A_505, %add3A_601 : vector<16xi32>
            %gather3A_603 = tpu.vector_load_idx %arg10[%add3A_598] : memref<18432xf32, #tpu.memory_space<vmem>>[vector<16xi32>], vector<16xf32>,
            tpu.vector_store_idx %arg12[%add3A_602], %gather3A_603 masked %ge3A_495 : memref<32768xf32, #tpu.memory_space<vmem>>[vector<16xi32>], vector<16xf32>, vector<16xi1>
            %add3A_604 = arith.constant 10 : i32
            %add3A_605 = arith.addi %mul3A_514, %add3A_604 : i32
            %add3A_606 = vector.broadcast %add3A_605 : i32 to vector<16xi32>
            %add3A_607 = arith.addi %mul3A_501, %add3A_606 : vector<16xi32>
            %add3A_608 = arith.constant 10 : i32
            %add3A_609 = arith.addi %mul3A_514, %add3A_608 : i32
            %add3A_610 = vector.broadcast %add3A_609 : i32 to vector<16xi32>
            %add3A_611 = arith.addi %add3A_505, %add3A_610 : vector<16xi32>
            %gather3A_612 = tpu.vector_load_idx %arg10[%add3A_607] : memref<18432xf32, #tpu.memory_space<vmem>>[vector<16xi32>], vector<16xf32>,
            tpu.vector_store_idx %arg12[%add3A_611], %gather3A_612 masked %ge3A_495 : memref<32768xf32, #tpu.memory_space<vmem>>[vector<16xi32>], vector<16xf32>, vector<16xi1>
            %add3A_613 = arith.constant 11 : i32
            %add3A_614 = arith.addi %mul3A_514, %add3A_613 : i32
            %add3A_615 = vector.broadcast %add3A_614 : i32 to vector<16xi32>
            %add3A_616 = arith.addi %mul3A_501, %add3A_615 : vector<16xi32>
            %add3A_617 = arith.constant 11 : i32
            %add3A_618 = arith.addi %mul3A_514, %add3A_617 : i32
            %add3A_619 = vector.broadcast %add3A_618 : i32 to vector<16xi32>
            %add3A_620 = arith.addi %add3A_505, %add3A_619 : vector<16xi32>
            %gather3A_621 = tpu.vector_load_idx %arg10[%add3A_616] : memref<18432xf32, #tpu.memory_space<vmem>>[vector<16xi32>], vector<16xf32>,
            tpu.vector_store_idx %arg12[%add3A_620], %gather3A_621 masked %ge3A_495 : memref<32768xf32, #tpu.memory_space<vmem>>[vector<16xi32>], vector<16xf32>, vector<16xi1>
            %add3A_622 = arith.constant 12 : i32
            %add3A_623 = arith.addi %mul3A_514, %add3A_622 : i32
            %add3A_624 = vector.broadcast %add3A_623 : i32 to vector<16xi32>
            %add3A_625 = arith.addi %mul3A_501, %add3A_624 : vector<16xi32>
            %add3A_626 = arith.constant 12 : i32
            %add3A_627 = arith.addi %mul3A_514, %add3A_626 : i32
            %add3A_628 = vector.broadcast %add3A_627 : i32 to vector<16xi32>
            %add3A_629 = arith.addi %add3A_505, %add3A_628 : vector<16xi32>
            %gather3A_630 = tpu.vector_load_idx %arg10[%add3A_625] : memref<18432xf32, #tpu.memory_space<vmem>>[vector<16xi32>], vector<16xf32>,
            tpu.vector_store_idx %arg12[%add3A_629], %gather3A_630 masked %ge3A_495 : memref<32768xf32, #tpu.memory_space<vmem>>[vector<16xi32>], vector<16xf32>, vector<16xi1>
            %add3A_631 = arith.constant 13 : i32
            %add3A_632 = arith.addi %mul3A_514, %add3A_631 : i32
            %add3A_633 = vector.broadcast %add3A_632 : i32 to vector<16xi32>
            %add3A_634 = arith.addi %mul3A_501, %add3A_633 : vector<16xi32>
            %add3A_635 = arith.constant 13 : i32
            %add3A_636 = arith.addi %mul3A_514, %add3A_635 : i32
            %add3A_637 = vector.broadcast %add3A_636 : i32 to vector<16xi32>
            %add3A_638 = arith.addi %add3A_505, %add3A_637 : vector<16xi32>
            %gather3A_639 = tpu.vector_load_idx %arg10[%add3A_634] : memref<18432xf32, #tpu.memory_space<vmem>>[vector<16xi32>], vector<16xf32>,
            tpu.vector_store_idx %arg12[%add3A_638], %gather3A_639 masked %ge3A_495 : memref<32768xf32, #tpu.memory_space<vmem>>[vector<16xi32>], vector<16xf32>, vector<16xi1>
            %add3A_640 = arith.constant 14 : i32
            %add3A_641 = arith.addi %mul3A_514, %add3A_640 : i32
            %add3A_642 = vector.broadcast %add3A_641 : i32 to vector<16xi32>
            %add3A_643 = arith.addi %mul3A_501, %add3A_642 : vector<16xi32>
            %add3A_644 = arith.constant 14 : i32
            %add3A_645 = arith.addi %mul3A_514, %add3A_644 : i32
            %add3A_646 = vector.broadcast %add3A_645 : i32 to vector<16xi32>
            %add3A_647 = arith.addi %add3A_505, %add3A_646 : vector<16xi32>
            %gather3A_648 = tpu.vector_load_idx %arg10[%add3A_643] : memref<18432xf32, #tpu.memory_space<vmem>>[vector<16xi32>], vector<16xf32>,
            tpu.vector_store_idx %arg12[%add3A_647], %gather3A_648 masked %ge3A_495 : memref<32768xf32, #tpu.memory_space<vmem>>[vector<16xi32>], vector<16xf32>, vector<16xi1>
            %add3A_649 = arith.constant 15 : i32
            %add3A_650 = arith.addi %mul3A_514, %add3A_649 : i32
            %add3A_651 = vector.broadcast %add3A_650 : i32 to vector<16xi32>
            %add3A_652 = arith.addi %mul3A_501, %add3A_651 : vector<16xi32>
            %add3A_653 = arith.constant 15 : i32
            %add3A_654 = arith.addi %mul3A_514, %add3A_653 : i32
            %add3A_655 = vector.broadcast %add3A_654 : i32 to vector<16xi32>
            %add3A_656 = arith.addi %add3A_505, %add3A_655 : vector<16xi32>
            %gather3A_657 = tpu.vector_load_idx %arg10[%add3A_652] : memref<18432xf32, #tpu.memory_space<vmem>>[vector<16xi32>], vector<16xf32>,
            tpu.vector_store_idx %arg12[%add3A_656], %gather3A_657 masked %ge3A_495 : memref<32768xf32, #tpu.memory_space<vmem>>[vector<16xi32>], vector<16xf32>, vector<16xi1>
          }
          %scan3A_511 = arith.constant 16 : i32
        }
        %scan3A_475 = arith.constant 8 : i32
        scf.yield %min3A_465 : i32
      }
      %add3A_326 = arith.addi %mul3A_2, %mul3A_4 : i32
      %mul3A_327 = arith.constant 128 : i32
      %mul3A_328 = arith.muli %add3A_215, %mul3A_327 : i32
      %add3A_329 = arith.addi %add3A_326, %mul3A_328 : i32
      %mul3A_330 = arith.constant 256 : i32
      %mul3A_331 = arith.muli %add3A_329, %mul3A_330 : i32
      %multiple_of3A_332 = tpu.assume_multiple %mul3A_331, 256 : i32
      %dma_start3A_333 = tpu.memref_slice %arg4[%multiple_of3A_332] : memref<29360128xf32, #tpu.memory_space<hbm>> -> memref<32768xf32, #tpu.memory_space<hbm>>
      %dma_start3A_334 = tpu.memref_slice %arg4[%multiple_of3A_332] : memref<29360128xf32, #tpu.memory_space<hbm>> -> memref<32768xf32, #tpu.memory_space<hbm>>
      tpu.enqueue_dma source(%arg12 : memref<32768xf32, #tpu.memory_space<vmem>>) target(%dma_start3A_334 : memref<32768xf32, #tpu.memory_space<hbm>>) target_semaphore(%arg15 : memref<!tpu.dma_semaphore, #tpu.memory_space<semaphore_mem>>)
      %mul3A_335 = arith.constant 2 : i32
      %mul3A_336 = arith.muli %mul3A_335, %scan3A_211 : i32
      %add3A_337 = arith.constant 1 : i32
      %add3A_338 = arith.addi %mul3A_336, %add3A_337 : i32
      %add3A_339 = arith.constant 0 : i32
      %add3A_340 = arith.addi %mul3A_24, %add3A_339 : i32
      %mul3A_341 = arith.constant 256 : i32
      %mul3A_342 = arith.muli %add3A_340, %mul3A_341 : i32
      %multiple_of3A_343 = tpu.assume_multiple %mul3A_342, 256 : i32
      %dma_wait3A_344 = arith.constant 0 : i32
      %dma_wait3A_345 = tpu.memref_slice %arg11[%dma_wait3A_344] : memref<18432xf32, #tpu.memory_space<vmem>> -> memref<16384xf32, #tpu.memory_space<vmem>>
      %dma_wait3A_346 = tpu.memref_slice %arg2[%multiple_of3A_343] : memref<4194304xf32, #tpu.memory_space<hbm>> -> memref<16384xf32, #tpu.memory_space<hbm>>
      %dma_wait3A_347 = arith.constant 0 : i32
      %dma_wait3A_348 = tpu.memref_slice %arg11[%dma_wait3A_347] : memref<18432xf32, #tpu.memory_space<vmem>> -> memref<16384xf32, #tpu.memory_space<vmem>>
      %dma_wait3A_349 = tpu.memref_slice %arg2[%multiple_of3A_343] : memref<4194304xf32, #tpu.memory_space<hbm>> -> memref<16384xf32, #tpu.memory_space<hbm>>
      tpu.wait_dma2 semaphore(%arg18 : memref<!tpu.dma_semaphore, #tpu.memory_space<semaphore_mem>>) src(%dma_wait3A_349 : memref<16384xf32, #tpu.memory_space<hbm>>) dst(%dma_wait3A_348 : memref<16384xf32, #tpu.memory_space<vmem>>)
      %add3A_350 = arith.constant 1 : i32
      %add3A_351 = arith.addi %add3A_338, %add3A_350 : i32
      %lt3A_352 = arith.constant 28 : i32
      %lt3A_353 = arith.cmpi slt, %add3A_351, %lt3A_352 : i32
      %convert_element_type3A_354 = arith.extui %lt3A_353 : i1 to i32
      %cond3A_355 = arith.constant 0 : i32
      %cond3A_356 = arith.cmpi ne, %convert_element_type3A_354, %cond3A_355 : i32
      scf.if %cond3A_356 {
        %add3A_461 = arith.constant 1 : i32
        %add3A_462 = arith.addi %add3A_338, %add3A_461 : i32
        %mul3A_463 = arith.constant 128 : i32
        %mul3A_464 = arith.muli %add3A_462, %mul3A_463 : i32
        %get3A_465 = arith.index_cast %mul3A_464 : i32 to index
        %get3A_466 = tpu.vector_load %arg9[%get3A_465] {strides = array<i32>} : memref<3584xi32, #tpu.memory_space<vmem>>, vector<16xi32>,
        %slice3A_467 = vector.extract_strided_slice %get3A_466 {offsets = [0], sizes = [1], strides = [1]} : vector<16xi32> to vector<1xi32>
        %squeeze3A_468 = vector.extract %slice3A_467[0] : i32 from vector<1xi32>
        %max3A_469 = arith.constant 0 : i32
        %max3A_470 = arith.maxsi %squeeze3A_468, %max3A_469 : i32
        %jit3A_471 = arith.constant 8 : i32
        %div3A_472 = arith.divsi %max3A_470, %jit3A_471 : i32
        %sign3A_473 = arith.constant 0 : i32
        %sign3A_474 = arith.cmpi sgt, %max3A_470, %sign3A_473 : i32
        %sign3A_475 = arith.extui %sign3A_474 : i1 to i32
        %sign3A_476 = arith.constant 0 : i32
        %sign3A_477 = arith.cmpi slt, %max3A_470, %sign3A_476 : i32
        %sign3A_478 = arith.extui %sign3A_477 : i1 to i32
        %sign3A_479 = arith.subi %sign3A_475, %sign3A_478 : i32
        %sign3A_480 = arith.constant 0 : i32
        %sign3A_481 = arith.cmpi sgt, %jit3A_471, %sign3A_480 : i32
        %sign3A_482 = arith.extui %sign3A_481 : i1 to i32
        %sign3A_483 = arith.constant 0 : i32
        %sign3A_484 = arith.cmpi slt, %jit3A_471, %sign3A_483 : i32
        %sign3A_485 = arith.extui %sign3A_484 : i1 to i32
        %sign3A_486 = arith.subi %sign3A_482, %sign3A_485 : i32
        %ne3A_487 = arith.cmpi ne, %sign3A_479, %sign3A_486 : i32
        %rem3A_488 = arith.remsi %max3A_470, %jit3A_471 : i32
        %ne3A_489 = arith.constant 0 : i32
        %ne3A_490 = arith.cmpi ne, %rem3A_488, %ne3A_489 : i32
        %and3A_491 = arith.andi %ne3A_487, %ne3A_490 : i1
        %sub3A_492 = arith.constant 1 : i32
        %sub3A_493 = arith.subi %div3A_472, %sub3A_492 : i32
        %select_n3A_494 = arith.select %and3A_491, %sub3A_493, %div3A_472 : i32
        %mul3A_495 = arith.constant 8 : i32
        %mul3A_496 = arith.muli %select_n3A_494, %mul3A_495 : i32
        %min3A_497 = arith.constant 1984 : i32
        %min3A_498 = arith.minsi %mul3A_496, %min3A_497 : i32
        %add3A_499 = arith.addi %mul3A_24, %min3A_498 : i32
        %mul3A_500 = arith.constant 256 : i32
        %mul3A_501 = arith.muli %add3A_499, %mul3A_500 : i32
        %multiple_of3A_502 = tpu.assume_multiple %mul3A_501, 256 : i32
        %dma_start3A_503 = arith.constant 0 : i32
        %dma_start3A_504 = tpu.memref_slice %arg10[%dma_start3A_503] : memref<18432xf32, #tpu.memory_space<vmem>> -> memref<16384xf32, #tpu.memory_space<vmem>>
        %dma_start3A_505 = tpu.memref_slice %arg2[%multiple_of3A_502] : memref<4194304xf32, #tpu.memory_space<hbm>> -> memref<16384xf32, #tpu.memory_space<hbm>>
        %dma_start3A_506 = arith.constant 0 : i32
        %dma_start3A_507 = tpu.memref_slice %arg10[%dma_start3A_506] : memref<18432xf32, #tpu.memory_space<vmem>> -> memref<16384xf32, #tpu.memory_space<vmem>>
        %dma_start3A_508 = tpu.memref_slice %arg2[%multiple_of3A_502] : memref<4194304xf32, #tpu.memory_space<hbm>> -> memref<16384xf32, #tpu.memory_space<hbm>>
        tpu.enqueue_dma source(%dma_start3A_508 : memref<16384xf32, #tpu.memory_space<hbm>>) target(%dma_start3A_507 : memref<16384xf32, #tpu.memory_space<vmem>>) target_semaphore(%arg17 : memref<!tpu.dma_semaphore, #tpu.memory_space<semaphore_mem>>)
      } else {
      }
      %gt3A_357 = arith.constant 0 : i32
      %gt3A_358 = arith.cmpi sgt, %scan3A_211, %gt3A_357 : i32
      %convert_element_type3A_359 = arith.extui %gt3A_358 : i1 to i32
      %cond3A_360 = arith.constant 0 : i32
      %cond3A_361 = arith.cmpi ne, %convert_element_type3A_359, %cond3A_360 : i32
      scf.if %cond3A_361 {
        %add3A_461 = arith.addi %mul3A_2, %mul3A_4 : i32
        %mul3A_462 = arith.constant 128 : i32
        %mul3A_463 = arith.muli %add3A_338, %mul3A_462 : i32
        %add3A_464 = arith.addi %add3A_461, %mul3A_463 : i32
        %mul3A_465 = arith.constant 256 : i32
        %mul3A_466 = arith.muli %add3A_464, %mul3A_465 : i32
        %multiple_of3A_467 = tpu.assume_multiple %mul3A_466, 256 : i32
        %dma_wait3A_468 = tpu.memref_slice %arg4[%multiple_of3A_467] : memref<29360128xf32, #tpu.memory_space<hbm>> -> memref<32768xf32, #tpu.memory_space<hbm>>
        %dma_wait3A_469 = tpu.memref_slice %arg4[%multiple_of3A_467] : memref<29360128xf32, #tpu.memory_space<hbm>> -> memref<32768xf32, #tpu.memory_space<hbm>>
        tpu.wait_dma2 semaphore(%arg16 : memref<!tpu.dma_semaphore, #tpu.memory_space<semaphore_mem>>) src(%arg13 : memref<32768xf32, #tpu.memory_space<vmem>>) dst(%dma_wait3A_469 : memref<32768xf32, #tpu.memory_space<hbm>>)
      } else {
      }
      %mul3A_362 = arith.constant 128 : i32
      %mul3A_363 = arith.muli %add3A_338, %mul3A_362 : i32
      %get3A_364 = arith.index_cast %mul3A_363 : i32 to index
      %get3A_365 = tpu.vector_load %arg9[%get3A_364] {strides = array<i32>} : memref<3584xi32, #tpu.memory_space<vmem>>, vector<16xi32>,
      %add3A_366 = arith.constant 16 : i32
      %add3A_367 = arith.addi %mul3A_363, %add3A_366 : i32
      %get3A_368 = arith.index_cast %add3A_367 : i32 to index
      %get3A_369 = tpu.vector_load %arg9[%get3A_368] {strides = array<i32>} : memref<3584xi32, #tpu.memory_space<vmem>>, vector<16xi32>,
      %max3A_370 = arith.maxsi %get3A_365, %get3A_369 : vector<16xi32>
      %add3A_371 = arith.constant 32 : i32
      %add3A_372 = arith.addi %mul3A_363, %add3A_371 : i32
      %get3A_373 = arith.index_cast %add3A_372 : i32 to index
      %get3A_374 = tpu.vector_load %arg9[%get3A_373] {strides = array<i32>} : memref<3584xi32, #tpu.memory_space<vmem>>, vector<16xi32>,
      %max3A_375 = arith.maxsi %max3A_370, %get3A_374 : vector<16xi32>
      %add3A_376 = arith.constant 48 : i32
      %add3A_377 = arith.addi %mul3A_363, %add3A_376 : i32
      %get3A_378 = arith.index_cast %add3A_377 : i32 to index
      %get3A_379 = tpu.vector_load %arg9[%get3A_378] {strides = array<i32>} : memref<3584xi32, #tpu.memory_space<vmem>>, vector<16xi32>,
      %max3A_380 = arith.maxsi %max3A_375, %get3A_379 : vector<16xi32>
      %add3A_381 = arith.constant 64 : i32
      %add3A_382 = arith.addi %mul3A_363, %add3A_381 : i32
      %get3A_383 = arith.index_cast %add3A_382 : i32 to index
      %get3A_384 = tpu.vector_load %arg9[%get3A_383] {strides = array<i32>} : memref<3584xi32, #tpu.memory_space<vmem>>, vector<16xi32>,
      %max3A_385 = arith.maxsi %max3A_380, %get3A_384 : vector<16xi32>
      %add3A_386 = arith.constant 80 : i32
      %add3A_387 = arith.addi %mul3A_363, %add3A_386 : i32
      %get3A_388 = arith.index_cast %add3A_387 : i32 to index
      %get3A_389 = tpu.vector_load %arg9[%get3A_388] {strides = array<i32>} : memref<3584xi32, #tpu.memory_space<vmem>>, vector<16xi32>,
      %max3A_390 = arith.maxsi %max3A_385, %get3A_389 : vector<16xi32>
      %add3A_391 = arith.constant 96 : i32
      %add3A_392 = arith.addi %mul3A_363, %add3A_391 : i32
      %get3A_393 = arith.index_cast %add3A_392 : i32 to index
      %get3A_394 = tpu.vector_load %arg9[%get3A_393] {strides = array<i32>} : memref<3584xi32, #tpu.memory_space<vmem>>, vector<16xi32>,
      %max3A_395 = arith.maxsi %max3A_390, %get3A_394 : vector<16xi32>
      %add3A_396 = arith.constant 112 : i32
      %add3A_397 = arith.addi %mul3A_363, %add3A_396 : i32
      %get3A_398 = arith.index_cast %add3A_397 : i32 to index
      %get3A_399 = tpu.vector_load %arg9[%get3A_398] {strides = array<i32>} : memref<3584xi32, #tpu.memory_space<vmem>>, vector<16xi32>,
      %max3A_400 = arith.maxsi %max3A_395, %get3A_399 : vector<16xi32>
      %reduce_max3A_401 = arith.constant true
      %reduce_max3A_402 = vector.broadcast %reduce_max3A_401 : i1 to vector<16xi1>
      %reduce_max3A_403 = arith.constant -2147483648 : i32
      %reduce_max3A_404 = vector.broadcast %reduce_max3A_403 : i32 to vector<16xi32>
      %reduce_max3A_405 = arith.xori %max3A_400, %reduce_max3A_404 : vector<16xi32>
      %reduce_max3A_406 = tpu.scan <max>, %reduce_max3A_405 masked %reduce_max3A_402 : vector<16xi32>, vector<16xi1> -> vector<16xi32>
      %reduce_max3A_407 = arith.xori %reduce_max3A_406, %reduce_max3A_404 : vector<16xi32>
      %reduce_max3A_408 = vector.extract %reduce_max3A_407[15] : i32 from vector<16xi32>
      %mul3A_409 = arith.constant 128 : i32
      %mul3A_410 = arith.muli %add3A_338, %mul3A_409 : i32
      %get3A_411 = arith.index_cast %mul3A_410 : i32 to index
      %get3A_412 = tpu.vector_load %arg9[%get3A_411] {strides = array<i32>} : memref<3584xi32, #tpu.memory_space<vmem>>, vector<16xi32>,
      %slice3A_413 = vector.extract_strided_slice %get3A_412 {offsets = [0], sizes = [1], strides = [1]} : vector<16xi32> to vector<1xi32>
      %squeeze3A_414 = vector.extract %slice3A_413[0] : i32 from vector<1xi32>
      %max3A_415 = arith.constant 0 : i32
      %max3A_416 = arith.maxsi %squeeze3A_414, %max3A_415 : i32
      %jit3A_417 = arith.constant 8 : i32
      %div3A_418 = arith.divsi %max3A_416, %jit3A_417 : i32
      %sign3A_419 = arith.constant 0 : i32
      %sign3A_420 = arith.cmpi sgt, %max3A_416, %sign3A_419 : i32
      %sign3A_421 = arith.extui %sign3A_420 : i1 to i32
      %sign3A_422 = arith.constant 0 : i32
      %sign3A_423 = arith.cmpi slt, %max3A_416, %sign3A_422 : i32
      %sign3A_424 = arith.extui %sign3A_423 : i1 to i32
      %sign3A_425 = arith.subi %sign3A_421, %sign3A_424 : i32
      %sign3A_426 = arith.constant 0 : i32
      %sign3A_427 = arith.cmpi sgt, %jit3A_417, %sign3A_426 : i32
      %sign3A_428 = arith.extui %sign3A_427 : i1 to i32
      %sign3A_429 = arith.constant 0 : i32
      %sign3A_430 = arith.cmpi slt, %jit3A_417, %sign3A_429 : i32
      %sign3A_431 = arith.extui %sign3A_430 : i1 to i32
      %sign3A_432 = arith.subi %sign3A_428, %sign3A_431 : i32
      %ne3A_433 = arith.cmpi ne, %sign3A_425, %sign3A_432 : i32
      %rem3A_434 = arith.remsi %max3A_416, %jit3A_417 : i32
      %ne3A_435 = arith.constant 0 : i32
      %ne3A_436 = arith.cmpi ne, %rem3A_434, %ne3A_435 : i32
      %and3A_437 = arith.andi %ne3A_433, %ne3A_436 : i1
      %sub3A_438 = arith.constant 1 : i32
      %sub3A_439 = arith.subi %div3A_418, %sub3A_438 : i32
      %select_n3A_440 = arith.select %and3A_437, %sub3A_439, %div3A_418 : i32
      %mul3A_441 = arith.constant 8 : i32
      %mul3A_442 = arith.muli %select_n3A_440, %mul3A_441 : i32
      %min3A_443 = arith.constant 1984 : i32
      %min3A_444 = arith.minsi %mul3A_442, %min3A_443 : i32
      %scan3A_445 = arith.constant 0 : i32
      %scan3A_446 = arith.constant 0 : i32
      %scan3A_447 = arith.constant 8 : i32
      %scan3A_448 = arith.addi %scan3A_446, %scan3A_447 : i32
      %scan3A_449 = arith.constant 1 : i32
      scf.for %scan3A_461 = %scan3A_446 to %scan3A_448 step %scan3A_449  : i32 {
        %mul3A_462 = arith.constant 16 : i32
        %mul3A_463 = arith.muli %scan3A_461, %mul3A_462 : i32
        %add3A_464 = arith.addi %mul3A_363, %mul3A_463 : i32
        %get3A_465 = arith.index_cast %add3A_464 : i32 to index
        %get3A_466 = tpu.vector_load %arg9[%get3A_465] {strides = array<i32>} : memref<3584xi32, #tpu.memory_space<vmem>>, vector<16xi32>,
        %lt3A_467 = arith.constant 0 : i32
        %lt3A_468 = vector.broadcast %lt3A_467 : i32 to vector<16xi32>
        %lt3A_469 = arith.cmpi slt, %get3A_466, %lt3A_468 : vector<16xi32>
        %add3A_470 = arith.constant 64 : i32
        %add3A_471 = arith.addi %min3A_444, %add3A_470 : i32
        %broadcast_in_dim3A_472 = vector.broadcast %add3A_471 : i32 to vector<16xi32>
        %select_n3A_473 = arith.select %lt3A_469, %broadcast_in_dim3A_472, %get3A_466 : vector<16xi1>, vector<16xi32>
        %sub3A_474 = vector.broadcast %min3A_444 : i32 to vector<16xi32>
        %sub3A_475 = arith.subi %select_n3A_473, %sub3A_474 : vector<16xi32>
        %min3A_476 = arith.constant 64 : i32
        %min3A_477 = vector.broadcast %min3A_476 : i32 to vector<16xi32>
        %min3A_478 = arith.minsi %sub3A_475, %min3A_477 : vector<16xi32>
        %ge3A = arith.constant 0 : i32
        %ge3A_479 = vector.broadcast %ge3A : i32 to vector<16xi32>
        %ge3A_480 = arith.cmpi sge, %min3A_478, %ge3A_479 : vector<16xi32>
        %max3A_481 = arith.constant 0 : i32
        %max3A_482 = vector.broadcast %max3A_481 : i32 to vector<16xi32>
        %max3A_483 = arith.maxsi %min3A_478, %max3A_482 : vector<16xi32>
        %mul3A_484 = arith.constant 256 : i32
        %mul3A_485 = vector.broadcast %mul3A_484 : i32 to vector<16xi32>
        %mul3A_486 = arith.muli %max3A_483, %mul3A_485 : vector<16xi32>
        %mul3A_487 = arith.constant 4096 : i32
        %mul3A_488 = arith.muli %scan3A_461, %mul3A_487 : i32
        %add3A_489 = vector.broadcast %mul3A_488 : i32 to vector<16xi32>
        %add3A_490 = arith.addi %mul3A_153, %add3A_489 : vector<16xi32>
        %scan3A_491 = arith.constant 0 : i32
        %scan3A_492 = arith.constant 0 : i32
        %scan3A_493 = arith.constant 16 : i32
        %scan3A_494 = arith.addi %scan3A_492, %scan3A_493 : i32
        %scan3A_495 = arith.constant 1 : i32
        scf.for %scan3A_497 = %scan3A_492 to %scan3A_494 step %scan3A_495  : i32 {
          %mul3A_498 = arith.constant 16 : i32
          %mul3A_499 = arith.muli %scan3A_497, %mul3A_498 : i32
          %add3A_500 = arith.constant 0 : i32
          %add3A_501 = arith.addi %mul3A_499, %add3A_500 : i32
          %add3A_502 = vector.broadcast %add3A_501 : i32 to vector<16xi32>
          %add3A_503 = arith.addi %mul3A_486, %add3A_502 : vector<16xi32>
          %add3A_504 = arith.constant 0 : i32
          %add3A_505 = arith.addi %mul3A_499, %add3A_504 : i32
          %add3A_506 = vector.broadcast %add3A_505 : i32 to vector<16xi32>
          %add3A_507 = arith.addi %add3A_490, %add3A_506 : vector<16xi32>
          %gather3A = tpu.vector_load_idx %arg11[%add3A_503] : memref<18432xf32, #tpu.memory_space<vmem>>[vector<16xi32>], vector<16xf32>,
          tpu.vector_store_idx %arg13[%add3A_507], %gather3A masked %ge3A_480 : memref<32768xf32, #tpu.memory_space<vmem>>[vector<16xi32>], vector<16xf32>, vector<16xi1>
          %add3A_508 = arith.constant 1 : i32
          %add3A_509 = arith.addi %mul3A_499, %add3A_508 : i32
          %add3A_510 = vector.broadcast %add3A_509 : i32 to vector<16xi32>
          %add3A_511 = arith.addi %mul3A_486, %add3A_510 : vector<16xi32>
          %add3A_512 = arith.constant 1 : i32
          %add3A_513 = arith.addi %mul3A_499, %add3A_512 : i32
          %add3A_514 = vector.broadcast %add3A_513 : i32 to vector<16xi32>
          %add3A_515 = arith.addi %add3A_490, %add3A_514 : vector<16xi32>
          %gather3A_516 = tpu.vector_load_idx %arg11[%add3A_511] : memref<18432xf32, #tpu.memory_space<vmem>>[vector<16xi32>], vector<16xf32>,
          tpu.vector_store_idx %arg13[%add3A_515], %gather3A_516 masked %ge3A_480 : memref<32768xf32, #tpu.memory_space<vmem>>[vector<16xi32>], vector<16xf32>, vector<16xi1>
          %add3A_517 = arith.constant 2 : i32
          %add3A_518 = arith.addi %mul3A_499, %add3A_517 : i32
          %add3A_519 = vector.broadcast %add3A_518 : i32 to vector<16xi32>
          %add3A_520 = arith.addi %mul3A_486, %add3A_519 : vector<16xi32>
          %add3A_521 = arith.constant 2 : i32
          %add3A_522 = arith.addi %mul3A_499, %add3A_521 : i32
          %add3A_523 = vector.broadcast %add3A_522 : i32 to vector<16xi32>
          %add3A_524 = arith.addi %add3A_490, %add3A_523 : vector<16xi32>
          %gather3A_525 = tpu.vector_load_idx %arg11[%add3A_520] : memref<18432xf32, #tpu.memory_space<vmem>>[vector<16xi32>], vector<16xf32>,
          tpu.vector_store_idx %arg13[%add3A_524], %gather3A_525 masked %ge3A_480 : memref<32768xf32, #tpu.memory_space<vmem>>[vector<16xi32>], vector<16xf32>, vector<16xi1>
          %add3A_526 = arith.constant 3 : i32
          %add3A_527 = arith.addi %mul3A_499, %add3A_526 : i32
          %add3A_528 = vector.broadcast %add3A_527 : i32 to vector<16xi32>
          %add3A_529 = arith.addi %mul3A_486, %add3A_528 : vector<16xi32>
          %add3A_530 = arith.constant 3 : i32
          %add3A_531 = arith.addi %mul3A_499, %add3A_530 : i32
          %add3A_532 = vector.broadcast %add3A_531 : i32 to vector<16xi32>
          %add3A_533 = arith.addi %add3A_490, %add3A_532 : vector<16xi32>
          %gather3A_534 = tpu.vector_load_idx %arg11[%add3A_529] : memref<18432xf32, #tpu.memory_space<vmem>>[vector<16xi32>], vector<16xf32>,
          tpu.vector_store_idx %arg13[%add3A_533], %gather3A_534 masked %ge3A_480 : memref<32768xf32, #tpu.memory_space<vmem>>[vector<16xi32>], vector<16xf32>, vector<16xi1>
          %add3A_535 = arith.constant 4 : i32
          %add3A_536 = arith.addi %mul3A_499, %add3A_535 : i32
          %add3A_537 = vector.broadcast %add3A_536 : i32 to vector<16xi32>
          %add3A_538 = arith.addi %mul3A_486, %add3A_537 : vector<16xi32>
          %add3A_539 = arith.constant 4 : i32
          %add3A_540 = arith.addi %mul3A_499, %add3A_539 : i32
          %add3A_541 = vector.broadcast %add3A_540 : i32 to vector<16xi32>
          %add3A_542 = arith.addi %add3A_490, %add3A_541 : vector<16xi32>
          %gather3A_543 = tpu.vector_load_idx %arg11[%add3A_538] : memref<18432xf32, #tpu.memory_space<vmem>>[vector<16xi32>], vector<16xf32>,
          tpu.vector_store_idx %arg13[%add3A_542], %gather3A_543 masked %ge3A_480 : memref<32768xf32, #tpu.memory_space<vmem>>[vector<16xi32>], vector<16xf32>, vector<16xi1>
          %add3A_544 = arith.constant 5 : i32
          %add3A_545 = arith.addi %mul3A_499, %add3A_544 : i32
          %add3A_546 = vector.broadcast %add3A_545 : i32 to vector<16xi32>
          %add3A_547 = arith.addi %mul3A_486, %add3A_546 : vector<16xi32>
          %add3A_548 = arith.constant 5 : i32
          %add3A_549 = arith.addi %mul3A_499, %add3A_548 : i32
          %add3A_550 = vector.broadcast %add3A_549 : i32 to vector<16xi32>
          %add3A_551 = arith.addi %add3A_490, %add3A_550 : vector<16xi32>
          %gather3A_552 = tpu.vector_load_idx %arg11[%add3A_547] : memref<18432xf32, #tpu.memory_space<vmem>>[vector<16xi32>], vector<16xf32>,
          tpu.vector_store_idx %arg13[%add3A_551], %gather3A_552 masked %ge3A_480 : memref<32768xf32, #tpu.memory_space<vmem>>[vector<16xi32>], vector<16xf32>, vector<16xi1>
          %add3A_553 = arith.constant 6 : i32
          %add3A_554 = arith.addi %mul3A_499, %add3A_553 : i32
          %add3A_555 = vector.broadcast %add3A_554 : i32 to vector<16xi32>
          %add3A_556 = arith.addi %mul3A_486, %add3A_555 : vector<16xi32>
          %add3A_557 = arith.constant 6 : i32
          %add3A_558 = arith.addi %mul3A_499, %add3A_557 : i32
          %add3A_559 = vector.broadcast %add3A_558 : i32 to vector<16xi32>
          %add3A_560 = arith.addi %add3A_490, %add3A_559 : vector<16xi32>
          %gather3A_561 = tpu.vector_load_idx %arg11[%add3A_556] : memref<18432xf32, #tpu.memory_space<vmem>>[vector<16xi32>], vector<16xf32>,
          tpu.vector_store_idx %arg13[%add3A_560], %gather3A_561 masked %ge3A_480 : memref<32768xf32, #tpu.memory_space<vmem>>[vector<16xi32>], vector<16xf32>, vector<16xi1>
          %add3A_562 = arith.constant 7 : i32
          %add3A_563 = arith.addi %mul3A_499, %add3A_562 : i32
          %add3A_564 = vector.broadcast %add3A_563 : i32 to vector<16xi32>
          %add3A_565 = arith.addi %mul3A_486, %add3A_564 : vector<16xi32>
          %add3A_566 = arith.constant 7 : i32
          %add3A_567 = arith.addi %mul3A_499, %add3A_566 : i32
          %add3A_568 = vector.broadcast %add3A_567 : i32 to vector<16xi32>
          %add3A_569 = arith.addi %add3A_490, %add3A_568 : vector<16xi32>
          %gather3A_570 = tpu.vector_load_idx %arg11[%add3A_565] : memref<18432xf32, #tpu.memory_space<vmem>>[vector<16xi32>], vector<16xf32>,
          tpu.vector_store_idx %arg13[%add3A_569], %gather3A_570 masked %ge3A_480 : memref<32768xf32, #tpu.memory_space<vmem>>[vector<16xi32>], vector<16xf32>, vector<16xi1>
          %add3A_571 = arith.constant 8 : i32
          %add3A_572 = arith.addi %mul3A_499, %add3A_571 : i32
          %add3A_573 = vector.broadcast %add3A_572 : i32 to vector<16xi32>
          %add3A_574 = arith.addi %mul3A_486, %add3A_573 : vector<16xi32>
          %add3A_575 = arith.constant 8 : i32
          %add3A_576 = arith.addi %mul3A_499, %add3A_575 : i32
          %add3A_577 = vector.broadcast %add3A_576 : i32 to vector<16xi32>
          %add3A_578 = arith.addi %add3A_490, %add3A_577 : vector<16xi32>
          %gather3A_579 = tpu.vector_load_idx %arg11[%add3A_574] : memref<18432xf32, #tpu.memory_space<vmem>>[vector<16xi32>], vector<16xf32>,
          tpu.vector_store_idx %arg13[%add3A_578], %gather3A_579 masked %ge3A_480 : memref<32768xf32, #tpu.memory_space<vmem>>[vector<16xi32>], vector<16xf32>, vector<16xi1>
          %add3A_580 = arith.constant 9 : i32
          %add3A_581 = arith.addi %mul3A_499, %add3A_580 : i32
          %add3A_582 = vector.broadcast %add3A_581 : i32 to vector<16xi32>
          %add3A_583 = arith.addi %mul3A_486, %add3A_582 : vector<16xi32>
          %add3A_584 = arith.constant 9 : i32
          %add3A_585 = arith.addi %mul3A_499, %add3A_584 : i32
          %add3A_586 = vector.broadcast %add3A_585 : i32 to vector<16xi32>
          %add3A_587 = arith.addi %add3A_490, %add3A_586 : vector<16xi32>
          %gather3A_588 = tpu.vector_load_idx %arg11[%add3A_583] : memref<18432xf32, #tpu.memory_space<vmem>>[vector<16xi32>], vector<16xf32>,
          tpu.vector_store_idx %arg13[%add3A_587], %gather3A_588 masked %ge3A_480 : memref<32768xf32, #tpu.memory_space<vmem>>[vector<16xi32>], vector<16xf32>, vector<16xi1>
          %add3A_589 = arith.constant 10 : i32
          %add3A_590 = arith.addi %mul3A_499, %add3A_589 : i32
          %add3A_591 = vector.broadcast %add3A_590 : i32 to vector<16xi32>
          %add3A_592 = arith.addi %mul3A_486, %add3A_591 : vector<16xi32>
          %add3A_593 = arith.constant 10 : i32
          %add3A_594 = arith.addi %mul3A_499, %add3A_593 : i32
          %add3A_595 = vector.broadcast %add3A_594 : i32 to vector<16xi32>
          %add3A_596 = arith.addi %add3A_490, %add3A_595 : vector<16xi32>
          %gather3A_597 = tpu.vector_load_idx %arg11[%add3A_592] : memref<18432xf32, #tpu.memory_space<vmem>>[vector<16xi32>], vector<16xf32>,
          tpu.vector_store_idx %arg13[%add3A_596], %gather3A_597 masked %ge3A_480 : memref<32768xf32, #tpu.memory_space<vmem>>[vector<16xi32>], vector<16xf32>, vector<16xi1>
          %add3A_598 = arith.constant 11 : i32
          %add3A_599 = arith.addi %mul3A_499, %add3A_598 : i32
          %add3A_600 = vector.broadcast %add3A_599 : i32 to vector<16xi32>
          %add3A_601 = arith.addi %mul3A_486, %add3A_600 : vector<16xi32>
          %add3A_602 = arith.constant 11 : i32
          %add3A_603 = arith.addi %mul3A_499, %add3A_602 : i32
          %add3A_604 = vector.broadcast %add3A_603 : i32 to vector<16xi32>
          %add3A_605 = arith.addi %add3A_490, %add3A_604 : vector<16xi32>
          %gather3A_606 = tpu.vector_load_idx %arg11[%add3A_601] : memref<18432xf32, #tpu.memory_space<vmem>>[vector<16xi32>], vector<16xf32>,
          tpu.vector_store_idx %arg13[%add3A_605], %gather3A_606 masked %ge3A_480 : memref<32768xf32, #tpu.memory_space<vmem>>[vector<16xi32>], vector<16xf32>, vector<16xi1>
          %add3A_607 = arith.constant 12 : i32
          %add3A_608 = arith.addi %mul3A_499, %add3A_607 : i32
          %add3A_609 = vector.broadcast %add3A_608 : i32 to vector<16xi32>
          %add3A_610 = arith.addi %mul3A_486, %add3A_609 : vector<16xi32>
          %add3A_611 = arith.constant 12 : i32
          %add3A_612 = arith.addi %mul3A_499, %add3A_611 : i32
          %add3A_613 = vector.broadcast %add3A_612 : i32 to vector<16xi32>
          %add3A_614 = arith.addi %add3A_490, %add3A_613 : vector<16xi32>
          %gather3A_615 = tpu.vector_load_idx %arg11[%add3A_610] : memref<18432xf32, #tpu.memory_space<vmem>>[vector<16xi32>], vector<16xf32>,
          tpu.vector_store_idx %arg13[%add3A_614], %gather3A_615 masked %ge3A_480 : memref<32768xf32, #tpu.memory_space<vmem>>[vector<16xi32>], vector<16xf32>, vector<16xi1>
          %add3A_616 = arith.constant 13 : i32
          %add3A_617 = arith.addi %mul3A_499, %add3A_616 : i32
          %add3A_618 = vector.broadcast %add3A_617 : i32 to vector<16xi32>
          %add3A_619 = arith.addi %mul3A_486, %add3A_618 : vector<16xi32>
          %add3A_620 = arith.constant 13 : i32
          %add3A_621 = arith.addi %mul3A_499, %add3A_620 : i32
          %add3A_622 = vector.broadcast %add3A_621 : i32 to vector<16xi32>
          %add3A_623 = arith.addi %add3A_490, %add3A_622 : vector<16xi32>
          %gather3A_624 = tpu.vector_load_idx %arg11[%add3A_619] : memref<18432xf32, #tpu.memory_space<vmem>>[vector<16xi32>], vector<16xf32>,
          tpu.vector_store_idx %arg13[%add3A_623], %gather3A_624 masked %ge3A_480 : memref<32768xf32, #tpu.memory_space<vmem>>[vector<16xi32>], vector<16xf32>, vector<16xi1>
          %add3A_625 = arith.constant 14 : i32
          %add3A_626 = arith.addi %mul3A_499, %add3A_625 : i32
          %add3A_627 = vector.broadcast %add3A_626 : i32 to vector<16xi32>
          %add3A_628 = arith.addi %mul3A_486, %add3A_627 : vector<16xi32>
          %add3A_629 = arith.constant 14 : i32
          %add3A_630 = arith.addi %mul3A_499, %add3A_629 : i32
          %add3A_631 = vector.broadcast %add3A_630 : i32 to vector<16xi32>
          %add3A_632 = arith.addi %add3A_490, %add3A_631 : vector<16xi32>
          %gather3A_633 = tpu.vector_load_idx %arg11[%add3A_628] : memref<18432xf32, #tpu.memory_space<vmem>>[vector<16xi32>], vector<16xf32>,
          tpu.vector_store_idx %arg13[%add3A_632], %gather3A_633 masked %ge3A_480 : memref<32768xf32, #tpu.memory_space<vmem>>[vector<16xi32>], vector<16xf32>, vector<16xi1>
          %add3A_634 = arith.constant 15 : i32
          %add3A_635 = arith.addi %mul3A_499, %add3A_634 : i32
          %add3A_636 = vector.broadcast %add3A_635 : i32 to vector<16xi32>
          %add3A_637 = arith.addi %mul3A_486, %add3A_636 : vector<16xi32>
          %add3A_638 = arith.constant 15 : i32
          %add3A_639 = arith.addi %mul3A_499, %add3A_638 : i32
          %add3A_640 = vector.broadcast %add3A_639 : i32 to vector<16xi32>
          %add3A_641 = arith.addi %add3A_490, %add3A_640 : vector<16xi32>
          %gather3A_642 = tpu.vector_load_idx %arg11[%add3A_637] : memref<18432xf32, #tpu.memory_space<vmem>>[vector<16xi32>], vector<16xf32>,
          tpu.vector_store_idx %arg13[%add3A_641], %gather3A_642 masked %ge3A_480 : memref<32768xf32, #tpu.memory_space<vmem>>[vector<16xi32>], vector<16xf32>, vector<16xi1>
        }
        %scan3A_496 = arith.constant 16 : i32
      }
      %scan3A_450 = arith.constant 8 : i32
      %while3A_451 = scf.while (%while3A_461 = %min3A_444) : (i32) -> i32 {
        %add3A_462 = arith.constant 64 : i32
        %add3A_463 = arith.addi %while3A_461, %add3A_462 : i32
        %le3A = arith.cmpi sle, %add3A_463, %reduce_max3A_408 : i32
        scf.condition(%le3A) %while3A_461 : i32
      } do {
      ^bb0(%while3A_461: i32):
        %add3A_462 = arith.constant 64 : i32
        %add3A_463 = arith.addi %while3A_461, %add3A_462 : i32
        %min3A_464 = arith.constant 1984 : i32
        %min3A_465 = arith.minsi %add3A_463, %min3A_464 : i32
        %add3A_466 = arith.addi %mul3A_24, %min3A_465 : i32
        %mul3A_467 = arith.constant 256 : i32
        %mul3A_468 = arith.muli %add3A_466, %mul3A_467 : i32
        %multiple_of3A_469 = tpu.assume_multiple %mul3A_468, 256 : i32
        "tpu.region"() ({
          %run_scoped3A = tpu.sem_alloc : memref<!tpu.dma_semaphore, #tpu.memory_space<semaphore_mem>>
          %dma_start3A_476 = arith.constant 0 : i32
          %dma_start3A_477 = tpu.memref_slice %arg11[%dma_start3A_476] : memref<18432xf32, #tpu.memory_space<vmem>> -> memref<16384xf32, #tpu.memory_space<vmem>>
          %dma_start3A_478 = tpu.memref_slice %arg2[%multiple_of3A_469] : memref<4194304xf32, #tpu.memory_space<hbm>> -> memref<16384xf32, #tpu.memory_space<hbm>>
          %dma_start3A_479 = arith.constant 0 : i32
          %dma_start3A_480 = tpu.memref_slice %arg11[%dma_start3A_479] : memref<18432xf32, #tpu.memory_space<vmem>> -> memref<16384xf32, #tpu.memory_space<vmem>>
          %dma_start3A_481 = tpu.memref_slice %arg2[%multiple_of3A_469] : memref<4194304xf32, #tpu.memory_space<hbm>> -> memref<16384xf32, #tpu.memory_space<hbm>>
          tpu.enqueue_dma source(%dma_start3A_481 : memref<16384xf32, #tpu.memory_space<hbm>>) target(%dma_start3A_480 : memref<16384xf32, #tpu.memory_space<vmem>>) target_semaphore(%run_scoped3A : memref<!tpu.dma_semaphore, #tpu.memory_space<semaphore_mem>>)
          %dma_wait3A_482 = arith.constant 0 : i32
          %dma_wait3A_483 = tpu.memref_slice %arg11[%dma_wait3A_482] : memref<18432xf32, #tpu.memory_space<vmem>> -> memref<16384xf32, #tpu.memory_space<vmem>>
          %dma_wait3A_484 = tpu.memref_slice %arg2[%multiple_of3A_469] : memref<4194304xf32, #tpu.memory_space<hbm>> -> memref<16384xf32, #tpu.memory_space<hbm>>
          %dma_wait3A_485 = arith.constant 0 : i32
          %dma_wait3A_486 = tpu.memref_slice %arg11[%dma_wait3A_485] : memref<18432xf32, #tpu.memory_space<vmem>> -> memref<16384xf32, #tpu.memory_space<vmem>>
          %dma_wait3A_487 = tpu.memref_slice %arg2[%multiple_of3A_469] : memref<4194304xf32, #tpu.memory_space<hbm>> -> memref<16384xf32, #tpu.memory_space<hbm>>
          tpu.wait_dma2 semaphore(%run_scoped3A : memref<!tpu.dma_semaphore, #tpu.memory_space<semaphore_mem>>) src(%dma_wait3A_487 : memref<16384xf32, #tpu.memory_space<hbm>>) dst(%dma_wait3A_486 : memref<16384xf32, #tpu.memory_space<vmem>>)
          tpu.yield
        }) : () -> ()
        %scan3A_470 = arith.constant 0 : i32
        %scan3A_471 = arith.constant 0 : i32
        %scan3A_472 = arith.constant 8 : i32
        %scan3A_473 = arith.addi %scan3A_471, %scan3A_472 : i32
        %scan3A_474 = arith.constant 1 : i32
        scf.for %scan3A_476 = %scan3A_471 to %scan3A_473 step %scan3A_474  : i32 {
          %mul3A_477 = arith.constant 16 : i32
          %mul3A_478 = arith.muli %scan3A_476, %mul3A_477 : i32
          %add3A_479 = arith.addi %mul3A_363, %mul3A_478 : i32
          %get3A_480 = arith.index_cast %add3A_479 : i32 to index
          %get3A_481 = tpu.vector_load %arg9[%get3A_480] {strides = array<i32>} : memref<3584xi32, #tpu.memory_space<vmem>>, vector<16xi32>,
          %lt3A_482 = arith.constant 0 : i32
          %lt3A_483 = vector.broadcast %lt3A_482 : i32 to vector<16xi32>
          %lt3A_484 = arith.cmpi slt, %get3A_481, %lt3A_483 : vector<16xi32>
          %add3A_485 = arith.constant 64 : i32
          %add3A_486 = arith.addi %min3A_465, %add3A_485 : i32
          %broadcast_in_dim3A_487 = vector.broadcast %add3A_486 : i32 to vector<16xi32>
          %select_n3A_488 = arith.select %lt3A_484, %broadcast_in_dim3A_487, %get3A_481 : vector<16xi1>, vector<16xi32>
          %sub3A_489 = vector.broadcast %min3A_465 : i32 to vector<16xi32>
          %sub3A_490 = arith.subi %select_n3A_488, %sub3A_489 : vector<16xi32>
          %min3A_491 = arith.constant 64 : i32
          %min3A_492 = vector.broadcast %min3A_491 : i32 to vector<16xi32>
          %min3A_493 = arith.minsi %sub3A_490, %min3A_492 : vector<16xi32>
          %ge3A = arith.constant 0 : i32
          %ge3A_494 = vector.broadcast %ge3A : i32 to vector<16xi32>
          %ge3A_495 = arith.cmpi sge, %min3A_493, %ge3A_494 : vector<16xi32>
          %max3A_496 = arith.constant 0 : i32
          %max3A_497 = vector.broadcast %max3A_496 : i32 to vector<16xi32>
          %max3A_498 = arith.maxsi %min3A_493, %max3A_497 : vector<16xi32>
          %mul3A_499 = arith.constant 256 : i32
          %mul3A_500 = vector.broadcast %mul3A_499 : i32 to vector<16xi32>
          %mul3A_501 = arith.muli %max3A_498, %mul3A_500 : vector<16xi32>
          %mul3A_502 = arith.constant 4096 : i32
          %mul3A_503 = arith.muli %scan3A_476, %mul3A_502 : i32
          %add3A_504 = vector.broadcast %mul3A_503 : i32 to vector<16xi32>
          %add3A_505 = arith.addi %mul3A_153, %add3A_504 : vector<16xi32>
          %scan3A_506 = arith.constant 0 : i32
          %scan3A_507 = arith.constant 0 : i32
          %scan3A_508 = arith.constant 16 : i32
          %scan3A_509 = arith.addi %scan3A_507, %scan3A_508 : i32
          %scan3A_510 = arith.constant 1 : i32
          scf.for %scan3A_512 = %scan3A_507 to %scan3A_509 step %scan3A_510  : i32 {
            %mul3A_513 = arith.constant 16 : i32
            %mul3A_514 = arith.muli %scan3A_512, %mul3A_513 : i32
            %add3A_515 = arith.constant 0 : i32
            %add3A_516 = arith.addi %mul3A_514, %add3A_515 : i32
            %add3A_517 = vector.broadcast %add3A_516 : i32 to vector<16xi32>
            %add3A_518 = arith.addi %mul3A_501, %add3A_517 : vector<16xi32>
            %add3A_519 = arith.constant 0 : i32
            %add3A_520 = arith.addi %mul3A_514, %add3A_519 : i32
            %add3A_521 = vector.broadcast %add3A_520 : i32 to vector<16xi32>
            %add3A_522 = arith.addi %add3A_505, %add3A_521 : vector<16xi32>
            %gather3A = tpu.vector_load_idx %arg11[%add3A_518] : memref<18432xf32, #tpu.memory_space<vmem>>[vector<16xi32>], vector<16xf32>,
            tpu.vector_store_idx %arg13[%add3A_522], %gather3A masked %ge3A_495 : memref<32768xf32, #tpu.memory_space<vmem>>[vector<16xi32>], vector<16xf32>, vector<16xi1>
            %add3A_523 = arith.constant 1 : i32
            %add3A_524 = arith.addi %mul3A_514, %add3A_523 : i32
            %add3A_525 = vector.broadcast %add3A_524 : i32 to vector<16xi32>
            %add3A_526 = arith.addi %mul3A_501, %add3A_525 : vector<16xi32>
            %add3A_527 = arith.constant 1 : i32
            %add3A_528 = arith.addi %mul3A_514, %add3A_527 : i32
            %add3A_529 = vector.broadcast %add3A_528 : i32 to vector<16xi32>
            %add3A_530 = arith.addi %add3A_505, %add3A_529 : vector<16xi32>
            %gather3A_531 = tpu.vector_load_idx %arg11[%add3A_526] : memref<18432xf32, #tpu.memory_space<vmem>>[vector<16xi32>], vector<16xf32>,
            tpu.vector_store_idx %arg13[%add3A_530], %gather3A_531 masked %ge3A_495 : memref<32768xf32, #tpu.memory_space<vmem>>[vector<16xi32>], vector<16xf32>, vector<16xi1>
            %add3A_532 = arith.constant 2 : i32
            %add3A_533 = arith.addi %mul3A_514, %add3A_532 : i32
            %add3A_534 = vector.broadcast %add3A_533 : i32 to vector<16xi32>
            %add3A_535 = arith.addi %mul3A_501, %add3A_534 : vector<16xi32>
            %add3A_536 = arith.constant 2 : i32
            %add3A_537 = arith.addi %mul3A_514, %add3A_536 : i32
            %add3A_538 = vector.broadcast %add3A_537 : i32 to vector<16xi32>
            %add3A_539 = arith.addi %add3A_505, %add3A_538 : vector<16xi32>
            %gather3A_540 = tpu.vector_load_idx %arg11[%add3A_535] : memref<18432xf32, #tpu.memory_space<vmem>>[vector<16xi32>], vector<16xf32>,
            tpu.vector_store_idx %arg13[%add3A_539], %gather3A_540 masked %ge3A_495 : memref<32768xf32, #tpu.memory_space<vmem>>[vector<16xi32>], vector<16xf32>, vector<16xi1>
            %add3A_541 = arith.constant 3 : i32
            %add3A_542 = arith.addi %mul3A_514, %add3A_541 : i32
            %add3A_543 = vector.broadcast %add3A_542 : i32 to vector<16xi32>
            %add3A_544 = arith.addi %mul3A_501, %add3A_543 : vector<16xi32>
            %add3A_545 = arith.constant 3 : i32
            %add3A_546 = arith.addi %mul3A_514, %add3A_545 : i32
            %add3A_547 = vector.broadcast %add3A_546 : i32 to vector<16xi32>
            %add3A_548 = arith.addi %add3A_505, %add3A_547 : vector<16xi32>
            %gather3A_549 = tpu.vector_load_idx %arg11[%add3A_544] : memref<18432xf32, #tpu.memory_space<vmem>>[vector<16xi32>], vector<16xf32>,
            tpu.vector_store_idx %arg13[%add3A_548], %gather3A_549 masked %ge3A_495 : memref<32768xf32, #tpu.memory_space<vmem>>[vector<16xi32>], vector<16xf32>, vector<16xi1>
            %add3A_550 = arith.constant 4 : i32
            %add3A_551 = arith.addi %mul3A_514, %add3A_550 : i32
            %add3A_552 = vector.broadcast %add3A_551 : i32 to vector<16xi32>
            %add3A_553 = arith.addi %mul3A_501, %add3A_552 : vector<16xi32>
            %add3A_554 = arith.constant 4 : i32
            %add3A_555 = arith.addi %mul3A_514, %add3A_554 : i32
            %add3A_556 = vector.broadcast %add3A_555 : i32 to vector<16xi32>
            %add3A_557 = arith.addi %add3A_505, %add3A_556 : vector<16xi32>
            %gather3A_558 = tpu.vector_load_idx %arg11[%add3A_553] : memref<18432xf32, #tpu.memory_space<vmem>>[vector<16xi32>], vector<16xf32>,
            tpu.vector_store_idx %arg13[%add3A_557], %gather3A_558 masked %ge3A_495 : memref<32768xf32, #tpu.memory_space<vmem>>[vector<16xi32>], vector<16xf32>, vector<16xi1>
            %add3A_559 = arith.constant 5 : i32
            %add3A_560 = arith.addi %mul3A_514, %add3A_559 : i32
            %add3A_561 = vector.broadcast %add3A_560 : i32 to vector<16xi32>
            %add3A_562 = arith.addi %mul3A_501, %add3A_561 : vector<16xi32>
            %add3A_563 = arith.constant 5 : i32
            %add3A_564 = arith.addi %mul3A_514, %add3A_563 : i32
            %add3A_565 = vector.broadcast %add3A_564 : i32 to vector<16xi32>
            %add3A_566 = arith.addi %add3A_505, %add3A_565 : vector<16xi32>
            %gather3A_567 = tpu.vector_load_idx %arg11[%add3A_562] : memref<18432xf32, #tpu.memory_space<vmem>>[vector<16xi32>], vector<16xf32>,
            tpu.vector_store_idx %arg13[%add3A_566], %gather3A_567 masked %ge3A_495 : memref<32768xf32, #tpu.memory_space<vmem>>[vector<16xi32>], vector<16xf32>, vector<16xi1>
            %add3A_568 = arith.constant 6 : i32
            %add3A_569 = arith.addi %mul3A_514, %add3A_568 : i32
            %add3A_570 = vector.broadcast %add3A_569 : i32 to vector<16xi32>
            %add3A_571 = arith.addi %mul3A_501, %add3A_570 : vector<16xi32>
            %add3A_572 = arith.constant 6 : i32
            %add3A_573 = arith.addi %mul3A_514, %add3A_572 : i32
            %add3A_574 = vector.broadcast %add3A_573 : i32 to vector<16xi32>
            %add3A_575 = arith.addi %add3A_505, %add3A_574 : vector<16xi32>
            %gather3A_576 = tpu.vector_load_idx %arg11[%add3A_571] : memref<18432xf32, #tpu.memory_space<vmem>>[vector<16xi32>], vector<16xf32>,
            tpu.vector_store_idx %arg13[%add3A_575], %gather3A_576 masked %ge3A_495 : memref<32768xf32, #tpu.memory_space<vmem>>[vector<16xi32>], vector<16xf32>, vector<16xi1>
            %add3A_577 = arith.constant 7 : i32
            %add3A_578 = arith.addi %mul3A_514, %add3A_577 : i32
            %add3A_579 = vector.broadcast %add3A_578 : i32 to vector<16xi32>
            %add3A_580 = arith.addi %mul3A_501, %add3A_579 : vector<16xi32>
            %add3A_581 = arith.constant 7 : i32
            %add3A_582 = arith.addi %mul3A_514, %add3A_581 : i32
            %add3A_583 = vector.broadcast %add3A_582 : i32 to vector<16xi32>
            %add3A_584 = arith.addi %add3A_505, %add3A_583 : vector<16xi32>
            %gather3A_585 = tpu.vector_load_idx %arg11[%add3A_580] : memref<18432xf32, #tpu.memory_space<vmem>>[vector<16xi32>], vector<16xf32>,
            tpu.vector_store_idx %arg13[%add3A_584], %gather3A_585 masked %ge3A_495 : memref<32768xf32, #tpu.memory_space<vmem>>[vector<16xi32>], vector<16xf32>, vector<16xi1>
            %add3A_586 = arith.constant 8 : i32
            %add3A_587 = arith.addi %mul3A_514, %add3A_586 : i32
            %add3A_588 = vector.broadcast %add3A_587 : i32 to vector<16xi32>
            %add3A_589 = arith.addi %mul3A_501, %add3A_588 : vector<16xi32>
            %add3A_590 = arith.constant 8 : i32
            %add3A_591 = arith.addi %mul3A_514, %add3A_590 : i32
            %add3A_592 = vector.broadcast %add3A_591 : i32 to vector<16xi32>
            %add3A_593 = arith.addi %add3A_505, %add3A_592 : vector<16xi32>
            %gather3A_594 = tpu.vector_load_idx %arg11[%add3A_589] : memref<18432xf32, #tpu.memory_space<vmem>>[vector<16xi32>], vector<16xf32>,
            tpu.vector_store_idx %arg13[%add3A_593], %gather3A_594 masked %ge3A_495 : memref<32768xf32, #tpu.memory_space<vmem>>[vector<16xi32>], vector<16xf32>, vector<16xi1>
            %add3A_595 = arith.constant 9 : i32
            %add3A_596 = arith.addi %mul3A_514, %add3A_595 : i32
            %add3A_597 = vector.broadcast %add3A_596 : i32 to vector<16xi32>
            %add3A_598 = arith.addi %mul3A_501, %add3A_597 : vector<16xi32>
            %add3A_599 = arith.constant 9 : i32
            %add3A_600 = arith.addi %mul3A_514, %add3A_599 : i32
            %add3A_601 = vector.broadcast %add3A_600 : i32 to vector<16xi32>
            %add3A_602 = arith.addi %add3A_505, %add3A_601 : vector<16xi32>
            %gather3A_603 = tpu.vector_load_idx %arg11[%add3A_598] : memref<18432xf32, #tpu.memory_space<vmem>>[vector<16xi32>], vector<16xf32>,
            tpu.vector_store_idx %arg13[%add3A_602], %gather3A_603 masked %ge3A_495 : memref<32768xf32, #tpu.memory_space<vmem>>[vector<16xi32>], vector<16xf32>, vector<16xi1>
            %add3A_604 = arith.constant 10 : i32
            %add3A_605 = arith.addi %mul3A_514, %add3A_604 : i32
            %add3A_606 = vector.broadcast %add3A_605 : i32 to vector<16xi32>
            %add3A_607 = arith.addi %mul3A_501, %add3A_606 : vector<16xi32>
            %add3A_608 = arith.constant 10 : i32
            %add3A_609 = arith.addi %mul3A_514, %add3A_608 : i32
            %add3A_610 = vector.broadcast %add3A_609 : i32 to vector<16xi32>
            %add3A_611 = arith.addi %add3A_505, %add3A_610 : vector<16xi32>
            %gather3A_612 = tpu.vector_load_idx %arg11[%add3A_607] : memref<18432xf32, #tpu.memory_space<vmem>>[vector<16xi32>], vector<16xf32>,
            tpu.vector_store_idx %arg13[%add3A_611], %gather3A_612 masked %ge3A_495 : memref<32768xf32, #tpu.memory_space<vmem>>[vector<16xi32>], vector<16xf32>, vector<16xi1>
            %add3A_613 = arith.constant 11 : i32
            %add3A_614 = arith.addi %mul3A_514, %add3A_613 : i32
            %add3A_615 = vector.broadcast %add3A_614 : i32 to vector<16xi32>
            %add3A_616 = arith.addi %mul3A_501, %add3A_615 : vector<16xi32>
            %add3A_617 = arith.constant 11 : i32
            %add3A_618 = arith.addi %mul3A_514, %add3A_617 : i32
            %add3A_619 = vector.broadcast %add3A_618 : i32 to vector<16xi32>
            %add3A_620 = arith.addi %add3A_505, %add3A_619 : vector<16xi32>
            %gather3A_621 = tpu.vector_load_idx %arg11[%add3A_616] : memref<18432xf32, #tpu.memory_space<vmem>>[vector<16xi32>], vector<16xf32>,
            tpu.vector_store_idx %arg13[%add3A_620], %gather3A_621 masked %ge3A_495 : memref<32768xf32, #tpu.memory_space<vmem>>[vector<16xi32>], vector<16xf32>, vector<16xi1>
            %add3A_622 = arith.constant 12 : i32
            %add3A_623 = arith.addi %mul3A_514, %add3A_622 : i32
            %add3A_624 = vector.broadcast %add3A_623 : i32 to vector<16xi32>
            %add3A_625 = arith.addi %mul3A_501, %add3A_624 : vector<16xi32>
            %add3A_626 = arith.constant 12 : i32
            %add3A_627 = arith.addi %mul3A_514, %add3A_626 : i32
            %add3A_628 = vector.broadcast %add3A_627 : i32 to vector<16xi32>
            %add3A_629 = arith.addi %add3A_505, %add3A_628 : vector<16xi32>
            %gather3A_630 = tpu.vector_load_idx %arg11[%add3A_625] : memref<18432xf32, #tpu.memory_space<vmem>>[vector<16xi32>], vector<16xf32>,
            tpu.vector_store_idx %arg13[%add3A_629], %gather3A_630 masked %ge3A_495 : memref<32768xf32, #tpu.memory_space<vmem>>[vector<16xi32>], vector<16xf32>, vector<16xi1>
            %add3A_631 = arith.constant 13 : i32
            %add3A_632 = arith.addi %mul3A_514, %add3A_631 : i32
            %add3A_633 = vector.broadcast %add3A_632 : i32 to vector<16xi32>
            %add3A_634 = arith.addi %mul3A_501, %add3A_633 : vector<16xi32>
            %add3A_635 = arith.constant 13 : i32
            %add3A_636 = arith.addi %mul3A_514, %add3A_635 : i32
            %add3A_637 = vector.broadcast %add3A_636 : i32 to vector<16xi32>
            %add3A_638 = arith.addi %add3A_505, %add3A_637 : vector<16xi32>
            %gather3A_639 = tpu.vector_load_idx %arg11[%add3A_634] : memref<18432xf32, #tpu.memory_space<vmem>>[vector<16xi32>], vector<16xf32>,
            tpu.vector_store_idx %arg13[%add3A_638], %gather3A_639 masked %ge3A_495 : memref<32768xf32, #tpu.memory_space<vmem>>[vector<16xi32>], vector<16xf32>, vector<16xi1>
            %add3A_640 = arith.constant 14 : i32
            %add3A_641 = arith.addi %mul3A_514, %add3A_640 : i32
            %add3A_642 = vector.broadcast %add3A_641 : i32 to vector<16xi32>
            %add3A_643 = arith.addi %mul3A_501, %add3A_642 : vector<16xi32>
            %add3A_644 = arith.constant 14 : i32
            %add3A_645 = arith.addi %mul3A_514, %add3A_644 : i32
            %add3A_646 = vector.broadcast %add3A_645 : i32 to vector<16xi32>
            %add3A_647 = arith.addi %add3A_505, %add3A_646 : vector<16xi32>
            %gather3A_648 = tpu.vector_load_idx %arg11[%add3A_643] : memref<18432xf32, #tpu.memory_space<vmem>>[vector<16xi32>], vector<16xf32>,
            tpu.vector_store_idx %arg13[%add3A_647], %gather3A_648 masked %ge3A_495 : memref<32768xf32, #tpu.memory_space<vmem>>[vector<16xi32>], vector<16xf32>, vector<16xi1>
            %add3A_649 = arith.constant 15 : i32
            %add3A_650 = arith.addi %mul3A_514, %add3A_649 : i32
            %add3A_651 = vector.broadcast %add3A_650 : i32 to vector<16xi32>
            %add3A_652 = arith.addi %mul3A_501, %add3A_651 : vector<16xi32>
            %add3A_653 = arith.constant 15 : i32
            %add3A_654 = arith.addi %mul3A_514, %add3A_653 : i32
            %add3A_655 = vector.broadcast %add3A_654 : i32 to vector<16xi32>
            %add3A_656 = arith.addi %add3A_505, %add3A_655 : vector<16xi32>
            %gather3A_657 = tpu.vector_load_idx %arg11[%add3A_652] : memref<18432xf32, #tpu.memory_space<vmem>>[vector<16xi32>], vector<16xf32>,
            tpu.vector_store_idx %arg13[%add3A_656], %gather3A_657 masked %ge3A_495 : memref<32768xf32, #tpu.memory_space<vmem>>[vector<16xi32>], vector<16xf32>, vector<16xi1>
          }
          %scan3A_511 = arith.constant 16 : i32
        }
        %scan3A_475 = arith.constant 8 : i32
        scf.yield %min3A_465 : i32
      }
      %add3A_452 = arith.addi %mul3A_2, %mul3A_4 : i32
      %mul3A_453 = arith.constant 128 : i32
      %mul3A_454 = arith.muli %add3A_338, %mul3A_453 : i32
      %add3A_455 = arith.addi %add3A_452, %mul3A_454 : i32
      %mul3A_456 = arith.constant 256 : i32
      %mul3A_457 = arith.muli %add3A_455, %mul3A_456 : i32
      %multiple_of3A_458 = tpu.assume_multiple %mul3A_457, 256 : i32
      %dma_start3A_459 = tpu.memref_slice %arg4[%multiple_of3A_458] : memref<29360128xf32, #tpu.memory_space<hbm>> -> memref<32768xf32, #tpu.memory_space<hbm>>
      %dma_start3A_460 = tpu.memref_slice %arg4[%multiple_of3A_458] : memref<29360128xf32, #tpu.memory_space<hbm>> -> memref<32768xf32, #tpu.memory_space<hbm>>
      tpu.enqueue_dma source(%arg13 : memref<32768xf32, #tpu.memory_space<vmem>>) target(%dma_start3A_460 : memref<32768xf32, #tpu.memory_space<hbm>>) target_semaphore(%arg16 : memref<!tpu.dma_semaphore, #tpu.memory_space<semaphore_mem>>)
    }
    %scan3A_195 = arith.constant 14 : i32
    %add3A_196 = arith.addi %mul3A_2, %mul3A_4 : i32
    %add3A_197 = arith.constant 0 : i32
    %add3A_198 = arith.addi %add3A_196, %add3A_197 : i32
    %mul3A_199 = arith.constant 256 : i32
    %mul3A_200 = arith.muli %add3A_198, %mul3A_199 : i32
    %multiple_of3A_201 = tpu.assume_multiple %mul3A_200, 256 : i32
    %dma_wait3A = tpu.memref_slice %arg4[%multiple_of3A_201] : memref<29360128xf32, #tpu.memory_space<hbm>> -> memref<32768xf32, #tpu.memory_space<hbm>>
    %dma_wait3A_202 = tpu.memref_slice %arg4[%multiple_of3A_201] : memref<29360128xf32, #tpu.memory_space<hbm>> -> memref<32768xf32, #tpu.memory_space<hbm>>
    tpu.wait_dma2 semaphore(%arg15 : memref<!tpu.dma_semaphore, #tpu.memory_space<semaphore_mem>>) src(%arg12 : memref<32768xf32, #tpu.memory_space<vmem>>) dst(%dma_wait3A_202 : memref<32768xf32, #tpu.memory_space<hbm>>)
    %add3A_203 = arith.addi %mul3A_2, %mul3A_4 : i32
    %add3A_204 = arith.constant 0 : i32
    %add3A_205 = arith.addi %add3A_203, %add3A_204 : i32
    %mul3A_206 = arith.constant 256 : i32
    %mul3A_207 = arith.muli %add3A_205, %mul3A_206 : i32
    %multiple_of3A_208 = tpu.assume_multiple %mul3A_207, 256 : i32
    %dma_wait3A_209 = tpu.memref_slice %arg4[%multiple_of3A_208] : memref<29360128xf32, #tpu.memory_space<hbm>> -> memref<32768xf32, #tpu.memory_space<hbm>>
    %dma_wait3A_210 = tpu.memref_slice %arg4[%multiple_of3A_208] : memref<29360128xf32, #tpu.memory_space<hbm>> -> memref<32768xf32, #tpu.memory_space<hbm>>
    tpu.wait_dma2 semaphore(%arg16 : memref<!tpu.dma_semaphore, #tpu.memory_space<semaphore_mem>>) src(%arg13 : memref<32768xf32, #tpu.memory_space<vmem>>) dst(%dma_wait3A_210 : memref<32768xf32, #tpu.memory_space<hbm>>)
    return
  }
}

</mosaic_0001>

<sc_bundles>
// kernel: _upsample_sc.3.cloned.1.call-start
scs
__scs_entry_jumppad:
0x0: {  	(pc) =	sbr.rel $0x88, $3  }
0x1: {  	(tag) =	ssettag $0x0;
	lr =	simm.s32 $0x1  }
0x2: {  	[smem:$0x3F9F] =	sst lr;
	_ =	strace $0xD0000000  }
0x3: {  	_ = 	snop  }
0x4: {  	_ = 	snop  }
0x5: {  	_ = 	snop  }
0x6: {  	_ = 	snop  }
0x7: {  	_ = 	snop  }
__scs_overlays_trampoline_lowered:
0x8: {  	[smem:$0x3FAE] =	sst s0  }
0x9: {  	[smem:$0x3FAF] =	sst s1  }
0xa: {  	[smem:$0x3FB0] =	sst s2  }
0xb: {  	[smem:$0x3FB1] =	sst s3  }
0xc: {  	[smem:$0x3FB2] =	sst s4  }
0xd: {  	[smem:$0x3FB3] =	sst s5  }
0xe: {  	[smem:$0x3FB4] =	sst s6  }
0xf: {  	[smem:$0x3FB5] =	sst s7  }
0x10: {  	[smem:$0x3FB6] =	sst s8  }
0x11: {  	[smem:$0x3FB7] =	sst s9;
	s0 =	simm.s32 @!p0 $0x0  }
0x12: {  	s1 =	sld [smem:$0x3F9D];
	s0 =	simm.s32 @p0 $0x1  }
0x13: {  	[smem:$0x3FB8] =	sst s0;
	s0 =	simm.s32 @!p1 $0x0  }
0x14: {  	s2 =	sld [smem:$0x3F9C];
	s0 =	simm.s32 @p1 $0x1  }
0x15: {  	[smem:$0x3FB9] =	sst s0;
	s0 =	simm.s32 @!p2 $0x0  }
0x16: {  	s3 =	sld [smem:$0x3FDB];
	s0 =	simm.s32 @p2 $0x1  }
0x17: {  	s4 =	simm.s32 $0x1BF5;
	[smem:$0x3FBB] =	sst s0  }
0x18: {  	s0 =	sld [smem:$0x3F9E];
	_ =	swait.ge [sflag:s4], $0x0  }
0x19: {  	s7 =	sld [smem:$0x3F9F]  }
0x1a: {  	s8 =	sadd.s32 $0xFFFFE003, lr  }
0x1b: {  	s9 =	sadd.s32 $0xFFFFFEF7, lr;
	s5 =	simm.s32 $0xFFFFFFFF;
	p2 =	slt.u32 s8, $0xFFFFF086  }
0x1c: {  	p1 =	slt.u32 s9, $0xF7A;
	s5 =	simm.s32 @!p2 $0x0  }
0x1d: {  	s5 =	simm.s32 @p1 $0x1;
	p0 =	seq.s32 s7, s2  }
0x1e: {  	s7 =	smul.u32 @!p0 $0xF7A, s2;
	p2 =	seq.s32 @!p0 s5, $0x0  }
0x1f: {  	s9 =	smul.u32 $0xF7A, s1;
	s8 =	simm.s32 @!p0 $0x1BF5;
	p2 =	por !p2, p0  }
0x20: {  	[sflag:s8] =	ssyncset.s32 @!p0 $0xFFFFF086;
	s6 =	sadd.s32 @!p0 s3, s7;
	s7 =	simm.s32 @!p0 $0x108  }
0x21: {  	s3 =	sadd.s32 s3, s9;
	s6 =	sadd.s32 @!p0 $0x88, s6;
	s7 =	simm.s32 @p2 $0x1082  }
0x22: {  	[simem:s7], [sflag:s8] =	dma.local @!p0 [hbm:s6], $0xF7A  }
0x23: {  	s9 =	sor.u32 $0xD0000000, s2;
	s6 =	simm.s32 $0x108;
	_ =	swait.ge @!p0 [sflag:s8], $0x0  }
0x24: {  	s3 =	sadd.s32 $0x88, s3;
	s6 =	simm.s32 @!p1 $0x1082;
	[sflag:s4] =	ssyncset.s32 $0xFFFFF086  }
0x25: {  	[simem:s6], [sflag:s4] =	dma.local [hbm:s3], $0xF7A  }
0x26: {  	[smem:$0x3F9F] =	sst s1;
	(tag) =	ssettag s2;
	_ =	strace s9  }
0x27: {  	s1 =	sld [smem:$0x3FAF]  }
0x28: {  	s2 =	sld [smem:$0x3FB0]  }
0x29: {  	s4 =	sld [smem:$0x3FB2]  }
0x2a: {  	p0 =	seq.s32 s5, $0x0;
	s5 =	sld [smem:$0x3FB3]  }
0x2b: {  	s6 =	sld [smem:$0x3FB4]  }
0x2c: {  	s7 =	sld [smem:$0x3FB5]  }
0x2d: {  	s3 =	simm.s32 $0x108;
	s8 =	sld [smem:$0x3FB6]  }
0x2e: {  	s3 =	simm.s32 @!p0 $0x1082;
	s9 =	sld [smem:$0x3FB7]  }
0x2f: {  	lr =	sadd.s32 s0, s3;
	s0 =	sld [smem:$0x3FAE]  }
0x30: {  	s3 =	sld [smem:$0x3FB1]  }
0x31: {  	[smem:$0x3FBA] =	sst s10  }
0x32: {  	s10 =	sld [smem:$0x3FB8];
	_ =	sdelay $0x3  }
0x33: {  	p0 =	seq.s32 s10, $0x1;
	s10 =	sld [smem:$0x3FBA];
	_ =	sdelay $0x3  }
0x34: {  	[smem:$0x3FBA] =	sst s10  }
0x35: {  	s10 =	sld [smem:$0x3FB9];
	_ =	sdelay $0x3  }
0x36: {  	p1 =	seq.s32 s10, $0x1;
	s10 =	sld [smem:$0x3FBA];
	_ =	sdelay $0x3  }
0x37: {  	[smem:$0x3FBA] =	sst s10  }
0x38: {  	s10 =	sld [smem:$0x3FBB]  }
0x39: {  	_ = 	snop;
	(pc) =	sbr.ind lr, $3  }
0x3a: {  	_ = 	snop  }
0x3b: {  	_ = 	snop  }
0x3c: {  	p2 =	seq.s32 s10, $0x1;
	s10 =	sld [smem:$0x3FBA]  }
0x3d: {  	_ =	shalt  }
0x3e: {  	_ =	shalt  }
0x3f: {  	_ =	shalt  }
0x40: {  	_ =	shalt  }
0x41: {  	_ =	shalt  }
0x42: {  	_ =	shalt  }
0x43: {  	_ =	shalt  }
0x44: {  	_ =	shalt  }
0x45: {  	_ =	shalt  }
0x46: {  	_ =	shalt  }
0x47: {  	_ =	shalt  }
0x48: {  	_ =	shalt  }
0x49: {  	_ =	shalt  }
0x4a: {  	_ =	shalt  }
0x4b: {  	_ =	shalt  }
0x4c: {  	_ =	shalt  }
0x4d: {  	_ =	shalt  }
0x4e: {  	_ =	shalt  }
0x4f: {  	_ =	shalt  }
0x50: {  	_ =	shalt  }
0x51: {  	_ =	shalt  }
0x52: {  	_ =	shalt  }
0x53: {  	_ =	shalt  }
0x54: {  	_ =	shalt  }
0x55: {  	_ =	shalt  }
0x56: {  	_ =	shalt  }
0x57: {  	_ =	shalt  }
0x58: {  	_ =	shalt  }
0x59: {  	_ =	shalt  }
0x5a: {  	_ =	shalt  }
0x5b: {  	_ =	shalt  }
0x5c: {  	_ =	shalt  }
0x5d: {  	_ =	shalt  }
0x5e: {  	_ =	shalt  }
0x5f: {  	_ =	shalt  }
0x60: {  	_ =	shalt  }
0x61: {  	_ =	shalt  }
0x62: {  	_ =	shalt  }
0x63: {  	_ =	shalt  }
0x64: {  	_ =	shalt  }
0x65: {  	_ =	shalt  }
0x66: {  	_ =	shalt  }
0x67: {  	_ =	shalt  }
0x68: {  	_ =	shalt  }
0x69: {  	_ =	shalt  }
0x6a: {  	_ =	shalt  }
0x6b: {  	_ =	shalt  }
0x6c: {  	_ =	shalt  }
0x6d: {  	_ =	shalt  }
0x6e: {  	_ =	shalt  }
0x6f: {  	_ =	shalt  }
0x70: {  	_ =	shalt  }
0x71: {  	_ =	shalt  }
0x72: {  	_ =	shalt  }
0x73: {  	_ =	shalt  }
0x74: {  	_ =	shalt  }
0x75: {  	_ =	shalt  }
0x76: {  	_ =	shalt  }
0x77: {  	_ =	shalt  }
0x78: {  	_ =	shalt  }
0x79: {  	_ =	shalt  }
0x7a: {  	_ =	shalt  }
0x7b: {  	_ =	shalt  }
0x7c: {  	_ =	shalt  }
0x7d: {  	_ =	shalt  }
0x7e: {  	_ =	shalt  }
0x7f: {  	_ =	shalt  }
0x80: {  	_ =	shalt  }
0x81: {  	_ =	shalt  }
0x82: {  	_ =	shalt  }
0x83: {  	_ =	shalt  }
0x84: {  	_ =	shalt  }
0x85: {  	_ =	shalt  }
0x86: {  	_ =	shalt  }
0x87: {  	_ =	shalt  }
.Lfunc_end0:
.L_simem_size_0:
called_computation_lowered:
.L_overlay_start_0:
0x88: {  	s2 =	sld [smem:$0x3FD9]  }
0x89: {  	s3 =	sld [smem:$0x3FFE];
	_ =	sdelay $0x1  }
0x8a: {  	s1 =	srdreg.scid  }
0x8b: {  	s0 =	sand.u32 $0x1, s1  }
0x8c: {  	s15 =	sshll.u32 s0, $0xA;
	s2 =	sadd.s32 s3, s2  }
0x8d: {  	s2 =	sadd.s32 s2, s15  }
0x8e: {  	[smem:$0x3FC6] =	sst s2  }
0x8f: {  	_ = 	snop  }
0x90: {  	s2 =	sld [smem:$0x3FD0];
	_ =	sdelay $0x1  }
0x91: {  	s16 =	sld [smem:$0x3FC9]  }
0x92: {  	s5 =	simm.s32 $0xA;
	s6 =	simm.s32 $0x10;
	s4 =	sld [smem:$0x3FC8]  }
0x93: {  	[smem:s6], [sflag:s5] =	dma.local [hbm:s2], $0x1  }
0x94: {  	_ =	swait.eq [sflag:s5], $0x1  }
0x95: {  	[sflag:s5] =	ssyncset.done $0x0  }
0x96: {  	s17 =	sld [smem:$0x10];
	[sflag:s5] =	ssyncadd.s32 $0xFFFFFFFF  }
0x97: {  	s18 =	sld [smem:$0x11];
	(tm) =	ssettm $0x1  }
0x98: {  	s19 =	sld [smem:$0x3FFB];
	_ =	sdelay $0x3  }
0x99: {  	_ =	strace s19  }
0x9a: {  	s6 =	sld [smem:$0x3FFC];
	_ =	sdelay $0x3  }
0x9b: {  	_ =	strace s6  }
0x9c: {  	s6 =	sld [smem:$0x3FFD];
	_ =	sdelay $0x3  }
0x9d: {  	_ =	strace s6  }
0x9e: {  	_ =	strace $0x8FFFFFFF  }
0x9f: {  	s20 =	sld [smem:$0x3FDB];
	_ =	sdelay $0x1  }
0xa0: {  	s7 =	simm.s32 $_scs_section_size  }
0xa1: {  	s8 =	simm.s32 $_size__tile_overlayer_lowered;
	s9 =	simm.s32 $_tile_overlayer_lowered  }
0xa2: {  	s23 =	simm.s32 $0x1BFF;
	s22 =	sshll.u32 s9, $0x1;
	s6 =	sadd.s32 s7, s20  }
0xa3: {  	s10 =	simm.s32 $0x0;
	s21 =	sshll.u32 s8, $0x1;
	s8 =	sadd.s32 s22, s6  }
0xa4: {  	[timem:s10], [sflag:s23] =	dma.local [hbm:s8], s21  }
0xa5: {  	_ =	swait.ge [sflag:s23], s21  }
0xa6: {  	s7 =	ssub.s32 $0x0, s21;
	[sflag:s23] =	ssyncset.done $0x0  }
0xa7: {  	[sflag:s23] =	ssyncadd.s32 s7;
	_ =	sdelay $0x1  }
0xa8: {  	s24 =	simm.s32 $0x1B8B  }
0xa9: {  	_ =	swait.ge [sflag:s24], $0x1  }
0xaa: {  	[sflag:s24] =	ssyncset.done $0x0  }
0xab: {  	s25 =	simm.s32 $0x1B8E;
	[sflag:s24] =	ssyncadd.s32 $0xFFFFFFFF  }
0xac: {  	s26 =	simm.s32 $execute0_lowered;
	[smem:$0x3FD2] =	sst s25  }
0xad: {  	s7 =	sshll.u32 s26, $0x1;
	_ =	strace $0x80000046;
	[dreg:$0x1] =	wrdreg $0xFFFFFFFF  }
0xae: {  	s28 =	simm.s32 $_size_execute0_lowered;
	s6 =	sadd.s32 s6, s7;
	[dreg:$0x0] =	wrdreg $0x0  }
0xaf: {  	s7 =	sshll.u32 s28, $0x1;
	[dreg:$0x2] =	wrdreg s6  }
0xb0: {  	[dreg:$0x3] =	wrdreg s7  }
0xb1: {  	[dreg:$0x4] =	wrdreg $0xC0  }
0xb2: {  	_ =	task [dreg:s10], $0x5FFFF  }
0xb3: {  	[dreg:$0x1] =	wrdreg $0xFFFFFFFF  }
0xb4: {  	[dreg:$0x0] =	wrdreg $0x60  }
0xb5: {  	[dreg:$0x2] =	wrdreg s16  }
0xb6: {  	[dreg:$0x3] =	wrdreg s4  }
0xb7: {  	[dreg:$0x4] =	wrdreg s17  }
0xb8: {  	[dreg:$0x5] =	wrdreg s18  }
0xb9: {  	[dreg:$0x6] =	wrdreg $0x40000  }
0xba: {  	[dreg:$0x7] =	wrdreg $0x9  }
0xbb: {  	_ =	task.clear_ibuf [dreg:s10], $0x8FFFF;
	_ =	strace $0x90000046  }
0xbc: {  	s29 =	simm.s32 $0x9;
	_ =	strace $0x80000048  }
0xbd: {  	_ =	swait.ge [sflag:s29], $0x1  }
0xbe: {  	[sflag:s29] =	ssyncadd.s32 $0xFFFFFFFF  }
0xbf: {  	_ =	strace $0x90000048  }
0xc0: {  	_ =	sfence  }
0xc1: {  	s30 =	sld [smem:$0x0];
	_ =	sdelay $0x2  }
0xc2: {  	s31 =	sshll.u32 s1, $0xD;
	s1 =	sshrl.u32 s1, $0x2  }
0xc3: {  	s3 =	sand.u32 $0x4000, s31;
	s1 =	sadd.s32 s1, s30  }
0xc4: {  	s0 =	sor.u32 s3, s0;
	s1 =	sshll.u32 s1, $0x11  }
0xc5: {  	s0 =	sor.u32 s1, s0  }
0xc6: {  	s0 =	sadd.s32 $0x8F2B, s0  }
0xc7: {  	[sflag:s0] =	ssyncadd.remote.s32 $0x1  }
0xc8: {  	_ =	sfence.sel $0xFFFF  }
0xc9: {  	[dreg:$0x0] =	wrdreg $0xFFFFFFFF;
	(pc) =	sbr.abs _section_cstart, $3  }
0xca: {  	[dreg:$0x1] =	wrdreg $0xFFFFFFFF  }
0xcb: {  	_ =	task.clear_ibuf [dreg:s10], $0x2FFFF;
	_ =	strace $0x9FFFFFFF  }
0xcc: {  	(tm) =	ssettm $0x7FFFFFFF  }
0xcd: {  	_ =	shalt  }
tec
execute0_lowered:
.L_overlay_start_1:
0x0: {  	(tag) =	ssettag $0x1  }
0x1: {  	s1 =	rddreg [dreg:$0x0]  }
0x2: {  	s0 =	rddreg [dreg:$0x1]  }
0x3: {  	s2 =	rddreg [dreg:$0x2]  }
0x4: {  	s3 =	rddreg [dreg:$0x3]  }
0x5: {  	s9 =	rddreg [dreg:$0x4];
	s5 =	srdreg.scid  }
0x6: {  	s4 =	simm.s32 $0x0;
	s14 =	stileid.u32;
	s15 =	simm.s32 $0x800  }
0x7: {  	s18 =	simm.s32 $0x5C00;
	s19 =	simm.s32 $0x3;
	s20 =	simm.s32 $0xA400  }
0x8: {  	s21 =	simm.s32 $0xEC00;
	s22 =	simm.s32 $0x4;
	s23 =	simm.s32 $0x16C00  }
0x9: {  	s24 =	simm.s32 $0x1;
	s25 =	simm.s32 $0x2;
	s26 =	simm.s32 $0x0  }
0xa: {  	s7 =	sand.u32 $0x1, s5;
	[smem:$0x7FF] =	sst s4;
	s10 =	smul.u32 $0xE000, s14  }
0xb: {  	s8 =	sshll.u32 s14, $0x4;
	s30 =	smul.u32 $0xE00, s14;
	s31 =	sshll.u32 s14, $0x9  }
0xc: {  	p0 =	sgt.u32 s14, $0x3;
	s14 =	simm.s32 $0x5;
	s5 =	ssub.s32 $0x2, s7  }
0xd: {  	s6 =	sshll.u32 s7, $0x6;
	_ =	strace $0x80000047;
	s12 =	smul.u32 $0xE000, s7  }
.Ltmp0:
0xe: {  	s13 =	sshll.u32 s7, $0xD;
	s11 =	sshrl.u32 s5, $0x1;
	(pc) =	sbr.rel .LBB2_1-.Ltmp0, $4  }
0xf: {  	s8 =	sadd.s32 s8, s6;
	s29 =	sshrl.u32 s10, $0x2;
	s10 =	sand.u32 $0x1800, s31  }
0x10: {  	s11 =	ssub.s32 s5, s11;
	s0 =	sadd.s32 s0, s8;
	s6 =	sadd.s32 s29, s9  }
0x11: {  	v0 =	vlaneseq.u32;
	s7 =	sadd.s32 s3, s8;
	s8 =	sor.u32 s13, s10;
	s9 =	sadd.s32 s30, s9  }
0x12: {  	v1 =	vimm.s32 $0x0;
	v2 =	vimm.f32 $0.0e+00;
	v3 =	vmul.u32 $0x100, v0;
	s10 =	sadd.s32 s30, s12;
	[dreg:$0x6] =	wrdreg s0;
	s11 =	smax.u32 s11, $0x1  }
.LBB2_21:
0x13: {  	s26 =	sadd.s32 $0x1, s26  }
0x14: {  	_ =	swait.ge [sflag:s24], $0x8000;
	p1 =	sne.s32 s26, s11  }
.Ltmp1:
0x15: {  	[sflag:s24] =	ssyncset.done $0x0;
	(pc) =	sbr.rel @!p1 .LBB2_22-.Ltmp1, $4  }
0x16: {  	[sflag:s24] =	ssyncadd.s32 $0xFFFF8000  }
0x17: {  	_ =	swait.ge [sflag:s25], $0x8000  }
0x18: {  	[sflag:s25] =	ssyncset.done $0x0  }
0x19: {  	[sflag:s25] =	ssyncadd.s32 $0xFFFF8000  }
.LBB2_1:
.Ltmp2:
0x1a: {  	(pc) =	sbr.rel @p0 .LBB2_9-.Ltmp2, $1  }
0x1b: {  	_ =	sdelay $0x3  }
0x1c: {  	s0 =	simm.s32 $0x0  }
0x1d: {  	s3 =	rddreg [dreg:$0x6];
	s5 =	simm.s32 $0x80;
	s12 =	simm.s32 $0x400  }
0x1e: {  	[tilespmem:s0], [sflag:$0x5] =	stream.strided.gather [hbm4b:s3+s5], $0x800, s12, s5, $0x38;
	[tilespmem:$0x1EC80] =	vst v63  }
0x1f: {  	_ =	swait.ge [sflag:s14], $0x800  }
0x20: {  	[sflag:s14] =	ssyncset.done $0x0  }
0x21: {  	s3 =	simm.s32 $0x40;
	s12 =	simm.s32 $0x0;
	[sflag:s14] =	ssyncadd.s32 $0xFFFFF800  }
.LBB2_3:
0x22: {  	p1 =	seq.s32 s3, $0xDFC0;
	[tilespmem:s12+$0x800] =	vst v1;
	s12 =	smov.u32 s3;
	s3 =	sadd.s32 $0x40, s3  }
.Ltmp3:
0x23: {  	(pc) =	sbr.rel @!p1 .LBB2_3-.Ltmp3, $2  }
0x24: {  	_ =	sdelay $0x2  }
0x25: {  	s12 =	sshra.s32 s12, $0x2  }
0x26: {  	[tilespmem:s12+$0x800] =	vst v1  }
0x27: {  	v4 =	vld [tilespmem:s0+$0x0];
	_ =	sdelay $0x4  }
0x28: {  	(xrf0) =	vadd.scan.msk.s32 $0xffff, v4;
	_ =	sdelay $0x5  }
0x29: {  	v5, _, _ =	vpop (xrf0)  }
0x2a: {  	v5 =	vadd.s32 s0, v5  }
0x2b: {  	v6 =	vxor.u32 $0x80000000, v5  }
0x2c: {  	(xrf0) =	vmax.scan.msk.u32 $0xffff, v6;
	_ =	sdelay $0x2  }
0x2d: {  	v5 =	vsub.s32 v5, v4  }
0x2e: {  	vm0 =	vgt.s32 v4, $0x0;
	vm1 =	vlt.s32 v5, $0x3800  }
0x2f: {  	vm0 =	vmand vm0, vm1  }
0x30: {  	v6, _, _ =	vpop (xrf0)  }
0x31: {  	(v2sf) =	vpush v6, $0xF;
	_ =	sdelay $0x2  }
0x32: {  	v4 =	vor.u32 s0, v0  }
0x33: {  	s3 =	simm.s32 $0x10;
	[tilespmem:v5+s15+$0x0] =	vst.idx.msk vm0, v4  }
0x34: {  	v4 =	vld [tilespmem:s3+$0x0];
	_ =	sdelay $0x4  }
0x35: {  	(xrf0) =	vadd.scan.msk.s32 $0xffff, v4;
	_ =	sdelay $0x3  }
0x36: {  	s13 =	simm.s32 $0x30  }
0x37: {  	s12 =	simm.s32 $0x10;
	s0 =	simm.s32 $0x20;
	s16 =	spop (v2sf)  }
.LBB2_5:
0x38: {  	p1 =	seq.s32 s13, $0x7F0;
	v5, _, _ =	vpop (xrf0);
	s16 =	sxor.u32 $0x80000000, s16  }
0x39: {  	v5 =	vadd.s32 s16, v5  }
0x3a: {  	v6 =	vsub.s32 v5, v4;
	v5 =	vxor.u32 $0x80000000, v5  }
0x3b: {  	vm0 =	vgt.s32 v4, $0x0;
	vm1 =	vlt.s32 v6, $0x3800;
	(xrf0) =	vmax.scan.msk.u32 $0xffff, v5  }
0x3c: {  	vm0 =	vmand vm0, vm1;
	_ =	sdelay $0x4  }
0x3d: {  	v4 =	vor.u32 s3, v0;
	s3 =	smov.u32 s0;
	s0 =	smov.u32 s13;
	v5, _, _ =	vpop (xrf0)  }
0x3e: {  	[tilespmem:v6+s15+$0x0] =	vst.idx.msk vm0, v4;
	(v2sf) =	vpush v5, $0xF;
	_ =	sdelay $0x3  }
0x3f: {  	s12 =	sadd.s32 $0x10, s12  }
0x40: {  	v4 =	vld [tilespmem:s12+$0x0];
	_ =	sdelay $0x4  }
0x41: {  	(xrf0) =	vadd.scan.msk.s32 $0xffff, v4  }
.Ltmp4:
0x42: {  	(pc) =	sbr.rel @!p1 .LBB2_5-.Ltmp4, $2  }
0x43: {  	_ =	sdelay $0x2  }
0x44: {  	s13 =	sadd.s32 $0x10, s13;
	s16 =	spop (v2sf)  }
0x45: {  	v5, _, _ =	vpop (xrf0);
	s13 =	sxor.u32 $0x80000000, s16  }
0x46: {  	v5 =	vadd.s32 s13, v5  }
0x47: {  	v6 =	vxor.u32 $0x80000000, v5  }
0x48: {  	(xrf0) =	vmax.scan.msk.u32 $0xffff, v6;
	_ =	sdelay $0x2  }
0x49: {  	v5 =	vsub.s32 v5, v4  }
0x4a: {  	vm0 =	vgt.s32 v4, $0x0;
	vm1 =	vlt.s32 v5, $0x3800  }
0x4b: {  	vm0 =	vmand vm0, vm1  }
0x4c: {  	v4, _, _ =	vpop (xrf0)  }
0x4d: {  	(v2sf) =	vpush v4, $0xF;
	_ =	sdelay $0x2  }
0x4e: {  	v4 =	vor.u32 s3, v0  }
0x4f: {  	s17 =	sadd.s32 $0x10, s12;
	[tilespmem:v5+s15+$0x0] =	vst.idx.msk vm0, v4  }
0x50: {  	v4 =	vld [tilespmem:s17+$0x0];
	_ =	sdelay $0x4  }
0x51: {  	(xrf0) =	vadd.scan.msk.s32 $0xffff, v4;
	_ =	sdelay $0x4  }
0x52: {  	s28 =	spop (v2sf)  }
0x53: {  	v5, _, _ =	vpop (xrf0);
	s3 =	sxor.u32 $0x80000000, s28  }
0x54: {  	v5 =	vadd.s32 s3, v5  }
0x55: {  	v6 =	vxor.u32 $0x80000000, v5;
	v5 =	vsub.s32 v5, v4  }
0x56: {  	vm12 =	vgt.s32 v4, $0x0;
	vm13 =	vlt.s32 v5, $0x3800  }
0x57: {  	vm0 =	vmand vm12, vm13  }
0x58: {  	(xrf0) =	vmax.scan.msk.u32 $0xffff, v6;
	_ =	sdelay $0x3  }
0x59: {  	v4 =	vor.u32 s0, v0  }
0x5a: {  	s31 =	simm.s32 $0x800;
	[tilespmem:v5+s15+$0x0] =	vst.idx.msk vm0, v4  }
0x5b: {  	v6, _, _ =	vpop (xrf0);
	v5 =	vld [tilespmem:s31+$0x0]  }
0x5c: {  	(v2sf) =	vpush v6, $0xF;
	_ =	sdelay $0x3  }
0x5d: {  	v5 =	vxor.u32 $0x80000000, v5  }
0x5e: {  	(xrf0) =	vmax.scan.msk.u32 $0xffff, v5;
	_ =	sdelay $0x5  }
0x5f: {  	v5, _, _ =	vpop (xrf0)  }
0x60: {  	s30 =	simm.s32 $0x0;
	v5 =	vxor.u32 $0x80000000, v5  }
0x61: {  	vm14 =	vgt.s32 v5, s30  }
0x62: {  	v5 =	vnsel vm14, s30, v5  }
0x63: {  	s29 =	spop (v2sf);
	v6 =	vxor.u32 $0x80000000, v5  }
0x64: {  	s0 =	sxor.u32 $0x80000000, s29;
	(xrf0) =	vmax.scan.msk.u32 $0xffff, v6  }
0x65: {  	v4 =	vmov s0;
	v6 =	vor.u32 s30, v0  }
0x66: {  	vm15 =	vlt.s32 v6, v4  }
0x67: {  	v5 =	vnsel vm15, $0xFFFFFFFF, v5;
	_ =	sdelay $0x2  }
0x68: {  	[tilespmem:s31+$0x0] =	vst v5;
	v5, _, _ =	vpop (xrf0)  }
0x69: {  	(v2sf) =	vpush v5, $0xF;
	_ =	sdelay $0x1  }
0x6a: {  	s3 =	simm.s32 $0x810  }
0x6b: {  	v5 =	vld [tilespmem:s3+$0x0];
	_ =	sdelay $0x3  }
0x6c: {  	s12 =	simm.s32 $0x10;
	s13 =	simm.s32 $0x30;
	s0 =	simm.s32 $0x20  }
.LBB2_7:
0x6d: {  	p1 =	sne.s32 s13, $0x37F0;
	v5 =	vxor.u32 $0x80000000, v5  }
0x6e: {  	(xrf0) =	vmax.scan.msk.u32 $0xffff, v5;
	_ =	sdelay $0x5  }
0x6f: {  	v5, _, _ =	vpop (xrf0);
	s16 =	spop (v2sf)  }
0x70: {  	v5 =	vxor.u32 $0x80000000, v5;
	s16 =	sxor.u32 $0x80000000, s16  }
0x71: {  	v6 =	vor.u32 s12, v0;
	s12 =	smov.u32 s0;
	s0 =	smov.u32 s13;
	vm0 =	vgt.s32 v5, s16  }
0x72: {  	v5 =	vnsel vm0, s16, v5;
	vm0 =	vlt.s32 v6, v4  }
0x73: {  	v6 =	vnsel vm0, $0xFFFFFFFF, v5;
	v5 =	vxor.u32 $0x80000000, v5  }
0x74: {  	[tilespmem:s3+$0x0] =	vst v6;
	(xrf0) =	vmax.scan.msk.u32 $0xffff, v5;
	_ =	sdelay $0x5  }
0x75: {  	v5, _, _ =	vpop (xrf0)  }
0x76: {  	(v2sf) =	vpush v5, $0xF;
	_ =	sdelay $0x1  }
0x77: {  	s3 =	sadd.s32 $0x10, s3  }
.Ltmp5:
0x78: {  	v5 =	vld [tilespmem:s3+$0x0];
	(pc) =	sbr.rel @p1 .LBB2_7-.Ltmp5, $2  }
0x79: {  	_ =	sdelay $0x2  }
0x7a: {  	s13 =	sadd.s32 $0x10, s13  }
0x7b: {  	v5 =	vxor.u32 $0x80000000, v5  }
0x7c: {  	(xrf0) =	vmax.scan.msk.u32 $0xffff, v5;
	_ =	sdelay $0x5  }
0x7d: {  	v5, _, _ =	vpop (xrf0);
	s13 =	spop (v2sf)  }
0x7e: {  	v5 =	vxor.u32 $0x80000000, v5;
	s13 =	sxor.u32 $0x80000000, s13  }
0x7f: {  	vm0 =	vgt.s32 v5, s13  }
0x80: {  	v5 =	vnsel vm0, s13, v5  }
0x81: {  	v6 =	vxor.u32 $0x80000000, v5  }
0x82: {  	(xrf0) =	vmax.scan.msk.u32 $0xffff, v6;
	_ =	sdelay $0x5  }
0x83: {  	v61 =	vor.u32 s12, v0;
	v7, _, _ =	vpop (xrf0)  }
0x84: {  	vm13 =	vlt.s32 v61, v4;
	(v2sf) =	vpush v7, $0xF  }
0x85: {  	v5 =	vnsel vm13, $0xFFFFFFFF, v5  }
0x86: {  	s29 =	sadd.s32 $0x10, s3;
	[tilespmem:s3+$0x0] =	vst v5  }
0x87: {  	v5 =	vld [tilespmem:s29+$0x0];
	_ =	sdelay $0x4  }
0x88: {  	v5 =	vxor.u32 $0x80000000, v5  }
0x89: {  	(xrf0) =	vmax.scan.msk.u32 $0xffff, v5;
	_ =	sdelay $0x5  }
0x8a: {  	v5, _, _ =	vpop (xrf0);
	s30 =	spop (v2sf)  }
0x8b: {  	v5 =	vxor.u32 $0x80000000, v5;
	s12 =	sxor.u32 $0x80000000, s30  }
0x8c: {  	vm14 =	vgt.s32 v5, s12  }
0x8d: {  	v5 =	vnsel vm14, s12, v5  }
0x8e: {  	v62 =	vxor.u32 $0x80000000, v5  }
0x8f: {  	(xrf0) =	vmax.scan.msk.u32 $0xffff, v62;
	_ =	sdelay $0x5  }
0x90: {  	v6, _, _ =	vpop (xrf0)  }
0x91: {  	(v2sf) =	vpush v6, $0xF;
	_ =	sdelay $0x9  }
0x92: {  	v63 =	vor.u32 s0, v0  }
0x93: {  	vm15 =	vlt.s32 v63, v4  }
0x94: {  	v5 =	vnsel vm15, $0xFFFFFFFF, v5  }
0x95: {  	[tilespmem:s29+$0x0] =	vst v5  }
0x96: {  	[spmem:s6] =	stream.linear.scatter [tilespmem:s15], [sflag:$0x5], $0x3800, $0x38;
	[tilespmem:$0x1EC80] =	vst v63  }
0x97: {  	s31 =	spop (v2sf)  }
0x98: {  	_ =	swait.ge [sflag:s14], $0x3800  }
0x99: {  	[sflag:s14] =	ssyncset.done $0x0  }
0x9a: {  	[sflag:s14] =	ssyncadd.s32 $0xFFFFC800  }
0x9b: {  	s0 =	simm.s32 $0x1EC00;
	[tilespmem:$0x1EC00] =	vst v4  }
0x9c: {  	[hbm4b:s7+s4] =	stream.linear.scatter [tilespmem:s0], [sflag:$0x5], $0x80, $0x38;
	[tilespmem:$0x1EC80] =	vst v63  }
0x9d: {  	_ =	swait.ge [sflag:s14], $0x80  }
0x9e: {  	[sflag:s14] =	ssyncset.done $0x0  }
0x9f: {  	[sflag:s14] =	ssyncadd.s32 $0xFFFFFF80  }
.LBB2_9:
0xa0: {  	[bflag:$0x0] =	sbarrier.arrive $0xFFFF;
	s0 =	simm.s32 $0x4E00  }
0xa1: {  	[tilespmem:s0], [sflag:$0x5] =	stream.linear.gather [spmem:s9], $0xE00, $0x38;
	[tilespmem:$0x1EC80] =	vst v63  }
0xa2: {  	_ =	swait.ge [sflag:s14], $0xE00  }
0xa3: {  	[sflag:s14] =	ssyncset.done $0x0  }
0xa4: {  	[sflag:s14] =	ssyncadd.s32 $0xFFFFF200  }
0xa5: {  	v4 =	vld [tilespmem:$0x4E00];
	_ =	sdelay $0x4  }
0xa6: {  	[tilespmem:$0x9C00] =	vst v2;
	(v2sf) =	vpush v4, $0x0  }
0xa7: {  	[tilespmem:$0xE400] =	vst v2  }
0xa8: {  	[tilespmem:$0x9C10] =	vst v2  }
0xa9: {  	[tilespmem:$0xE410] =	vst v2  }
0xaa: {  	[tilespmem:$0x9C20] =	vst v2  }
0xab: {  	[tilespmem:$0xE420] =	vst v2  }
0xac: {  	[tilespmem:$0x9C30] =	vst v2  }
0xad: {  	[tilespmem:$0xE430] =	vst v2  }
0xae: {  	[tilespmem:$0x9C40] =	vst v2  }
0xaf: {  	[tilespmem:$0xE440] =	vst v2  }
0xb0: {  	[tilespmem:$0x9C50] =	vst v2  }
0xb1: {  	[tilespmem:$0xE450] =	vst v2  }
0xb2: {  	[tilespmem:$0x9C60] =	vst v2  }
0xb3: {  	[tilespmem:$0xE460] =	vst v2  }
0xb4: {  	[tilespmem:$0x9C70] =	vst v2  }
0xb5: {  	[tilespmem:$0xE470] =	vst v2;
	s0 =	spop (v2sf)  }
0xb6: {  	[tilespmem:$0x9C80] =	vst v2;
	p1 =	sgt.s32 s0, $0x0  }
0xb7: {  	[tilespmem:$0xE480] =	vst v2;
	p2 =	slt.s32 s0, $0x1;
	s0 =	simm.s32 @!p1 $0x0  }
0xb8: {  	[tilespmem:$0x9C90] =	vst v2;
	s3 =	sand.u32 $0x7, s0  }
0xb9: {  	[tilespmem:$0xE490] =	vst v2;
	p6 =	sne.s32 s3, $0x0  }
0xba: {  	[tilespmem:$0x9CA0] =	vst v2;
	p1 =	por !p2, !p6  }
0xbb: {  	[tilespmem:$0xE4A0] =	vst v2;
	s3 =	simm.s32 $0xFFFFFFFF;
	p1 =	por !p1, !p1  }
0xbc: {  	[tilespmem:$0x9CB0] =	vst v2;
	s3 =	simm.s32 @!p1 $0x0  }
0xbd: {  	[tilespmem:$0xE4B0] =	vst v2;
	s3 =	sshll.u32 s3, $0x3  }
0xbe: {  	[tilespmem:$0x9CC0] =	vst v2;
	s0 =	sadd.s32 s0, s3  }
0xbf: {  	[tilespmem:$0xE4C0] =	vst v2;
	s0 =	sand.u32 $0xFFFFFFF8, s0  }
0xc0: {  	[tilespmem:$0x9CD0] =	vst v2;
	p1 =	slt.s32 s0, $0x7C0  }
0xc1: {  	[tilespmem:$0xE4D0] =	vst v2;
	s0 =	simm.s32 @!p1 $0x7C0  }
.Ltmp6:
0xc2: {  	[tilespmem:$0x9CE0] =	vst v2;
	s0 =	sadd.s32 s8, s0;
	(pc) =	sbr.rel .LBB2_10-.Ltmp6, $4  }
0xc3: {  	[tilespmem:$0xE4E0] =	vst v2;
	s0 =	sshll.u32 s0, $0x5  }
0xc4: {  	[tilespmem:$0x9CF0] =	vst v2;
	s0 =	sand.u32 $0x1FFFFF00, s0  }
0xc5: {  	s28 =	simm.s32 $0x0;
	[tilespmem:$0xE4F0] =	vst v2;
	s0 =	sadd.s32 s1, s0  }
0xc6: {  	[tilespmem:s18], [sflag:$0x3] =	stream.linear.gather [hbm4b:s0+s28], $0x4000, $0x38;
	[tilespmem:$0x1EC80] =	vst v63  }
.LBB2_20:
0xc7: {  	s28 =	sadd.s32 $0x1, s28  }
0xc8: {  	p1 =	sne.s32 s28, $0xE  }
.Ltmp7:
0xc9: {  	s0 =	sadd.s32 s10, s29;
	(pc) =	sbr.rel @!p1 .LBB2_21-.Ltmp7, $4  }
0xca: {  	s0 =	sshll.u32 s0, $0x5  }
0xcb: {  	s0 =	sand.u32 $0x1FFFF000, s0  }
0xcc: {  	s0 =	sadd.s32 s2, s0  }
0xcd: {  	[hbm4b:s0+s4] =	stream.linear.scatter [tilespmem:s23], [sflag:$0x2], $0x8000, $0x38;
	[tilespmem:$0x1EC80] =	vst v63  }
.LBB2_10:
0xce: {  	_ =	swait.ge [sflag:s19], $0x4000;
	s0 =	sshllo.u32 s28, $0x1  }
0xcf: {  	[sflag:s19] =	ssyncset.done $0x0;
	s29 =	sshll.u32 s0, $0x7  }
0xd0: {  	[sflag:s19] =	ssyncadd.s32 $0xFFFFC000;
	s30 =	sand.u32 $0x3FFFFF80, s29  }
0xd1: {  	v4 =	vld [tilespmem:s30+$0x4E00];
	_ =	sdelay $0x4  }
0xd2: {  	(v2sf) =	vpush v4, $0x0;
	_ =	sdelay $0xe  }
0xd3: {  	s0 =	spop (v2sf)  }
0xd4: {  	p1 =	sgt.s32 s0, $0x0  }
0xd5: {  	p2 =	slt.s32 s0, $0x1;
	s0 =	simm.s32 @!p1 $0x0  }
0xd6: {  	s3 =	sand.u32 $0x7, s0  }
0xd7: {  	p4 =	sne.s32 s3, $0x0  }
0xd8: {  	p1 =	por !p2, !p4  }
0xd9: {  	s3 =	simm.s32 $0xFFFFFFFF;
	p1 =	por !p1, !p1  }
0xda: {  	s3 =	simm.s32 @!p1 $0x0  }
0xdb: {  	s3 =	sshll.u32 s3, $0x3  }
0xdc: {  	s0 =	sadd.s32 s0, s3  }
0xdd: {  	s0 =	sand.u32 $0xFFFFFFF8, s0  }
0xde: {  	p1 =	slt.s32 s0, $0x7C0  }
0xdf: {  	s0 =	simm.s32 @!p1 $0x7C0  }
0xe0: {  	s0 =	sadd.s32 s8, s0  }
0xe1: {  	s0 =	sshll.u32 s0, $0x5  }
0xe2: {  	s0 =	sand.u32 $0x1FFFFF00, s0  }
0xe3: {  	p1 =	seq.s32 s28, $0x0;
	s0 =	sadd.s32 s1, s0  }
0xe4: {  	[tilespmem:s20], [sflag:$0x4] =	stream.linear.gather [hbm4b:s0+s4], $0x4000, $0x38;
	[tilespmem:$0x1EC80] =	vst v63  }
0xe5: {  	s0 =	simm.s32 @!p1 $0x1  }
0xe6: {  	_ =	swait.ge @!p1 [sflag:s0], $0x8000  }
0xe7: {  	[sflag:s0] =	ssyncset.done @!p1 $0x0  }
0xe8: {  	s31 =	sshll.u32 s28, $0x8;
	[sflag:s0] =	ssyncadd.s32 @!p1 $0xFFFF8000  }
0xe9: {  	v5 =	vld [tilespmem:s31+$0x4E00];
	_ =	sdelay $0x4  }
0xea: {  	(v2sf) =	vpush v5, $0x0;
	_ =	sdelay $0xe  }
0xeb: {  	s0 =	spop (v2sf)  }
0xec: {  	p1 =	sgt.s32 s0, $0x0  }
0xed: {  	p5 =	slt.s32 s0, $0x1;
	s0 =	simm.s32 @!p1 $0x0  }
0xee: {  	s17 =	sand.u32 $0x7, s0  }
0xef: {  	p6 =	sne.s32 s17, $0x0  }
0xf0: {  	p1 =	por !p5, !p6  }
0xf1: {  	s3 =	simm.s32 $0xFFFFFFFF;
	p1 =	por !p1, !p1  }
0xf2: {  	s3 =	simm.s32 @!p1 $0x0  }
0xf3: {  	v6 =	vld [tilespmem:s31+$0x4E10];
	s3 =	sshll.u32 s3, $0x3  }
0xf4: {  	v7 =	vld [tilespmem:s31+$0x4E20];
	s0 =	sadd.s32 s0, s3  }
0xf5: {  	v8 =	vld [tilespmem:s31+$0x4E30];
	s3 =	sand.u32 $0xFFFFFFF8, s0  }
0xf6: {  	v9 =	vld [tilespmem:s31+$0x4E40];
	p1 =	slt.s32 s3, $0x7C0  }
0xf7: {  	v10 =	vld [tilespmem:s31+$0x4E50];
	s3 =	simm.s32 @!p1 $0x7C0  }
0xf8: {  	s12 =	sadd.s32 $0x4E00, s31;
	v11 =	vld [tilespmem:s31+$0x4E60];
	s0 =	sadd.s32 $0x40, s3  }
0xf9: {  	v4 =	vmov s12;
	v12 =	vld [tilespmem:s31+$0x4E70];
	v14 =	vmov s3;
	s3 =	simm.s32 $0x0;
	v13 =	vmov s0  }
.LBB2_11:
0xfa: {  	_ =	sdelay $0x1  }
0xfb: {  	s12 =	sshll.u32 s3, $0x4  }
0xfc: {  	s12 =	sand.u32 $0x3FFFFFF0, s12  }
0xfd: {  	v15 =	vld.idx.msk [tilespmem:v4+s12+$0x0 ss:$0x1], $0xffff;
	_ =	sdelay $0x4  }
0xfe: {  	vm0 =	vlt.s32 v15, $0x0  }
0xff: {  	v15 =	vsel vm0, v13, v15  }
0x100: {  	v17 =	vsub.s32 v15, v14  }
0x101: {  	vm0 =	vgt.s32 v17, $0x0  }
0x102: {  	v15 =	vnsel vm0, $0x0, v17  }
0x103: {  	v15 =	vmin.u32 v15, $0x40  }
0x104: {  	s5 =	simm.s32 $0x0;
	v15 =	vshll.u32 v15, $0x8  }
0x105: {  	v18 =	vor.u32 s5, v15;
	_ =	sdelay $0x2  }
0x106: {  	s13 =	sshll.u32 s3, $0xC  }
0x107: {  	v16 =	vor.u32 s13, v3;
	vm0 =	vgt.s32 v17, $0xFFFFFFFF  }
0x108: {  	s13 =	simm.s32 $0x1;
	v17 =	vld.idx.msk [tilespmem:v18+s18+$0x0], $0xffff;
	v18 =	vor.u32 s5, v16  }
0x109: {  	v19 =	vor.u32 s13, v15;
	_ =	sdelay $0x3  }
0x10a: {  	[tilespmem:v18+s21+$0x0] =	vst.idx.msk vm0, v17  }
0x10b: {  	s16 =	simm.s32 $0x2;
	v18 =	vor.u32 s13, v16;
	v17 =	vld.idx.msk [tilespmem:v19+s18+$0x0], $0xffff  }
0x10c: {  	v19 =	vor.u32 s16, v15;
	_ =	sdelay $0x3  }
0x10d: {  	[tilespmem:v18+s21+$0x0] =	vst.idx.msk vm0, v17  }
0x10e: {  	s17 =	simm.s32 $0x3;
	v18 =	vor.u32 s16, v16;
	v17 =	vld.idx.msk [tilespmem:v19+s18+$0x0], $0xffff  }
0x10f: {  	v19 =	vor.u32 s17, v15;
	_ =	sdelay $0x3  }
0x110: {  	[tilespmem:v18+s21+$0x0] =	vst.idx.msk vm0, v17  }
0x111: {  	s5 =	simm.s32 $0x4;
	v18 =	vor.u32 s17, v16;
	v17 =	vld.idx.msk [tilespmem:v19+s18+$0x0], $0xffff  }
0x112: {  	v19 =	vor.u32 s5, v15;
	_ =	sdelay $0x3  }
0x113: {  	[tilespmem:v18+s21+$0x0] =	vst.idx.msk vm0, v17  }
0x114: {  	s13 =	simm.s32 $0x5;
	v18 =	vor.u32 s5, v16;
	v17 =	vld.idx.msk [tilespmem:v19+s18+$0x0], $0xffff  }
0x115: {  	v19 =	vor.u32 s13, v15;
	_ =	sdelay $0x3  }
0x116: {  	[tilespmem:v18+s21+$0x0] =	vst.idx.msk vm0, v17  }
0x117: {  	s16 =	simm.s32 $0x6;
	v18 =	vor.u32 s13, v16;
	v17 =	vld.idx.msk [tilespmem:v19+s18+$0x0], $0xffff  }
0x118: {  	v19 =	vor.u32 s16, v15;
	_ =	sdelay $0x3  }
0x119: {  	[tilespmem:v18+s21+$0x0] =	vst.idx.msk vm0, v17  }
0x11a: {  	s17 =	simm.s32 $0x7;
	v18 =	vor.u32 s16, v16;
	v17 =	vld.idx.msk [tilespmem:v19+s18+$0x0], $0xffff  }
0x11b: {  	v19 =	vor.u32 s17, v15;
	_ =	sdelay $0x3  }
0x11c: {  	[tilespmem:v18+s21+$0x0] =	vst.idx.msk vm0, v17  }
0x11d: {  	s5 =	simm.s32 $0x8;
	v18 =	vor.u32 s17, v16;
	v17 =	vld.idx.msk [tilespmem:v19+s18+$0x0], $0xffff  }
0x11e: {  	v19 =	vor.u32 s5, v15;
	_ =	sdelay $0x3  }
0x11f: {  	[tilespmem:v18+s21+$0x0] =	vst.idx.msk vm0, v17  }
0x120: {  	s13 =	simm.s32 $0x9;
	v18 =	vor.u32 s5, v16;
	v17 =	vld.idx.msk [tilespmem:v19+s18+$0x0], $0xffff  }
0x121: {  	v19 =	vor.u32 s13, v15;
	_ =	sdelay $0x3  }
0x122: {  	[tilespmem:v18+s21+$0x0] =	vst.idx.msk vm0, v17  }
0x123: {  	s16 =	simm.s32 $0xA;
	v18 =	vor.u32 s13, v16;
	v17 =	vld.idx.msk [tilespmem:v19+s18+$0x0], $0xffff  }
0x124: {  	v19 =	vor.u32 s16, v15;
	_ =	sdelay $0x3  }
0x125: {  	[tilespmem:v18+s21+$0x0] =	vst.idx.msk vm0, v17  }
0x126: {  	s17 =	simm.s32 $0xB;
	v18 =	vor.u32 s16, v16;
	v17 =	vld.idx.msk [tilespmem:v19+s18+$0x0], $0xffff  }
0x127: {  	v19 =	vor.u32 s17, v15;
	_ =	sdelay $0x3  }
0x128: {  	[tilespmem:v18+s21+$0x0] =	vst.idx.msk vm0, v17  }
0x129: {  	s5 =	simm.s32 $0xC;
	v18 =	vor.u32 s17, v16;
	v17 =	vld.idx.msk [tilespmem:v19+s18+$0x0], $0xffff  }
0x12a: {  	v19 =	vor.u32 s5, v15;
	_ =	sdelay $0x3  }
0x12b: {  	[tilespmem:v18+s21+$0x0] =	vst.idx.msk vm0, v17  }
0x12c: {  	s13 =	simm.s32 $0xD;
	v18 =	vor.u32 s5, v16;
	v17 =	vld.idx.msk [tilespmem:v19+s18+$0x0], $0xffff  }
0x12d: {  	v19 =	vor.u32 s13, v15;
	_ =	sdelay $0x3  }
0x12e: {  	[tilespmem:v18+s21+$0x0] =	vst.idx.msk vm0, v17  }
0x12f: {  	s16 =	simm.s32 $0xE;
	v18 =	vor.u32 s13, v16;
	v17 =	vld.idx.msk [tilespmem:v19+s18+$0x0], $0xffff  }
0x130: {  	v19 =	vor.u32 s16, v15;
	_ =	sdelay $0x3  }
0x131: {  	[tilespmem:v18+s21+$0x0] =	vst.idx.msk vm0, v17  }
0x132: {  	s17 =	simm.s32 $0xF;
	v18 =	vor.u32 s16, v16;
	v17 =	vld.idx.msk [tilespmem:v19+s18+$0x0], $0xffff  }
0x133: {  	v19 =	vor.u32 s17, v15;
	_ =	sdelay $0x3  }
0x134: {  	[tilespmem:v18+s21+$0x0] =	vst.idx.msk vm0, v17  }
0x135: {  	s12 =	simm.s32 $0x1F;
	s13 =	simm.s32 $0x2F;
	s16 =	simm.s32 $0x10;
	v18 =	vor.u32 s17, v16;
	v17 =	vld.idx.msk [tilespmem:v19+s18+$0x0], $0xffff  }
.LBB2_12:
0x136: {  	p1 =	sne.s32 s13, $0xFF;
	v19 =	vor.u32 s16, v15;
	_ =	sdelay $0x3  }
0x137: {  	[tilespmem:v18+s21+$0x0] =	vst.idx.msk vm0, v17  }
0x138: {  	v17 =	vld.idx.msk [tilespmem:v19+s18+$0x0], $0xffff  }
0x139: {  	v18 =	vor.u32 s16, v16;
	s16 =	sadd.s32 $0xFFFFFFF2, s12  }
0x13a: {  	v19 =	vor.u32 s16, v15;
	_ =	sdelay $0x3  }
0x13b: {  	[tilespmem:v18+s21+$0x0] =	vst.idx.msk vm0, v17  }
0x13c: {  	v17 =	vld.idx.msk [tilespmem:v19+s18+$0x0], $0xffff  }
0x13d: {  	v18 =	vor.u32 s16, v16;
	s16 =	sadd.s32 $0xFFFFFFF3, s12  }
0x13e: {  	v19 =	vor.u32 s16, v15;
	_ =	sdelay $0x3  }
0x13f: {  	[tilespmem:v18+s21+$0x0] =	vst.idx.msk vm0, v17  }
0x140: {  	v17 =	vld.idx.msk [tilespmem:v19+s18+$0x0], $0xffff  }
0x141: {  	v18 =	vor.u32 s16, v16;
	s16 =	sadd.s32 $0xFFFFFFF4, s12  }
0x142: {  	v19 =	vor.u32 s16, v15;
	_ =	sdelay $0x3  }
0x143: {  	[tilespmem:v18+s21+$0x0] =	vst.idx.msk vm0, v17  }
0x144: {  	v17 =	vld.idx.msk [tilespmem:v19+s18+$0x0], $0xffff  }
0x145: {  	v18 =	vor.u32 s16, v16;
	s16 =	sadd.s32 $0xFFFFFFF5, s12  }
0x146: {  	v19 =	vor.u32 s16, v15;
	_ =	sdelay $0x3  }
0x147: {  	[tilespmem:v18+s21+$0x0] =	vst.idx.msk vm0, v17  }
0x148: {  	v17 =	vld.idx.msk [tilespmem:v19+s18+$0x0], $0xffff  }
0x149: {  	v18 =	vor.u32 s16, v16;
	s16 =	sadd.s32 $0xFFFFFFF6, s12  }
0x14a: {  	v19 =	vor.u32 s16, v15;
	_ =	sdelay $0x3  }
0x14b: {  	[tilespmem:v18+s21+$0x0] =	vst.idx.msk vm0, v17  }
0x14c: {  	v17 =	vld.idx.msk [tilespmem:v19+s18+$0x0], $0xffff  }
0x14d: {  	v18 =	vor.u32 s16, v16;
	s16 =	sadd.s32 $0xFFFFFFF7, s12  }
0x14e: {  	v19 =	vor.u32 s16, v15;
	_ =	sdelay $0x3  }
0x14f: {  	[tilespmem:v18+s21+$0x0] =	vst.idx.msk vm0, v17  }
0x150: {  	v17 =	vld.idx.msk [tilespmem:v19+s18+$0x0], $0xffff  }
0x151: {  	v18 =	vor.u32 s16, v16;
	s16 =	sadd.s32 $0xFFFFFFF8, s12  }
0x152: {  	v19 =	vor.u32 s16, v15;
	_ =	sdelay $0x3  }
0x153: {  	[tilespmem:v18+s21+$0x0] =	vst.idx.msk vm0, v17  }
0x154: {  	v17 =	vld.idx.msk [tilespmem:v19+s18+$0x0], $0xffff  }
0x155: {  	v18 =	vor.u32 s16, v16;
	s16 =	sadd.s32 $0xFFFFFFF9, s12  }
0x156: {  	v19 =	vor.u32 s16, v15;
	_ =	sdelay $0x3  }
0x157: {  	[tilespmem:v18+s21+$0x0] =	vst.idx.msk vm0, v17  }
0x158: {  	v17 =	vld.idx.msk [tilespmem:v19+s18+$0x0], $0xffff  }
0x159: {  	v18 =	vor.u32 s16, v16;
	s16 =	sadd.s32 $0xFFFFFFFA, s12  }
0x15a: {  	v19 =	vor.u32 s16, v15;
	_ =	sdelay $0x3  }
0x15b: {  	[tilespmem:v18+s21+$0x0] =	vst.idx.msk vm0, v17  }
0x15c: {  	v17 =	vld.idx.msk [tilespmem:v19+s18+$0x0], $0xffff  }
0x15d: {  	v18 =	vor.u32 s16, v16;
	s16 =	sadd.s32 $0xFFFFFFFB, s12  }
0x15e: {  	v19 =	vor.u32 s16, v15;
	_ =	sdelay $0x3  }
0x15f: {  	[tilespmem:v18+s21+$0x0] =	vst.idx.msk vm0, v17  }
0x160: {  	v17 =	vld.idx.msk [tilespmem:v19+s18+$0x0], $0xffff  }
0x161: {  	v18 =	vor.u32 s16, v16;
	s16 =	sadd.s32 $0xFFFFFFFC, s12  }
0x162: {  	v19 =	vor.u32 s16, v15;
	_ =	sdelay $0x3  }
0x163: {  	[tilespmem:v18+s21+$0x0] =	vst.idx.msk vm0, v17  }
0x164: {  	v17 =	vld.idx.msk [tilespmem:v19+s18+$0x0], $0xffff  }
0x165: {  	v18 =	vor.u32 s16, v16;
	s16 =	sadd.s32 $0xFFFFFFFD, s12  }
0x166: {  	v19 =	vor.u32 s16, v15;
	_ =	sdelay $0x3  }
0x167: {  	[tilespmem:v18+s21+$0x0] =	vst.idx.msk vm0, v17  }
0x168: {  	v17 =	vld.idx.msk [tilespmem:v19+s18+$0x0], $0xffff  }
0x169: {  	v18 =	vor.u32 s16, v16;
	s16 =	sadd.s32 $0xFFFFFFFE, s12  }
0x16a: {  	v19 =	vor.u32 s16, v15;
	_ =	sdelay $0x3  }
0x16b: {  	[tilespmem:v18+s21+$0x0] =	vst.idx.msk vm0, v17  }
0x16c: {  	v17 =	vld.idx.msk [tilespmem:v19+s18+$0x0], $0xffff  }
0x16d: {  	v18 =	vor.u32 s16, v16;
	s16 =	sadd.s32 $0xFFFFFFFF, s12  }
0x16e: {  	v19 =	vor.u32 s16, v15;
	_ =	sdelay $0x3  }
0x16f: {  	[tilespmem:v18+s21+$0x0] =	vst.idx.msk vm0, v17  }
0x170: {  	v17 =	vld.idx.msk [tilespmem:v19+s18+$0x0], $0xffff  }
0x171: {  	v18 =	vor.u32 s16, v16  }
0x172: {  	v19 =	vor.u32 s12, v15;
	_ =	sdelay $0x1  }
.Ltmp8:
0x173: {  	(pc) =	sbr.rel @p1 .LBB2_12-.Ltmp8, $4  }
0x174: {  	_ = 	snop  }
0x175: {  	[tilespmem:v18+s21+$0x0] =	vst.idx.msk vm0, v17  }
0x176: {  	v17 =	vld.idx.msk [tilespmem:v19+s18+$0x0], $0xffff  }
0x177: {  	s16 =	sadd.s32 $0xFFFFFFF1, s13;
	v18 =	vor.u32 s12, v16;
	s12 =	smov.u32 s13;
	s13 =	sadd.s32 $0x10, s13  }
0x178: {  	_ = 	snop  }
0x179: {  	v19 =	vor.u32 s16, v15;
	_ =	sdelay $0x3  }
0x17a: {  	[tilespmem:v18+s21+$0x0] =	vst.idx.msk vm0, v17  }
0x17b: {  	v34 =	vor.u32 s16, v16;
	s13 =	sadd.s32 $0xFFFFFFF2, s12;
	v17 =	vld.idx.msk [tilespmem:v19+s18+$0x0], $0xffff  }
0x17c: {  	v35 =	vor.u32 s13, v15;
	_ =	sdelay $0x3  }
0x17d: {  	[tilespmem:v34+s21+$0x0] =	vst.idx.msk vm0, v17  }
0x17e: {  	s17 =	sadd.s32 $0xFFFFFFF3, s12;
	v36 =	vor.u32 s13, v16;
	v17 =	vld.idx.msk [tilespmem:v35+s18+$0x0], $0xffff  }
0x17f: {  	v37 =	vor.u32 s17, v15;
	_ =	sdelay $0x3  }
0x180: {  	[tilespmem:v36+s21+$0x0] =	vst.idx.msk vm0, v17  }
0x181: {  	s5 =	sadd.s32 $0xFFFFFFF4, s12;
	v38 =	vor.u32 s17, v16;
	v17 =	vld.idx.msk [tilespmem:v37+s18+$0x0], $0xffff  }
0x182: {  	v39 =	vor.u32 s5, v15;
	_ =	sdelay $0x3  }
0x183: {  	[tilespmem:v38+s21+$0x0] =	vst.idx.msk vm0, v17  }
0x184: {  	s16 =	sadd.s32 $0xFFFFFFF5, s12;
	v40 =	vor.u32 s5, v16;
	v17 =	vld.idx.msk [tilespmem:v39+s18+$0x0], $0xffff  }
0x185: {  	v41 =	vor.u32 s16, v15;
	_ =	sdelay $0x3  }
0x186: {  	[tilespmem:v40+s21+$0x0] =	vst.idx.msk vm0, v17  }
0x187: {  	v42 =	vor.u32 s16, v16;
	s17 =	sadd.s32 $0xFFFFFFF6, s12;
	v17 =	vld.idx.msk [tilespmem:v41+s18+$0x0], $0xffff  }
0x188: {  	v43 =	vor.u32 s17, v15;
	_ =	sdelay $0x3  }
0x189: {  	[tilespmem:v42+s21+$0x0] =	vst.idx.msk vm0, v17  }
0x18a: {  	s5 =	sadd.s32 $0xFFFFFFF7, s12;
	v44 =	vor.u32 s17, v16;
	v17 =	vld.idx.msk [tilespmem:v43+s18+$0x0], $0xffff  }
0x18b: {  	v45 =	vor.u32 s5, v15;
	_ =	sdelay $0x3  }
0x18c: {  	[tilespmem:v44+s21+$0x0] =	vst.idx.msk vm0, v17  }
0x18d: {  	s16 =	sadd.s32 $0xFFFFFFF8, s12;
	v46 =	vor.u32 s5, v16;
	v17 =	vld.idx.msk [tilespmem:v45+s18+$0x0], $0xffff  }
0x18e: {  	v47 =	vor.u32 s16, v15;
	_ =	sdelay $0x3  }
0x18f: {  	[tilespmem:v46+s21+$0x0] =	vst.idx.msk vm0, v17  }
0x190: {  	v48 =	vor.u32 s16, v16;
	s17 =	sadd.s32 $0xFFFFFFF9, s12;
	v17 =	vld.idx.msk [tilespmem:v47+s18+$0x0], $0xffff  }
0x191: {  	v49 =	vor.u32 s17, v15;
	_ =	sdelay $0x3  }
0x192: {  	[tilespmem:v48+s21+$0x0] =	vst.idx.msk vm0, v17  }
0x193: {  	s5 =	sadd.s32 $0xFFFFFFFA, s12;
	v50 =	vor.u32 s17, v16;
	v17 =	vld.idx.msk [tilespmem:v49+s18+$0x0], $0xffff  }
0x194: {  	v51 =	vor.u32 s5, v15;
	_ =	sdelay $0x3  }
0x195: {  	[tilespmem:v50+s21+$0x0] =	vst.idx.msk vm0, v17  }
0x196: {  	s16 =	sadd.s32 $0xFFFFFFFB, s12;
	v52 =	vor.u32 s5, v16;
	v17 =	vld.idx.msk [tilespmem:v51+s18+$0x0], $0xffff  }
0x197: {  	v53 =	vor.u32 s16, v15;
	_ =	sdelay $0x3  }
0x198: {  	[tilespmem:v52+s21+$0x0] =	vst.idx.msk vm0, v17  }
0x199: {  	v54 =	vor.u32 s16, v16;
	s17 =	sadd.s32 $0xFFFFFFFC, s12;
	v17 =	vld.idx.msk [tilespmem:v53+s18+$0x0], $0xffff  }
0x19a: {  	v55 =	vor.u32 s17, v15;
	_ =	sdelay $0x3  }
0x19b: {  	[tilespmem:v54+s21+$0x0] =	vst.idx.msk vm0, v17  }
0x19c: {  	s5 =	sadd.s32 $0xFFFFFFFD, s12;
	v56 =	vor.u32 s17, v16;
	v17 =	vld.idx.msk [tilespmem:v55+s18+$0x0], $0xffff  }
0x19d: {  	v57 =	vor.u32 s5, v15;
	_ =	sdelay $0x3  }
0x19e: {  	[tilespmem:v56+s21+$0x0] =	vst.idx.msk vm0, v17  }
0x19f: {  	s16 =	sadd.s32 $0xFFFFFFFE, s12;
	v58 =	vor.u32 s5, v16;
	v17 =	vld.idx.msk [tilespmem:v57+s18+$0x0], $0xffff  }
0x1a0: {  	v59 =	vor.u32 s16, v15;
	_ =	sdelay $0x3  }
0x1a1: {  	[tilespmem:v58+s21+$0x0] =	vst.idx.msk vm0, v17  }
0x1a2: {  	v60 =	vor.u32 s16, v16;
	s17 =	sadd.s32 $0xFFFFFFFF, s12;
	v17 =	vld.idx.msk [tilespmem:v59+s18+$0x0], $0xffff  }
0x1a3: {  	v61 =	vor.u32 s17, v15;
	_ =	sdelay $0x3  }
0x1a4: {  	[tilespmem:v60+s21+$0x0] =	vst.idx.msk vm0, v17  }
0x1a5: {  	v62 =	vor.u32 s17, v16;
	v17 =	vld.idx.msk [tilespmem:v61+s18+$0x0], $0xffff  }
0x1a6: {  	v15 =	vor.u32 s12, v15;
	_ =	sdelay $0x3  }
0x1a7: {  	s3 =	sadd.s32 $0x1, s3;
	[tilespmem:v62+s21+$0x0] =	vst.idx.msk vm0, v17  }
0x1a8: {  	v63 =	vor.u32 s12, v16;
	p1 =	seq.s32 s3, $0x8;
	v15 =	vld.idx.msk [tilespmem:v15+s18+$0x0], $0xffff  }
.Ltmp9:
0x1a9: {  	_ = 	snop;
	(pc) =	sbr.rel @!p1 .LBB2_11-.Ltmp9, $2  }
0x1aa: {  	_ =	sdelay $0x2  }
0x1ab: {  	[tilespmem:v63+s21+$0x0] =	vst.idx.msk vm0, v15  }
0x1ac: {  	vm0 =	vgt.s32 v5, v6  }
0x1ad: {  	v5 =	vsel vm0, v5, v6  }
0x1ae: {  	vm0 =	vgt.s32 v5, v7  }
0x1af: {  	v5 =	vsel vm0, v5, v7  }
0x1b0: {  	vm0 =	vgt.s32 v5, v8  }
0x1b1: {  	v5 =	vsel vm0, v5, v8  }
0x1b2: {  	vm0 =	vgt.s32 v5, v9  }
0x1b3: {  	v5 =	vsel vm0, v5, v9  }
0x1b4: {  	vm0 =	vgt.s32 v5, v10  }
0x1b5: {  	v5 =	vsel vm0, v5, v10  }
0x1b6: {  	vm0 =	vgt.s32 v5, v11  }
0x1b7: {  	v5 =	vsel vm0, v5, v11  }
0x1b8: {  	vm0 =	vgt.s32 v5, v12  }
0x1b9: {  	v5 =	vsel vm0, v5, v12  }
0x1ba: {  	v5 =	vxor.u32 $0x80000000, v5  }
0x1bb: {  	(xrf0) =	vmax.scan.msk.u32 $0xffff, v5;
	_ =	sdelay $0x5  }
0x1bc: {  	v5, _, _ =	vpop (xrf0)  }
0x1bd: {  	(v2sf) =	vpush v5, $0xF;
	_ =	sdelay $0xe  }
0x1be: {  	s3 =	spop (v2sf)  }
0x1bf: {  	s3 =	sxor.u32 $0x80000000, s3  }
0x1c0: {  	p1 =	sgt.s32 s0, s3  }
.Ltmp10:
0x1c1: {  	_ = 	snop;
	(pc) =	sbr.rel @p1 .LBB2_15-.Ltmp10, $1  }
0x1c2: {  	_ =	sdelay $0x3  }
.LBB2_24:
0x1c3: {  	p1 =	slt.s32 s0, $0x7C0;
	s13 =	smov.u32 s0  }
0x1c4: {  	s13 =	simm.s32 @!p1 $0x7C0  }
0x1c5: {  	s17 =	sadd.s32 s8, s13  }
0x1c6: {  	s0 =	sshll.u32 s17, $0x5  }
0x1c7: {  	s0 =	sand.u32 $0x1FFFFFE0, s0  }
0x1c8: {  	s12 =	simm.s32 $0x0;
	s0 =	sadd.s32 s1, s0  }
0x1c9: {  	[tilespmem:s18], [sflag:$0x5] =	stream.linear.gather [hbm4b:s0+s12], $0x4000, $0x38;
	[tilespmem:$0x1EC80] =	vst v63  }
0x1ca: {  	_ =	swait.ge [sflag:s14], $0x4000  }
0x1cb: {  	s0 =	sadd.s32 $0x40, s13;
	[sflag:s14] =	ssyncset.done $0x0  }
0x1cc: {  	v6 =	vmov s13;
	v5 =	vmov s0;
	[sflag:s14] =	ssyncadd.s32 $0xFFFFC000  }
.LBB2_25:
0x1cd: {  	_ =	sdelay $0x1  }
0x1ce: {  	s13 =	sshll.u32 s12, $0x4  }
0x1cf: {  	s13 =	sand.u32 $0x3FFFFFF0, s13  }
0x1d0: {  	v7 =	vld.idx.msk [tilespmem:v4+s13+$0x0 ss:$0x1], $0xffff;
	_ =	sdelay $0x4  }
0x1d1: {  	vm0 =	vlt.s32 v7, $0x0  }
0x1d2: {  	v7 =	vsel vm0, v5, v7  }
0x1d3: {  	v9 =	vsub.s32 v7, v6  }
0x1d4: {  	vm0 =	vgt.s32 v9, $0x0  }
0x1d5: {  	v7 =	vnsel vm0, $0x0, v9  }
0x1d6: {  	v7 =	vmin.u32 v7, $0x40  }
0x1d7: {  	s5 =	simm.s32 $0x0;
	v7 =	vshll.u32 v7, $0x8  }
0x1d8: {  	v10 =	vor.u32 s5, v7;
	_ =	sdelay $0x2  }
0x1d9: {  	s16 =	sshll.u32 s12, $0xC  }
0x1da: {  	v8 =	vor.u32 s16, v3;
	vm0 =	vgt.s32 v9, $0xFFFFFFFF  }
0x1db: {  	s16 =	simm.s32 $0x1;
	v9 =	vld.idx.msk [tilespmem:v10+s18+$0x0], $0xffff;
	v10 =	vor.u32 s5, v8  }
0x1dc: {  	v11 =	vor.u32 s16, v7;
	_ =	sdelay $0x3  }
0x1dd: {  	[tilespmem:v10+s21+$0x0] =	vst.idx.msk vm0, v9  }
0x1de: {  	s17 =	simm.s32 $0x2;
	v10 =	vor.u32 s16, v8;
	v9 =	vld.idx.msk [tilespmem:v11+s18+$0x0], $0xffff  }
0x1df: {  	v11 =	vor.u32 s17, v7;
	_ =	sdelay $0x3  }
0x1e0: {  	[tilespmem:v10+s21+$0x0] =	vst.idx.msk vm0, v9  }
0x1e1: {  	s5 =	simm.s32 $0x3;
	v10 =	vor.u32 s17, v8;
	v9 =	vld.idx.msk [tilespmem:v11+s18+$0x0], $0xffff  }
0x1e2: {  	v11 =	vor.u32 s5, v7;
	_ =	sdelay $0x3  }
0x1e3: {  	[tilespmem:v10+s21+$0x0] =	vst.idx.msk vm0, v9  }
0x1e4: {  	s16 =	simm.s32 $0x4;
	v10 =	vor.u32 s5, v8;
	v9 =	vld.idx.msk [tilespmem:v11+s18+$0x0], $0xffff  }
0x1e5: {  	v11 =	vor.u32 s16, v7;
	_ =	sdelay $0x3  }
0x1e6: {  	[tilespmem:v10+s21+$0x0] =	vst.idx.msk vm0, v9  }
0x1e7: {  	s17 =	simm.s32 $0x5;
	v10 =	vor.u32 s16, v8;
	v9 =	vld.idx.msk [tilespmem:v11+s18+$0x0], $0xffff  }
0x1e8: {  	v11 =	vor.u32 s17, v7;
	_ =	sdelay $0x3  }
0x1e9: {  	[tilespmem:v10+s21+$0x0] =	vst.idx.msk vm0, v9  }
0x1ea: {  	s5 =	simm.s32 $0x6;
	v10 =	vor.u32 s17, v8;
	v9 =	vld.idx.msk [tilespmem:v11+s18+$0x0], $0xffff  }
0x1eb: {  	v11 =	vor.u32 s5, v7;
	_ =	sdelay $0x3  }
0x1ec: {  	[tilespmem:v10+s21+$0x0] =	vst.idx.msk vm0, v9  }
0x1ed: {  	s16 =	simm.s32 $0x7;
	v10 =	vor.u32 s5, v8;
	v9 =	vld.idx.msk [tilespmem:v11+s18+$0x0], $0xffff  }
0x1ee: {  	v11 =	vor.u32 s16, v7;
	_ =	sdelay $0x3  }
0x1ef: {  	[tilespmem:v10+s21+$0x0] =	vst.idx.msk vm0, v9  }
0x1f0: {  	s17 =	simm.s32 $0x8;
	v10 =	vor.u32 s16, v8;
	v9 =	vld.idx.msk [tilespmem:v11+s18+$0x0], $0xffff  }
0x1f1: {  	v11 =	vor.u32 s17, v7;
	_ =	sdelay $0x3  }
0x1f2: {  	[tilespmem:v10+s21+$0x0] =	vst.idx.msk vm0, v9  }
0x1f3: {  	s5 =	simm.s32 $0x9;
	v10 =	vor.u32 s17, v8;
	v9 =	vld.idx.msk [tilespmem:v11+s18+$0x0], $0xffff  }
0x1f4: {  	v11 =	vor.u32 s5, v7;
	_ =	sdelay $0x3  }
0x1f5: {  	[tilespmem:v10+s21+$0x0] =	vst.idx.msk vm0, v9  }
0x1f6: {  	s16 =	simm.s32 $0xA;
	v10 =	vor.u32 s5, v8;
	v9 =	vld.idx.msk [tilespmem:v11+s18+$0x0], $0xffff  }
0x1f7: {  	v11 =	vor.u32 s16, v7;
	_ =	sdelay $0x3  }
0x1f8: {  	[tilespmem:v10+s21+$0x0] =	vst.idx.msk vm0, v9  }
0x1f9: {  	s17 =	simm.s32 $0xB;
	v10 =	vor.u32 s16, v8;
	v9 =	vld.idx.msk [tilespmem:v11+s18+$0x0], $0xffff  }
0x1fa: {  	v11 =	vor.u32 s17, v7;
	_ =	sdelay $0x3  }
0x1fb: {  	[tilespmem:v10+s21+$0x0] =	vst.idx.msk vm0, v9  }
0x1fc: {  	s5 =	simm.s32 $0xC;
	v10 =	vor.u32 s17, v8;
	v9 =	vld.idx.msk [tilespmem:v11+s18+$0x0], $0xffff  }
0x1fd: {  	v11 =	vor.u32 s5, v7;
	_ =	sdelay $0x3  }
0x1fe: {  	[tilespmem:v10+s21+$0x0] =	vst.idx.msk vm0, v9  }
0x1ff: {  	s16 =	simm.s32 $0xD;
	v10 =	vor.u32 s5, v8;
	v9 =	vld.idx.msk [tilespmem:v11+s18+$0x0], $0xffff  }
0x200: {  	v11 =	vor.u32 s16, v7;
	_ =	sdelay $0x3  }
0x201: {  	[tilespmem:v10+s21+$0x0] =	vst.idx.msk vm0, v9  }
0x202: {  	s17 =	simm.s32 $0xE;
	v10 =	vor.u32 s16, v8;
	v9 =	vld.idx.msk [tilespmem:v11+s18+$0x0], $0xffff  }
0x203: {  	v11 =	vor.u32 s17, v7;
	_ =	sdelay $0x3  }
0x204: {  	[tilespmem:v10+s21+$0x0] =	vst.idx.msk vm0, v9  }
0x205: {  	s5 =	simm.s32 $0xF;
	v10 =	vor.u32 s17, v8;
	v9 =	vld.idx.msk [tilespmem:v11+s18+$0x0], $0xffff  }
0x206: {  	v11 =	vor.u32 s5, v7;
	_ =	sdelay $0x3  }
0x207: {  	[tilespmem:v10+s21+$0x0] =	vst.idx.msk vm0, v9  }
0x208: {  	s13 =	simm.s32 $0x1F;
	s16 =	simm.s32 $0x2F;
	s17 =	simm.s32 $0x10;
	v10 =	vor.u32 s5, v8;
	v9 =	vld.idx.msk [tilespmem:v11+s18+$0x0], $0xffff  }
.LBB2_26:
0x209: {  	p1 =	sne.s32 s16, $0xFF;
	v11 =	vor.u32 s17, v7;
	_ =	sdelay $0x3  }
0x20a: {  	[tilespmem:v10+s21+$0x0] =	vst.idx.msk vm0, v9  }
0x20b: {  	v9 =	vld.idx.msk [tilespmem:v11+s18+$0x0], $0xffff  }
0x20c: {  	s5 =	sadd.s32 $0xFFFFFFF2, s13;
	v10 =	vor.u32 s17, v8  }
0x20d: {  	v11 =	vor.u32 s5, v7;
	_ =	sdelay $0x3  }
0x20e: {  	[tilespmem:v10+s21+$0x0] =	vst.idx.msk vm0, v9  }
0x20f: {  	v9 =	vld.idx.msk [tilespmem:v11+s18+$0x0], $0xffff  }
0x210: {  	v10 =	vor.u32 s5, v8;
	s5 =	sadd.s32 $0xFFFFFFF3, s13  }
0x211: {  	v11 =	vor.u32 s5, v7;
	_ =	sdelay $0x3  }
0x212: {  	[tilespmem:v10+s21+$0x0] =	vst.idx.msk vm0, v9  }
0x213: {  	v9 =	vld.idx.msk [tilespmem:v11+s18+$0x0], $0xffff  }
0x214: {  	v10 =	vor.u32 s5, v8;
	s5 =	sadd.s32 $0xFFFFFFF4, s13  }
0x215: {  	v11 =	vor.u32 s5, v7;
	_ =	sdelay $0x3  }
0x216: {  	[tilespmem:v10+s21+$0x0] =	vst.idx.msk vm0, v9  }
0x217: {  	v9 =	vld.idx.msk [tilespmem:v11+s18+$0x0], $0xffff  }
0x218: {  	v10 =	vor.u32 s5, v8;
	s5 =	sadd.s32 $0xFFFFFFF5, s13  }
0x219: {  	v11 =	vor.u32 s5, v7;
	_ =	sdelay $0x3  }
0x21a: {  	[tilespmem:v10+s21+$0x0] =	vst.idx.msk vm0, v9  }
0x21b: {  	v9 =	vld.idx.msk [tilespmem:v11+s18+$0x0], $0xffff  }
0x21c: {  	v10 =	vor.u32 s5, v8;
	s5 =	sadd.s32 $0xFFFFFFF6, s13  }
0x21d: {  	v11 =	vor.u32 s5, v7;
	_ =	sdelay $0x3  }
0x21e: {  	[tilespmem:v10+s21+$0x0] =	vst.idx.msk vm0, v9  }
0x21f: {  	v9 =	vld.idx.msk [tilespmem:v11+s18+$0x0], $0xffff  }
0x220: {  	v10 =	vor.u32 s5, v8;
	s5 =	sadd.s32 $0xFFFFFFF7, s13  }
0x221: {  	v11 =	vor.u32 s5, v7;
	_ =	sdelay $0x3  }
0x222: {  	[tilespmem:v10+s21+$0x0] =	vst.idx.msk vm0, v9  }
0x223: {  	v9 =	vld.idx.msk [tilespmem:v11+s18+$0x0], $0xffff  }
0x224: {  	v10 =	vor.u32 s5, v8;
	s5 =	sadd.s32 $0xFFFFFFF8, s13  }
0x225: {  	v11 =	vor.u32 s5, v7;
	_ =	sdelay $0x3  }
0x226: {  	[tilespmem:v10+s21+$0x0] =	vst.idx.msk vm0, v9  }
0x227: {  	v9 =	vld.idx.msk [tilespmem:v11+s18+$0x0], $0xffff  }
0x228: {  	v10 =	vor.u32 s5, v8;
	s5 =	sadd.s32 $0xFFFFFFF9, s13  }
0x229: {  	v11 =	vor.u32 s5, v7;
	_ =	sdelay $0x3  }
0x22a: {  	[tilespmem:v10+s21+$0x0] =	vst.idx.msk vm0, v9  }
0x22b: {  	v9 =	vld.idx.msk [tilespmem:v11+s18+$0x0], $0xffff  }
0x22c: {  	v10 =	vor.u32 s5, v8;
	s5 =	sadd.s32 $0xFFFFFFFA, s13  }
0x22d: {  	v11 =	vor.u32 s5, v7;
	_ =	sdelay $0x3  }
0x22e: {  	[tilespmem:v10+s21+$0x0] =	vst.idx.msk vm0, v9  }
0x22f: {  	v9 =	vld.idx.msk [tilespmem:v11+s18+$0x0], $0xffff  }
0x230: {  	v10 =	vor.u32 s5, v8;
	s5 =	sadd.s32 $0xFFFFFFFB, s13  }
0x231: {  	v11 =	vor.u32 s5, v7;
	_ =	sdelay $0x3  }
0x232: {  	[tilespmem:v10+s21+$0x0] =	vst.idx.msk vm0, v9  }
0x233: {  	v9 =	vld.idx.msk [tilespmem:v11+s18+$0x0], $0xffff  }
0x234: {  	v10 =	vor.u32 s5, v8;
	s5 =	sadd.s32 $0xFFFFFFFC, s13  }
0x235: {  	v11 =	vor.u32 s5, v7;
	_ =	sdelay $0x3  }
0x236: {  	[tilespmem:v10+s21+$0x0] =	vst.idx.msk vm0, v9  }
0x237: {  	v9 =	vld.idx.msk [tilespmem:v11+s18+$0x0], $0xffff  }
0x238: {  	v10 =	vor.u32 s5, v8;
	s5 =	sadd.s32 $0xFFFFFFFD, s13  }
0x239: {  	v11 =	vor.u32 s5, v7;
	_ =	sdelay $0x3  }
0x23a: {  	[tilespmem:v10+s21+$0x0] =	vst.idx.msk vm0, v9  }
0x23b: {  	v9 =	vld.idx.msk [tilespmem:v11+s18+$0x0], $0xffff  }
0x23c: {  	v10 =	vor.u32 s5, v8;
	s5 =	sadd.s32 $0xFFFFFFFE, s13  }
0x23d: {  	v11 =	vor.u32 s5, v7;
	_ =	sdelay $0x3  }
0x23e: {  	[tilespmem:v10+s21+$0x0] =	vst.idx.msk vm0, v9  }
0x23f: {  	v9 =	vld.idx.msk [tilespmem:v11+s18+$0x0], $0xffff  }
0x240: {  	v10 =	vor.u32 s5, v8;
	s5 =	sadd.s32 $0xFFFFFFFF, s13  }
0x241: {  	v11 =	vor.u32 s5, v7;
	_ =	sdelay $0x3  }
0x242: {  	[tilespmem:v10+s21+$0x0] =	vst.idx.msk vm0, v9  }
0x243: {  	v9 =	vld.idx.msk [tilespmem:v11+s18+$0x0], $0xffff  }
0x244: {  	v10 =	vor.u32 s5, v8  }
0x245: {  	v11 =	vor.u32 s13, v7;
	_ =	sdelay $0x1  }
.Ltmp11:
0x246: {  	(pc) =	sbr.rel @p1 .LBB2_26-.Ltmp11, $4  }
0x247: {  	_ = 	snop  }
0x248: {  	[tilespmem:v10+s21+$0x0] =	vst.idx.msk vm0, v9  }
0x249: {  	v9 =	vld.idx.msk [tilespmem:v11+s18+$0x0], $0xffff  }
0x24a: {  	s17 =	sadd.s32 $0xFFFFFFF1, s16;
	v10 =	vor.u32 s13, v8;
	s13 =	smov.u32 s16;
	s16 =	sadd.s32 $0x10, s16  }
0x24b: {  	_ = 	snop  }
0x24c: {  	v11 =	vor.u32 s17, v7;
	_ =	sdelay $0x3  }
0x24d: {  	[tilespmem:v10+s21+$0x0] =	vst.idx.msk vm0, v9  }
0x24e: {  	v35 =	vor.u32 s17, v8;
	s5 =	sadd.s32 $0xFFFFFFF2, s13;
	v9 =	vld.idx.msk [tilespmem:v11+s18+$0x0], $0xffff  }
0x24f: {  	v36 =	vor.u32 s5, v7;
	_ =	sdelay $0x3  }
0x250: {  	[tilespmem:v35+s21+$0x0] =	vst.idx.msk vm0, v9  }
0x251: {  	s17 =	sadd.s32 $0xFFFFFFF3, s13;
	v37 =	vor.u32 s5, v8;
	v9 =	vld.idx.msk [tilespmem:v36+s18+$0x0], $0xffff  }
0x252: {  	v38 =	vor.u32 s17, v7;
	_ =	sdelay $0x3  }
0x253: {  	[tilespmem:v37+s21+$0x0] =	vst.idx.msk vm0, v9  }
0x254: {  	s16 =	sadd.s32 $0xFFFFFFF4, s13;
	v39 =	vor.u32 s17, v8;
	v9 =	vld.idx.msk [tilespmem:v38+s18+$0x0], $0xffff  }
0x255: {  	v40 =	vor.u32 s16, v7;
	_ =	sdelay $0x3  }
0x256: {  	[tilespmem:v39+s21+$0x0] =	vst.idx.msk vm0, v9  }
0x257: {  	v41 =	vor.u32 s16, v8;
	s17 =	sadd.s32 $0xFFFFFFF5, s13;
	v9 =	vld.idx.msk [tilespmem:v40+s18+$0x0], $0xffff  }
0x258: {  	v42 =	vor.u32 s17, v7;
	_ =	sdelay $0x3  }
0x259: {  	[tilespmem:v41+s21+$0x0] =	vst.idx.msk vm0, v9  }
0x25a: {  	s16 =	sadd.s32 $0xFFFFFFF6, s13;
	v43 =	vor.u32 s17, v8;
	v9 =	vld.idx.msk [tilespmem:v42+s18+$0x0], $0xffff  }
0x25b: {  	v44 =	vor.u32 s16, v7;
	_ =	sdelay $0x3  }
0x25c: {  	[tilespmem:v43+s21+$0x0] =	vst.idx.msk vm0, v9  }
0x25d: {  	v45 =	vor.u32 s16, v8;
	s17 =	sadd.s32 $0xFFFFFFF7, s13;
	v9 =	vld.idx.msk [tilespmem:v44+s18+$0x0], $0xffff  }
0x25e: {  	v46 =	vor.u32 s17, v7;
	_ =	sdelay $0x3  }
0x25f: {  	[tilespmem:v45+s21+$0x0] =	vst.idx.msk vm0, v9  }
0x260: {  	s16 =	sadd.s32 $0xFFFFFFF8, s13;
	v47 =	vor.u32 s17, v8;
	v9 =	vld.idx.msk [tilespmem:v46+s18+$0x0], $0xffff  }
0x261: {  	v48 =	vor.u32 s16, v7;
	_ =	sdelay $0x3  }
0x262: {  	[tilespmem:v47+s21+$0x0] =	vst.idx.msk vm0, v9  }
0x263: {  	v49 =	vor.u32 s16, v8;
	s17 =	sadd.s32 $0xFFFFFFF9, s13;
	v9 =	vld.idx.msk [tilespmem:v48+s18+$0x0], $0xffff  }
0x264: {  	v50 =	vor.u32 s17, v7;
	_ =	sdelay $0x3  }
0x265: {  	[tilespmem:v49+s21+$0x0] =	vst.idx.msk vm0, v9  }
0x266: {  	s16 =	sadd.s32 $0xFFFFFFFA, s13;
	v51 =	vor.u32 s17, v8;
	v9 =	vld.idx.msk [tilespmem:v50+s18+$0x0], $0xffff  }
0x267: {  	v52 =	vor.u32 s16, v7;
	_ =	sdelay $0x3  }
0x268: {  	[tilespmem:v51+s21+$0x0] =	vst.idx.msk vm0, v9  }
0x269: {  	v53 =	vor.u32 s16, v8;
	s17 =	sadd.s32 $0xFFFFFFFB, s13;
	v9 =	vld.idx.msk [tilespmem:v52+s18+$0x0], $0xffff  }
0x26a: {  	v54 =	vor.u32 s17, v7;
	_ =	sdelay $0x3  }
0x26b: {  	[tilespmem:v53+s21+$0x0] =	vst.idx.msk vm0, v9  }
0x26c: {  	s16 =	sadd.s32 $0xFFFFFFFC, s13;
	v55 =	vor.u32 s17, v8;
	v9 =	vld.idx.msk [tilespmem:v54+s18+$0x0], $0xffff  }
0x26d: {  	v56 =	vor.u32 s16, v7;
	_ =	sdelay $0x3  }
0x26e: {  	[tilespmem:v55+s21+$0x0] =	vst.idx.msk vm0, v9  }
0x26f: {  	v57 =	vor.u32 s16, v8;
	s17 =	sadd.s32 $0xFFFFFFFD, s13;
	v9 =	vld.idx.msk [tilespmem:v56+s18+$0x0], $0xffff  }
0x270: {  	v58 =	vor.u32 s17, v7;
	_ =	sdelay $0x3  }
0x271: {  	[tilespmem:v57+s21+$0x0] =	vst.idx.msk vm0, v9  }
0x272: {  	s16 =	sadd.s32 $0xFFFFFFFE, s13;
	v59 =	vor.u32 s17, v8;
	v9 =	vld.idx.msk [tilespmem:v58+s18+$0x0], $0xffff  }
0x273: {  	v60 =	vor.u32 s16, v7;
	_ =	sdelay $0x3  }
0x274: {  	[tilespmem:v59+s21+$0x0] =	vst.idx.msk vm0, v9  }
0x275: {  	v61 =	vor.u32 s16, v8;
	s17 =	sadd.s32 $0xFFFFFFFF, s13;
	v9 =	vld.idx.msk [tilespmem:v60+s18+$0x0], $0xffff  }
0x276: {  	v62 =	vor.u32 s17, v7;
	_ =	sdelay $0x3  }
0x277: {  	[tilespmem:v61+s21+$0x0] =	vst.idx.msk vm0, v9  }
0x278: {  	v63 =	vor.u32 s17, v8;
	v9 =	vld.idx.msk [tilespmem:v62+s18+$0x0], $0xffff  }
0x279: {  	v7 =	vor.u32 s13, v7;
	_ =	sdelay $0x3  }
0x27a: {  	s12 =	sadd.s32 $0x1, s12;
	[tilespmem:v63+s21+$0x0] =	vst.idx.msk vm0, v9  }
0x27b: {  	p1 =	seq.s32 s12, $0x8;
	v8 =	vor.u32 s13, v8;
	v7 =	vld.idx.msk [tilespmem:v7+s18+$0x0], $0xffff  }
.Ltmp12:
0x27c: {  	_ = 	snop;
	(pc) =	sbr.rel @!p1 .LBB2_25-.Ltmp12, $2  }
0x27d: {  	_ =	sdelay $0x2  }
0x27e: {  	[tilespmem:v8+s21+$0x0] =	vst.idx.msk vm0, v7  }
0x27f: {  	p1 =	sgt.s32 s0, s3  }
.Ltmp13:
0x280: {  	_ = 	snop;
	(pc) =	sbr.rel @!p1 .LBB2_24-.Ltmp13, $1  }
0x281: {  	_ =	sdelay $0x3  }
.LBB2_15:
0x282: {  	s0 =	sadd.s32 s10, s31  }
0x283: {  	s0 =	sshll.u32 s0, $0x5  }
0x284: {  	s0 =	sadd.s32 s2, s0  }
0x285: {  	[hbm4b:s0+s4] =	stream.linear.scatter [tilespmem:s21], [sflag:$0x1], $0x8000, $0x38;
	[tilespmem:$0x1EC80] =	vst v63  }
0x286: {  	p1 =	seq.s32 s28, $0xD;
	_ =	swait.ge [sflag:s22], $0x4000  }
0x287: {  	s0 =	sshll.u32 @!p1 s28, $0x8;
	[sflag:s22] =	ssyncset.done $0x0  }
0x288: {  	s0 =	sand.u32 @!p1 $0x3FFFFF00, s0;
	[sflag:s22] =	ssyncadd.s32 $0xFFFFC000  }
0x289: {  	v4 =	vld @!p1 [tilespmem:s0+$0x4F00];
	_ =	sdelay $0x4  }
0x28a: {  	(v2sf) =	vpush @!p1 v4, $0x0;
	_ =	sdelay $0xe  }
0x28b: {  	s0 =	spop @!p1 (v2sf)  }
0x28c: {  	p2 =	sgt.s32 @!p1 s0, $0x0  }
0x28d: {  	p2 =	por !p2, p1  }
0x28e: {  	p3 =	slt.s32 @!p1 s0, $0x1;
	s0 =	simm.s32 @p2 $0x0  }
0x28f: {  	s3 =	sand.u32 @!p1 $0x7, s0  }
0x290: {  	p2 =	sne.s32 @!p1 s3, $0x0  }
0x291: {  	p2 =	por @!p1 !p3, !p2  }
0x292: {  	p2 =	por @!p1 !p2, !p2  }
0x293: {  	s3 =	simm.s32 @!p1 $0xFFFFFFFF;
	p2 =	por !p2, p1  }
0x294: {  	s3 =	simm.s32 @p2 $0x0  }
0x295: {  	s3 =	sshll.u32 @!p1 s3, $0x3  }
0x296: {  	s0 =	sadd.s32 @!p1 s0, s3  }
0x297: {  	s0 =	sand.u32 @!p1 $0xFFFFFFF8, s0  }
0x298: {  	p2 =	slt.s32 @!p1 s0, $0x7C0  }
0x299: {  	p2 =	por !p2, p1  }
0x29a: {  	s0 =	simm.s32 @p2 $0x7C0  }
0x29b: {  	s0 =	sadd.s32 @!p1 s8, s0  }
0x29c: {  	s0 =	sshll.u32 @!p1 s0, $0x5  }
0x29d: {  	s5 =	simm.s32 @!p1 $0x5C00;
	s0 =	sand.u32 @!p1 $0x1FFFFF00, s0  }
0x29e: {  	s3 =	simm.s32 @!p1 $0x0;
	p2 =	seq.s32 @!p1 s28, $0x0;
	s0 =	sadd.s32 @!p1 s1, s0  }
0x29f: {  	[tilespmem:s5], [sflag:$0x3] =	stream.linear.gather @!p1 [hbm4b:s0+s3], $0x4000, $0x38;
	[tilespmem:$0x1EC80] =	vst v63  }
0x2a0: {  	p1 =	por p1, !p2  }
0x2a1: {  	_ =	swait.ge @p1 [sflag:s25], $0x8000  }
0x2a2: {  	[sflag:s25] =	ssyncset.done @p1 $0x0  }
0x2a3: {  	[sflag:s25] =	ssyncadd.s32 @p1 $0xFFFF8000  }
0x2a4: {  	v5 =	vld [tilespmem:s30+$0x4E00];
	_ =	sdelay $0x4  }
0x2a5: {  	(v2sf) =	vpush v5, $0x0;
	_ =	sdelay $0xe  }
0x2a6: {  	s0 =	spop (v2sf)  }
0x2a7: {  	p1 =	sgt.s32 s0, $0x0  }
0x2a8: {  	p5 =	slt.s32 s0, $0x1;
	s0 =	simm.s32 @!p1 $0x0  }
0x2a9: {  	s17 =	sand.u32 $0x7, s0  }
0x2aa: {  	p6 =	sne.s32 s17, $0x0  }
0x2ab: {  	p1 =	por !p5, !p6  }
0x2ac: {  	s3 =	simm.s32 $0xFFFFFFFF;
	p1 =	por !p1, !p1  }
0x2ad: {  	s3 =	simm.s32 @!p1 $0x0  }
0x2ae: {  	v6 =	vld [tilespmem:s30+$0x4E10];
	s3 =	sshll.u32 s3, $0x3  }
0x2af: {  	v7 =	vld [tilespmem:s30+$0x4E20];
	s0 =	sadd.s32 s0, s3  }
0x2b0: {  	v8 =	vld [tilespmem:s30+$0x4E30];
	s3 =	sand.u32 $0xFFFFFFF8, s0  }
0x2b1: {  	v9 =	vld [tilespmem:s30+$0x4E40];
	p1 =	slt.s32 s3, $0x7C0  }
0x2b2: {  	v10 =	vld [tilespmem:s30+$0x4E50];
	s3 =	simm.s32 @!p1 $0x7C0  }
0x2b3: {  	s31 =	sadd.s32 $0x4E00, s29;
	v11 =	vld [tilespmem:s30+$0x4E60];
	s0 =	sadd.s32 $0x40, s3  }
0x2b4: {  	v4 =	vmov s31;
	v12 =	vld [tilespmem:s30+$0x4E70];
	v14 =	vmov s3;
	s3 =	simm.s32 $0x0;
	v13 =	vmov s0  }
.LBB2_16:
0x2b5: {  	_ =	sdelay $0x1  }
0x2b6: {  	s5 =	sshll.u32 s3, $0x4  }
0x2b7: {  	s5 =	sand.u32 $0x3FFFFFF0, s5  }
0x2b8: {  	v15 =	vld.idx.msk [tilespmem:v4+s5+$0x0 ss:$0x1], $0xffff;
	_ =	sdelay $0x4  }
0x2b9: {  	vm0 =	vlt.s32 v15, $0x0  }
0x2ba: {  	v15 =	vsel vm0, v13, v15  }
0x2bb: {  	v17 =	vsub.s32 v15, v14  }
0x2bc: {  	vm0 =	vgt.s32 v17, $0x0  }
0x2bd: {  	v15 =	vnsel vm0, $0x0, v17  }
0x2be: {  	v15 =	vmin.u32 v15, $0x40  }
0x2bf: {  	s17 =	simm.s32 $0x0;
	v15 =	vshll.u32 v15, $0x8  }
0x2c0: {  	v18 =	vor.u32 s17, v15;
	_ =	sdelay $0x2  }
0x2c1: {  	s12 =	sshll.u32 s3, $0xC  }
0x2c2: {  	v16 =	vor.u32 s12, v3;
	vm0 =	vgt.s32 v17, $0xFFFFFFFF  }
0x2c3: {  	s30 =	simm.s32 $0x1;
	v17 =	vld.idx.msk [tilespmem:v18+s20+$0x0], $0xffff;
	v18 =	vor.u32 s17, v16  }
0x2c4: {  	v19 =	vor.u32 s30, v15;
	_ =	sdelay $0x3  }
0x2c5: {  	[tilespmem:v18+s23+$0x0] =	vst.idx.msk vm0, v17  }
0x2c6: {  	s31 =	simm.s32 $0x2;
	v18 =	vor.u32 s30, v16;
	v17 =	vld.idx.msk [tilespmem:v19+s20+$0x0], $0xffff  }
0x2c7: {  	v19 =	vor.u32 s31, v15;
	_ =	sdelay $0x3  }
0x2c8: {  	[tilespmem:v18+s23+$0x0] =	vst.idx.msk vm0, v17  }
0x2c9: {  	s12 =	simm.s32 $0x3;
	v18 =	vor.u32 s31, v16;
	v17 =	vld.idx.msk [tilespmem:v19+s20+$0x0], $0xffff  }
0x2ca: {  	v19 =	vor.u32 s12, v15;
	_ =	sdelay $0x3  }
0x2cb: {  	[tilespmem:v18+s23+$0x0] =	vst.idx.msk vm0, v17  }
0x2cc: {  	s13 =	simm.s32 $0x4;
	v18 =	vor.u32 s12, v16;
	v17 =	vld.idx.msk [tilespmem:v19+s20+$0x0], $0xffff  }
0x2cd: {  	v19 =	vor.u32 s13, v15;
	_ =	sdelay $0x3  }
0x2ce: {  	[tilespmem:v18+s23+$0x0] =	vst.idx.msk vm0, v17  }
0x2cf: {  	s16 =	simm.s32 $0x5;
	v18 =	vor.u32 s13, v16;
	v17 =	vld.idx.msk [tilespmem:v19+s20+$0x0], $0xffff  }
0x2d0: {  	v19 =	vor.u32 s16, v15;
	_ =	sdelay $0x3  }
0x2d1: {  	[tilespmem:v18+s23+$0x0] =	vst.idx.msk vm0, v17  }
0x2d2: {  	s17 =	simm.s32 $0x6;
	v18 =	vor.u32 s16, v16;
	v17 =	vld.idx.msk [tilespmem:v19+s20+$0x0], $0xffff  }
0x2d3: {  	v19 =	vor.u32 s17, v15;
	_ =	sdelay $0x3  }
0x2d4: {  	[tilespmem:v18+s23+$0x0] =	vst.idx.msk vm0, v17  }
0x2d5: {  	s30 =	simm.s32 $0x7;
	v18 =	vor.u32 s17, v16;
	v17 =	vld.idx.msk [tilespmem:v19+s20+$0x0], $0xffff  }
0x2d6: {  	v19 =	vor.u32 s30, v15;
	_ =	sdelay $0x3  }
0x2d7: {  	[tilespmem:v18+s23+$0x0] =	vst.idx.msk vm0, v17  }
0x2d8: {  	s31 =	simm.s32 $0x8;
	v18 =	vor.u32 s30, v16;
	v17 =	vld.idx.msk [tilespmem:v19+s20+$0x0], $0xffff  }
0x2d9: {  	v19 =	vor.u32 s31, v15;
	_ =	sdelay $0x3  }
0x2da: {  	[tilespmem:v18+s23+$0x0] =	vst.idx.msk vm0, v17  }
0x2db: {  	s12 =	simm.s32 $0x9;
	v18 =	vor.u32 s31, v16;
	v17 =	vld.idx.msk [tilespmem:v19+s20+$0x0], $0xffff  }
0x2dc: {  	v19 =	vor.u32 s12, v15;
	_ =	sdelay $0x3  }
0x2dd: {  	[tilespmem:v18+s23+$0x0] =	vst.idx.msk vm0, v17  }
0x2de: {  	s13 =	simm.s32 $0xA;
	v18 =	vor.u32 s12, v16;
	v17 =	vld.idx.msk [tilespmem:v19+s20+$0x0], $0xffff  }
0x2df: {  	v19 =	vor.u32 s13, v15;
	_ =	sdelay $0x3  }
0x2e0: {  	[tilespmem:v18+s23+$0x0] =	vst.idx.msk vm0, v17  }
0x2e1: {  	s16 =	simm.s32 $0xB;
	v18 =	vor.u32 s13, v16;
	v17 =	vld.idx.msk [tilespmem:v19+s20+$0x0], $0xffff  }
0x2e2: {  	v19 =	vor.u32 s16, v15;
	_ =	sdelay $0x3  }
0x2e3: {  	[tilespmem:v18+s23+$0x0] =	vst.idx.msk vm0, v17  }
0x2e4: {  	s17 =	simm.s32 $0xC;
	v18 =	vor.u32 s16, v16;
	v17 =	vld.idx.msk [tilespmem:v19+s20+$0x0], $0xffff  }
0x2e5: {  	v19 =	vor.u32 s17, v15;
	_ =	sdelay $0x3  }
0x2e6: {  	[tilespmem:v18+s23+$0x0] =	vst.idx.msk vm0, v17  }
0x2e7: {  	s30 =	simm.s32 $0xD;
	v18 =	vor.u32 s17, v16;
	v17 =	vld.idx.msk [tilespmem:v19+s20+$0x0], $0xffff  }
0x2e8: {  	v19 =	vor.u32 s30, v15;
	_ =	sdelay $0x3  }
0x2e9: {  	[tilespmem:v18+s23+$0x0] =	vst.idx.msk vm0, v17  }
0x2ea: {  	s31 =	simm.s32 $0xE;
	v18 =	vor.u32 s30, v16;
	v17 =	vld.idx.msk [tilespmem:v19+s20+$0x0], $0xffff  }
0x2eb: {  	v19 =	vor.u32 s31, v15;
	_ =	sdelay $0x3  }
0x2ec: {  	[tilespmem:v18+s23+$0x0] =	vst.idx.msk vm0, v17  }
0x2ed: {  	s17 =	simm.s32 $0xF;
	v18 =	vor.u32 s31, v16;
	v17 =	vld.idx.msk [tilespmem:v19+s20+$0x0], $0xffff  }
0x2ee: {  	v19 =	vor.u32 s17, v15;
	_ =	sdelay $0x3  }
0x2ef: {  	[tilespmem:v18+s23+$0x0] =	vst.idx.msk vm0, v17  }
0x2f0: {  	s12 =	simm.s32 $0x1F;
	s13 =	simm.s32 $0x2F;
	s16 =	simm.s32 $0x10;
	v18 =	vor.u32 s17, v16;
	v17 =	vld.idx.msk [tilespmem:v19+s20+$0x0], $0xffff  }
.LBB2_17:
0x2f1: {  	p1 =	sne.s32 s13, $0xFF;
	v19 =	vor.u32 s16, v15;
	_ =	sdelay $0x3  }
0x2f2: {  	[tilespmem:v18+s23+$0x0] =	vst.idx.msk vm0, v17  }
0x2f3: {  	v17 =	vld.idx.msk [tilespmem:v19+s20+$0x0], $0xffff  }
0x2f4: {  	s5 =	sadd.s32 $0xFFFFFFF2, s12;
	v18 =	vor.u32 s16, v16  }
0x2f5: {  	v19 =	vor.u32 s5, v15;
	_ =	sdelay $0x3  }
0x2f6: {  	[tilespmem:v18+s23+$0x0] =	vst.idx.msk vm0, v17  }
0x2f7: {  	v17 =	vld.idx.msk [tilespmem:v19+s20+$0x0], $0xffff  }
0x2f8: {  	v18 =	vor.u32 s5, v16;
	s5 =	sadd.s32 $0xFFFFFFF3, s12  }
0x2f9: {  	v19 =	vor.u32 s5, v15;
	_ =	sdelay $0x3  }
0x2fa: {  	[tilespmem:v18+s23+$0x0] =	vst.idx.msk vm0, v17  }
0x2fb: {  	v17 =	vld.idx.msk [tilespmem:v19+s20+$0x0], $0xffff  }
0x2fc: {  	v18 =	vor.u32 s5, v16;
	s5 =	sadd.s32 $0xFFFFFFF4, s12  }
0x2fd: {  	v19 =	vor.u32 s5, v15;
	_ =	sdelay $0x3  }
0x2fe: {  	[tilespmem:v18+s23+$0x0] =	vst.idx.msk vm0, v17  }
0x2ff: {  	v17 =	vld.idx.msk [tilespmem:v19+s20+$0x0], $0xffff  }
0x300: {  	v18 =	vor.u32 s5, v16;
	s5 =	sadd.s32 $0xFFFFFFF5, s12  }
0x301: {  	v19 =	vor.u32 s5, v15;
	_ =	sdelay $0x3  }
0x302: {  	[tilespmem:v18+s23+$0x0] =	vst.idx.msk vm0, v17  }
0x303: {  	v17 =	vld.idx.msk [tilespmem:v19+s20+$0x0], $0xffff  }
0x304: {  	v18 =	vor.u32 s5, v16;
	s5 =	sadd.s32 $0xFFFFFFF6, s12  }
0x305: {  	v19 =	vor.u32 s5, v15;
	_ =	sdelay $0x3  }
0x306: {  	[tilespmem:v18+s23+$0x0] =	vst.idx.msk vm0, v17  }
0x307: {  	v17 =	vld.idx.msk [tilespmem:v19+s20+$0x0], $0xffff  }
0x308: {  	v18 =	vor.u32 s5, v16;
	s5 =	sadd.s32 $0xFFFFFFF7, s12  }
0x309: {  	v19 =	vor.u32 s5, v15;
	_ =	sdelay $0x3  }
0x30a: {  	[tilespmem:v18+s23+$0x0] =	vst.idx.msk vm0, v17  }
0x30b: {  	v17 =	vld.idx.msk [tilespmem:v19+s20+$0x0], $0xffff  }
0x30c: {  	v18 =	vor.u32 s5, v16;
	s5 =	sadd.s32 $0xFFFFFFF8, s12  }
0x30d: {  	v19 =	vor.u32 s5, v15;
	_ =	sdelay $0x3  }
0x30e: {  	[tilespmem:v18+s23+$0x0] =	vst.idx.msk vm0, v17  }
0x30f: {  	v17 =	vld.idx.msk [tilespmem:v19+s20+$0x0], $0xffff  }
0x310: {  	v18 =	vor.u32 s5, v16;
	s5 =	sadd.s32 $0xFFFFFFF9, s12  }
0x311: {  	v19 =	vor.u32 s5, v15;
	_ =	sdelay $0x3  }
0x312: {  	[tilespmem:v18+s23+$0x0] =	vst.idx.msk vm0, v17  }
0x313: {  	v17 =	vld.idx.msk [tilespmem:v19+s20+$0x0], $0xffff  }
0x314: {  	v18 =	vor.u32 s5, v16;
	s5 =	sadd.s32 $0xFFFFFFFA, s12  }
0x315: {  	v19 =	vor.u32 s5, v15;
	_ =	sdelay $0x3  }
0x316: {  	[tilespmem:v18+s23+$0x0] =	vst.idx.msk vm0, v17  }
0x317: {  	v17 =	vld.idx.msk [tilespmem:v19+s20+$0x0], $0xffff  }
0x318: {  	v18 =	vor.u32 s5, v16;
	s5 =	sadd.s32 $0xFFFFFFFB, s12  }
0x319: {  	v19 =	vor.u32 s5, v15;
	_ =	sdelay $0x3  }
0x31a: {  	[tilespmem:v18+s23+$0x0] =	vst.idx.msk vm0, v17  }
0x31b: {  	v17 =	vld.idx.msk [tilespmem:v19+s20+$0x0], $0xffff  }
0x31c: {  	v18 =	vor.u32 s5, v16;
	s5 =	sadd.s32 $0xFFFFFFFC, s12  }
0x31d: {  	v19 =	vor.u32 s5, v15;
	_ =	sdelay $0x3  }
0x31e: {  	[tilespmem:v18+s23+$0x0] =	vst.idx.msk vm0, v17  }
0x31f: {  	v17 =	vld.idx.msk [tilespmem:v19+s20+$0x0], $0xffff  }
0x320: {  	v18 =	vor.u32 s5, v16;
	s5 =	sadd.s32 $0xFFFFFFFD, s12  }
0x321: {  	v19 =	vor.u32 s5, v15;
	_ =	sdelay $0x3  }
0x322: {  	[tilespmem:v18+s23+$0x0] =	vst.idx.msk vm0, v17  }
0x323: {  	v17 =	vld.idx.msk [tilespmem:v19+s20+$0x0], $0xffff  }
0x324: {  	v18 =	vor.u32 s5, v16;
	s5 =	sadd.s32 $0xFFFFFFFE, s12  }
0x325: {  	v19 =	vor.u32 s5, v15;
	_ =	sdelay $0x3  }
0x326: {  	[tilespmem:v18+s23+$0x0] =	vst.idx.msk vm0, v17  }
0x327: {  	v17 =	vld.idx.msk [tilespmem:v19+s20+$0x0], $0xffff  }
0x328: {  	v18 =	vor.u32 s5, v16;
	s5 =	sadd.s32 $0xFFFFFFFF, s12  }
0x329: {  	v19 =	vor.u32 s5, v15;
	_ =	sdelay $0x3  }
0x32a: {  	[tilespmem:v18+s23+$0x0] =	vst.idx.msk vm0, v17  }
0x32b: {  	v17 =	vld.idx.msk [tilespmem:v19+s20+$0x0], $0xffff  }
0x32c: {  	v18 =	vor.u32 s5, v16  }
0x32d: {  	v19 =	vor.u32 s12, v15;
	_ =	sdelay $0x1  }
.Ltmp14:
0x32e: {  	(pc) =	sbr.rel @p1 .LBB2_17-.Ltmp14, $4  }
0x32f: {  	_ = 	snop  }
0x330: {  	[tilespmem:v18+s23+$0x0] =	vst.idx.msk vm0, v17  }
0x331: {  	v17 =	vld.idx.msk [tilespmem:v19+s20+$0x0], $0xffff  }
0x332: {  	s16 =	sadd.s32 $0xFFFFFFF1, s13;
	v18 =	vor.u32 s12, v16;
	s12 =	smov.u32 s13;
	s13 =	sadd.s32 $0x10, s13  }
0x333: {  	_ = 	snop  }
0x334: {  	v19 =	vor.u32 s16, v15;
	_ =	sdelay $0x3  }
0x335: {  	[tilespmem:v18+s23+$0x0] =	vst.idx.msk vm0, v17  }
0x336: {  	v34 =	vor.u32 s16, v16;
	s5 =	sadd.s32 $0xFFFFFFF2, s12;
	v17 =	vld.idx.msk [tilespmem:v19+s20+$0x0], $0xffff  }
0x337: {  	v35 =	vor.u32 s5, v15;
	_ =	sdelay $0x3  }
0x338: {  	[tilespmem:v34+s23+$0x0] =	vst.idx.msk vm0, v17  }
0x339: {  	s17 =	sadd.s32 $0xFFFFFFF3, s12;
	v36 =	vor.u32 s5, v16;
	v17 =	vld.idx.msk [tilespmem:v35+s20+$0x0], $0xffff  }
0x33a: {  	v37 =	vor.u32 s17, v15;
	_ =	sdelay $0x3  }
0x33b: {  	[tilespmem:v36+s23+$0x0] =	vst.idx.msk vm0, v17  }
0x33c: {  	s30 =	sadd.s32 $0xFFFFFFF4, s12;
	v38 =	vor.u32 s17, v16;
	v17 =	vld.idx.msk [tilespmem:v37+s20+$0x0], $0xffff  }
0x33d: {  	v39 =	vor.u32 s30, v15;
	_ =	sdelay $0x3  }
0x33e: {  	[tilespmem:v38+s23+$0x0] =	vst.idx.msk vm0, v17  }
0x33f: {  	s31 =	sadd.s32 $0xFFFFFFF5, s12;
	v40 =	vor.u32 s30, v16;
	v17 =	vld.idx.msk [tilespmem:v39+s20+$0x0], $0xffff  }
0x340: {  	v41 =	vor.u32 s31, v15;
	_ =	sdelay $0x3  }
0x341: {  	[tilespmem:v40+s23+$0x0] =	vst.idx.msk vm0, v17  }
0x342: {  	s13 =	sadd.s32 $0xFFFFFFF6, s12;
	v42 =	vor.u32 s31, v16;
	v17 =	vld.idx.msk [tilespmem:v41+s20+$0x0], $0xffff  }
0x343: {  	v43 =	vor.u32 s13, v15;
	_ =	sdelay $0x3  }
0x344: {  	[tilespmem:v42+s23+$0x0] =	vst.idx.msk vm0, v17  }
0x345: {  	s16 =	sadd.s32 $0xFFFFFFF7, s12;
	v44 =	vor.u32 s13, v16;
	v17 =	vld.idx.msk [tilespmem:v43+s20+$0x0], $0xffff  }
0x346: {  	v45 =	vor.u32 s16, v15;
	_ =	sdelay $0x3  }
0x347: {  	[tilespmem:v44+s23+$0x0] =	vst.idx.msk vm0, v17  }
0x348: {  	v46 =	vor.u32 s16, v16;
	s17 =	sadd.s32 $0xFFFFFFF8, s12;
	v17 =	vld.idx.msk [tilespmem:v45+s20+$0x0], $0xffff  }
0x349: {  	v47 =	vor.u32 s17, v15;
	_ =	sdelay $0x3  }
0x34a: {  	[tilespmem:v46+s23+$0x0] =	vst.idx.msk vm0, v17  }
0x34b: {  	s30 =	sadd.s32 $0xFFFFFFF9, s12;
	v48 =	vor.u32 s17, v16;
	v17 =	vld.idx.msk [tilespmem:v47+s20+$0x0], $0xffff  }
0x34c: {  	v49 =	vor.u32 s30, v15;
	_ =	sdelay $0x3  }
0x34d: {  	[tilespmem:v48+s23+$0x0] =	vst.idx.msk vm0, v17  }
0x34e: {  	s31 =	sadd.s32 $0xFFFFFFFA, s12;
	v50 =	vor.u32 s30, v16;
	v17 =	vld.idx.msk [tilespmem:v49+s20+$0x0], $0xffff  }
0x34f: {  	v51 =	vor.u32 s31, v15;
	_ =	sdelay $0x3  }
0x350: {  	[tilespmem:v50+s23+$0x0] =	vst.idx.msk vm0, v17  }
0x351: {  	s13 =	sadd.s32 $0xFFFFFFFB, s12;
	v52 =	vor.u32 s31, v16;
	v17 =	vld.idx.msk [tilespmem:v51+s20+$0x0], $0xffff  }
0x352: {  	v53 =	vor.u32 s13, v15;
	_ =	sdelay $0x3  }
0x353: {  	[tilespmem:v52+s23+$0x0] =	vst.idx.msk vm0, v17  }
0x354: {  	s16 =	sadd.s32 $0xFFFFFFFC, s12;
	v54 =	vor.u32 s13, v16;
	v17 =	vld.idx.msk [tilespmem:v53+s20+$0x0], $0xffff  }
0x355: {  	v55 =	vor.u32 s16, v15;
	_ =	sdelay $0x3  }
0x356: {  	[tilespmem:v54+s23+$0x0] =	vst.idx.msk vm0, v17  }
0x357: {  	v56 =	vor.u32 s16, v16;
	s17 =	sadd.s32 $0xFFFFFFFD, s12;
	v17 =	vld.idx.msk [tilespmem:v55+s20+$0x0], $0xffff  }
0x358: {  	v57 =	vor.u32 s17, v15;
	_ =	sdelay $0x3  }
0x359: {  	[tilespmem:v56+s23+$0x0] =	vst.idx.msk vm0, v17  }
0x35a: {  	s30 =	sadd.s32 $0xFFFFFFFE, s12;
	v58 =	vor.u32 s17, v16;
	v17 =	vld.idx.msk [tilespmem:v57+s20+$0x0], $0xffff  }
0x35b: {  	v59 =	vor.u32 s30, v15;
	_ =	sdelay $0x3  }
0x35c: {  	[tilespmem:v58+s23+$0x0] =	vst.idx.msk vm0, v17  }
0x35d: {  	s31 =	sadd.s32 $0xFFFFFFFF, s12;
	v60 =	vor.u32 s30, v16;
	v17 =	vld.idx.msk [tilespmem:v59+s20+$0x0], $0xffff  }
0x35e: {  	v61 =	vor.u32 s31, v15;
	_ =	sdelay $0x3  }
0x35f: {  	[tilespmem:v60+s23+$0x0] =	vst.idx.msk vm0, v17  }
0x360: {  	v62 =	vor.u32 s31, v16;
	v17 =	vld.idx.msk [tilespmem:v61+s20+$0x0], $0xffff  }
0x361: {  	v15 =	vor.u32 s12, v15;
	_ =	sdelay $0x3  }
0x362: {  	s3 =	sadd.s32 $0x1, s3;
	[tilespmem:v62+s23+$0x0] =	vst.idx.msk vm0, v17  }
0x363: {  	v63 =	vor.u32 s12, v16;
	p1 =	seq.s32 s3, $0x8;
	v15 =	vld.idx.msk [tilespmem:v15+s20+$0x0], $0xffff  }
.Ltmp15:
0x364: {  	_ = 	snop;
	(pc) =	sbr.rel @!p1 .LBB2_16-.Ltmp15, $2  }
0x365: {  	_ =	sdelay $0x2  }
0x366: {  	[tilespmem:v63+s23+$0x0] =	vst.idx.msk vm0, v15  }
0x367: {  	vm0 =	vgt.s32 v5, v6  }
0x368: {  	v5 =	vsel vm0, v5, v6  }
0x369: {  	vm0 =	vgt.s32 v5, v7  }
0x36a: {  	v5 =	vsel vm0, v5, v7  }
0x36b: {  	vm0 =	vgt.s32 v5, v8  }
0x36c: {  	v5 =	vsel vm0, v5, v8  }
0x36d: {  	vm0 =	vgt.s32 v5, v9  }
0x36e: {  	v5 =	vsel vm0, v5, v9  }
0x36f: {  	vm0 =	vgt.s32 v5, v10  }
0x370: {  	v5 =	vsel vm0, v5, v10  }
0x371: {  	vm0 =	vgt.s32 v5, v11  }
0x372: {  	v5 =	vsel vm0, v5, v11  }
0x373: {  	vm0 =	vgt.s32 v5, v12  }
0x374: {  	v5 =	vsel vm0, v5, v12  }
0x375: {  	v5 =	vxor.u32 $0x80000000, v5  }
0x376: {  	(xrf0) =	vmax.scan.msk.u32 $0xffff, v5;
	_ =	sdelay $0x5  }
0x377: {  	v5, _, _ =	vpop (xrf0)  }
0x378: {  	(v2sf) =	vpush v5, $0xF;
	_ =	sdelay $0xe  }
0x379: {  	s3 =	spop (v2sf)  }
0x37a: {  	s3 =	sxor.u32 $0x80000000, s3  }
0x37b: {  	p1 =	sgt.s32 s0, s3  }
.Ltmp16:
0x37c: {  	_ = 	snop;
	(pc) =	sbr.rel @p1 .LBB2_20-.Ltmp16, $1  }
0x37d: {  	_ =	sdelay $0x3  }
.LBB2_29:
0x37e: {  	p1 =	slt.s32 s0, $0x7C0;
	s5 =	smov.u32 s0  }
0x37f: {  	s5 =	simm.s32 @!p1 $0x7C0  }
0x380: {  	s31 =	sadd.s32 s8, s5  }
0x381: {  	s0 =	sshll.u32 s31, $0x5  }
0x382: {  	s0 =	sand.u32 $0x1FFFFFE0, s0  }
0x383: {  	s12 =	simm.s32 $0x0;
	s0 =	sadd.s32 s1, s0  }
0x384: {  	[tilespmem:s20], [sflag:$0x5] =	stream.linear.gather [hbm4b:s0+s12], $0x4000, $0x38;
	[tilespmem:$0x1EC80] =	vst v63  }
0x385: {  	_ =	swait.ge [sflag:s14], $0x4000  }
0x386: {  	s0 =	sadd.s32 $0x40, s5;
	[sflag:s14] =	ssyncset.done $0x0  }
0x387: {  	v6 =	vmov s5;
	v5 =	vmov s0;
	[sflag:s14] =	ssyncadd.s32 $0xFFFFC000  }
.LBB2_30:
0x388: {  	_ =	sdelay $0x1  }
0x389: {  	s5 =	sshll.u32 s12, $0x4  }
0x38a: {  	s5 =	sand.u32 $0x3FFFFFF0, s5  }
0x38b: {  	v7 =	vld.idx.msk [tilespmem:v4+s5+$0x0 ss:$0x1], $0xffff;
	_ =	sdelay $0x4  }
0x38c: {  	vm0 =	vlt.s32 v7, $0x0  }
0x38d: {  	v7 =	vsel vm0, v5, v7  }
0x38e: {  	v9 =	vsub.s32 v7, v6  }
0x38f: {  	vm0 =	vgt.s32 v9, $0x0  }
0x390: {  	v7 =	vnsel vm0, $0x0, v9  }
0x391: {  	v7 =	vmin.u32 v7, $0x40  }
0x392: {  	s31 =	simm.s32 $0x0;
	v7 =	vshll.u32 v7, $0x8  }
0x393: {  	v10 =	vor.u32 s31, v7;
	_ =	sdelay $0x2  }
0x394: {  	s13 =	sshll.u32 s12, $0xC  }
0x395: {  	v8 =	vor.u32 s13, v3;
	vm0 =	vgt.s32 v9, $0xFFFFFFFF  }
0x396: {  	s16 =	simm.s32 $0x1;
	v9 =	vld.idx.msk [tilespmem:v10+s20+$0x0], $0xffff;
	v10 =	vor.u32 s31, v8  }
0x397: {  	v11 =	vor.u32 s16, v7;
	_ =	sdelay $0x3  }
0x398: {  	[tilespmem:v10+s23+$0x0] =	vst.idx.msk vm0, v9  }
0x399: {  	s17 =	simm.s32 $0x2;
	v10 =	vor.u32 s16, v8;
	v9 =	vld.idx.msk [tilespmem:v11+s20+$0x0], $0xffff  }
0x39a: {  	v11 =	vor.u32 s17, v7;
	_ =	sdelay $0x3  }
0x39b: {  	[tilespmem:v10+s23+$0x0] =	vst.idx.msk vm0, v9  }
0x39c: {  	s30 =	simm.s32 $0x3;
	v10 =	vor.u32 s17, v8;
	v9 =	vld.idx.msk [tilespmem:v11+s20+$0x0], $0xffff  }
0x39d: {  	v11 =	vor.u32 s30, v7;
	_ =	sdelay $0x3  }
0x39e: {  	[tilespmem:v10+s23+$0x0] =	vst.idx.msk vm0, v9  }
0x39f: {  	s31 =	simm.s32 $0x4;
	v10 =	vor.u32 s30, v8;
	v9 =	vld.idx.msk [tilespmem:v11+s20+$0x0], $0xffff  }
0x3a0: {  	v11 =	vor.u32 s31, v7;
	_ =	sdelay $0x3  }
0x3a1: {  	[tilespmem:v10+s23+$0x0] =	vst.idx.msk vm0, v9  }
0x3a2: {  	s13 =	simm.s32 $0x5;
	v10 =	vor.u32 s31, v8;
	v9 =	vld.idx.msk [tilespmem:v11+s20+$0x0], $0xffff  }
0x3a3: {  	v11 =	vor.u32 s13, v7;
	_ =	sdelay $0x3  }
0x3a4: {  	[tilespmem:v10+s23+$0x0] =	vst.idx.msk vm0, v9  }
0x3a5: {  	s16 =	simm.s32 $0x6;
	v10 =	vor.u32 s13, v8;
	v9 =	vld.idx.msk [tilespmem:v11+s20+$0x0], $0xffff  }
0x3a6: {  	v11 =	vor.u32 s16, v7;
	_ =	sdelay $0x3  }
0x3a7: {  	[tilespmem:v10+s23+$0x0] =	vst.idx.msk vm0, v9  }
0x3a8: {  	s17 =	simm.s32 $0x7;
	v10 =	vor.u32 s16, v8;
	v9 =	vld.idx.msk [tilespmem:v11+s20+$0x0], $0xffff  }
0x3a9: {  	v11 =	vor.u32 s17, v7;
	_ =	sdelay $0x3  }
0x3aa: {  	[tilespmem:v10+s23+$0x0] =	vst.idx.msk vm0, v9  }
0x3ab: {  	s30 =	simm.s32 $0x8;
	v10 =	vor.u32 s17, v8;
	v9 =	vld.idx.msk [tilespmem:v11+s20+$0x0], $0xffff  }
0x3ac: {  	v11 =	vor.u32 s30, v7;
	_ =	sdelay $0x3  }
0x3ad: {  	[tilespmem:v10+s23+$0x0] =	vst.idx.msk vm0, v9  }
0x3ae: {  	s31 =	simm.s32 $0x9;
	v10 =	vor.u32 s30, v8;
	v9 =	vld.idx.msk [tilespmem:v11+s20+$0x0], $0xffff  }
0x3af: {  	v11 =	vor.u32 s31, v7;
	_ =	sdelay $0x3  }
0x3b0: {  	[tilespmem:v10+s23+$0x0] =	vst.idx.msk vm0, v9  }
0x3b1: {  	s13 =	simm.s32 $0xA;
	v10 =	vor.u32 s31, v8;
	v9 =	vld.idx.msk [tilespmem:v11+s20+$0x0], $0xffff  }
0x3b2: {  	v11 =	vor.u32 s13, v7;
	_ =	sdelay $0x3  }
0x3b3: {  	[tilespmem:v10+s23+$0x0] =	vst.idx.msk vm0, v9  }
0x3b4: {  	s16 =	simm.s32 $0xB;
	v10 =	vor.u32 s13, v8;
	v9 =	vld.idx.msk [tilespmem:v11+s20+$0x0], $0xffff  }
0x3b5: {  	v11 =	vor.u32 s16, v7;
	_ =	sdelay $0x3  }
0x3b6: {  	[tilespmem:v10+s23+$0x0] =	vst.idx.msk vm0, v9  }
0x3b7: {  	s17 =	simm.s32 $0xC;
	v10 =	vor.u32 s16, v8;
	v9 =	vld.idx.msk [tilespmem:v11+s20+$0x0], $0xffff  }
0x3b8: {  	v11 =	vor.u32 s17, v7;
	_ =	sdelay $0x3  }
0x3b9: {  	[tilespmem:v10+s23+$0x0] =	vst.idx.msk vm0, v9  }
0x3ba: {  	s30 =	simm.s32 $0xD;
	v10 =	vor.u32 s17, v8;
	v9 =	vld.idx.msk [tilespmem:v11+s20+$0x0], $0xffff  }
0x3bb: {  	v11 =	vor.u32 s30, v7;
	_ =	sdelay $0x3  }
0x3bc: {  	[tilespmem:v10+s23+$0x0] =	vst.idx.msk vm0, v9  }
0x3bd: {  	s31 =	simm.s32 $0xE;
	v10 =	vor.u32 s30, v8;
	v9 =	vld.idx.msk [tilespmem:v11+s20+$0x0], $0xffff  }
0x3be: {  	v11 =	vor.u32 s31, v7;
	_ =	sdelay $0x3  }
0x3bf: {  	[tilespmem:v10+s23+$0x0] =	vst.idx.msk vm0, v9  }
0x3c0: {  	s30 =	simm.s32 $0xF;
	v10 =	vor.u32 s31, v8;
	v9 =	vld.idx.msk [tilespmem:v11+s20+$0x0], $0xffff  }
0x3c1: {  	v11 =	vor.u32 s30, v7;
	_ =	sdelay $0x3  }
0x3c2: {  	[tilespmem:v10+s23+$0x0] =	vst.idx.msk vm0, v9  }
0x3c3: {  	s13 =	simm.s32 $0x1F;
	s16 =	simm.s32 $0x2F;
	s17 =	simm.s32 $0x10;
	v10 =	vor.u32 s30, v8;
	v9 =	vld.idx.msk [tilespmem:v11+s20+$0x0], $0xffff  }
.LBB2_31:
0x3c4: {  	p1 =	sne.s32 s16, $0xFF;
	v11 =	vor.u32 s17, v7;
	_ =	sdelay $0x3  }
0x3c5: {  	[tilespmem:v10+s23+$0x0] =	vst.idx.msk vm0, v9  }
0x3c6: {  	v9 =	vld.idx.msk [tilespmem:v11+s20+$0x0], $0xffff  }
0x3c7: {  	s5 =	sadd.s32 $0xFFFFFFF2, s13;
	v10 =	vor.u32 s17, v8  }
0x3c8: {  	v11 =	vor.u32 s5, v7;
	_ =	sdelay $0x3  }
0x3c9: {  	[tilespmem:v10+s23+$0x0] =	vst.idx.msk vm0, v9  }
0x3ca: {  	v9 =	vld.idx.msk [tilespmem:v11+s20+$0x0], $0xffff  }
0x3cb: {  	v10 =	vor.u32 s5, v8;
	s5 =	sadd.s32 $0xFFFFFFF3, s13  }
0x3cc: {  	v11 =	vor.u32 s5, v7;
	_ =	sdelay $0x3  }
0x3cd: {  	[tilespmem:v10+s23+$0x0] =	vst.idx.msk vm0, v9  }
0x3ce: {  	v9 =	vld.idx.msk [tilespmem:v11+s20+$0x0], $0xffff  }
0x3cf: {  	v10 =	vor.u32 s5, v8;
	s5 =	sadd.s32 $0xFFFFFFF4, s13  }
0x3d0: {  	v11 =	vor.u32 s5, v7;
	_ =	sdelay $0x3  }
0x3d1: {  	[tilespmem:v10+s23+$0x0] =	vst.idx.msk vm0, v9  }
0x3d2: {  	v9 =	vld.idx.msk [tilespmem:v11+s20+$0x0], $0xffff  }
0x3d3: {  	v10 =	vor.u32 s5, v8;
	s5 =	sadd.s32 $0xFFFFFFF5, s13  }
0x3d4: {  	v11 =	vor.u32 s5, v7;
	_ =	sdelay $0x3  }
0x3d5: {  	[tilespmem:v10+s23+$0x0] =	vst.idx.msk vm0, v9  }
0x3d6: {  	v9 =	vld.idx.msk [tilespmem:v11+s20+$0x0], $0xffff  }
0x3d7: {  	v10 =	vor.u32 s5, v8;
	s5 =	sadd.s32 $0xFFFFFFF6, s13  }
0x3d8: {  	v11 =	vor.u32 s5, v7;
	_ =	sdelay $0x3  }
0x3d9: {  	[tilespmem:v10+s23+$0x0] =	vst.idx.msk vm0, v9  }
0x3da: {  	v9 =	vld.idx.msk [tilespmem:v11+s20+$0x0], $0xffff  }
0x3db: {  	v10 =	vor.u32 s5, v8;
	s5 =	sadd.s32 $0xFFFFFFF7, s13  }
0x3dc: {  	v11 =	vor.u32 s5, v7;
	_ =	sdelay $0x3  }
0x3dd: {  	[tilespmem:v10+s23+$0x0] =	vst.idx.msk vm0, v9  }
0x3de: {  	v9 =	vld.idx.msk [tilespmem:v11+s20+$0x0], $0xffff  }
0x3df: {  	v10 =	vor.u32 s5, v8;
	s5 =	sadd.s32 $0xFFFFFFF8, s13  }
0x3e0: {  	v11 =	vor.u32 s5, v7;
	_ =	sdelay $0x3  }
0x3e1: {  	[tilespmem:v10+s23+$0x0] =	vst.idx.msk vm0, v9  }
0x3e2: {  	v9 =	vld.idx.msk [tilespmem:v11+s20+$0x0], $0xffff  }
0x3e3: {  	v10 =	vor.u32 s5, v8;
	s5 =	sadd.s32 $0xFFFFFFF9, s13  }
0x3e4: {  	v11 =	vor.u32 s5, v7;
	_ =	sdelay $0x3  }
0x3e5: {  	[tilespmem:v10+s23+$0x0] =	vst.idx.msk vm0, v9  }
0x3e6: {  	v9 =	vld.idx.msk [tilespmem:v11+s20+$0x0], $0xffff  }
0x3e7: {  	v10 =	vor.u32 s5, v8;
	s5 =	sadd.s32 $0xFFFFFFFA, s13  }
0x3e8: {  	v11 =	vor.u32 s5, v7;
	_ =	sdelay $0x3  }
0x3e9: {  	[tilespmem:v10+s23+$0x0] =	vst.idx.msk vm0, v9  }
0x3ea: {  	v9 =	vld.idx.msk [tilespmem:v11+s20+$0x0], $0xffff  }
0x3eb: {  	v10 =	vor.u32 s5, v8;
	s5 =	sadd.s32 $0xFFFFFFFB, s13  }
0x3ec: {  	v11 =	vor.u32 s5, v7;
	_ =	sdelay $0x3  }
0x3ed: {  	[tilespmem:v10+s23+$0x0] =	vst.idx.msk vm0, v9  }
0x3ee: {  	v9 =	vld.idx.msk [tilespmem:v11+s20+$0x0], $0xffff  }
0x3ef: {  	v10 =	vor.u32 s5, v8;
	s5 =	sadd.s32 $0xFFFFFFFC, s13  }
0x3f0: {  	v11 =	vor.u32 s5, v7;
	_ =	sdelay $0x3  }
0x3f1: {  	[tilespmem:v10+s23+$0x0] =	vst.idx.msk vm0, v9  }
0x3f2: {  	v9 =	vld.idx.msk [tilespmem:v11+s20+$0x0], $0xffff  }
0x3f3: {  	v10 =	vor.u32 s5, v8;
	s5 =	sadd.s32 $0xFFFFFFFD, s13  }
0x3f4: {  	v11 =	vor.u32 s5, v7;
	_ =	sdelay $0x3  }
0x3f5: {  	[tilespmem:v10+s23+$0x0] =	vst.idx.msk vm0, v9  }
0x3f6: {  	v9 =	vld.idx.msk [tilespmem:v11+s20+$0x0], $0xffff  }
0x3f7: {  	v10 =	vor.u32 s5, v8;
	s5 =	sadd.s32 $0xFFFFFFFE, s13  }
0x3f8: {  	v11 =	vor.u32 s5, v7;
	_ =	sdelay $0x3  }
0x3f9: {  	[tilespmem:v10+s23+$0x0] =	vst.idx.msk vm0, v9  }
0x3fa: {  	v9 =	vld.idx.msk [tilespmem:v11+s20+$0x0], $0xffff  }
0x3fb: {  	v10 =	vor.u32 s5, v8;
	s5 =	sadd.s32 $0xFFFFFFFF, s13  }
0x3fc: {  	v11 =	vor.u32 s5, v7;
	_ =	sdelay $0x3  }
0x3fd: {  	[tilespmem:v10+s23+$0x0] =	vst.idx.msk vm0, v9  }
0x3fe: {  	v9 =	vld.idx.msk [tilespmem:v11+s20+$0x0], $0xffff  }
0x3ff: {  	v10 =	vor.u32 s5, v8  }
0x400: {  	v11 =	vor.u32 s13, v7;
	_ =	sdelay $0x1  }
.Ltmp17:
0x401: {  	(pc) =	sbr.rel @p1 .LBB2_31-.Ltmp17, $4  }
0x402: {  	_ = 	snop  }
0x403: {  	[tilespmem:v10+s23+$0x0] =	vst.idx.msk vm0, v9  }
0x404: {  	v9 =	vld.idx.msk [tilespmem:v11+s20+$0x0], $0xffff  }
0x405: {  	s17 =	sadd.s32 $0xFFFFFFF1, s16;
	v10 =	vor.u32 s13, v8;
	s13 =	smov.u32 s16;
	s16 =	sadd.s32 $0x10, s16  }
0x406: {  	_ = 	snop  }
0x407: {  	v11 =	vor.u32 s17, v7;
	_ =	sdelay $0x3  }
0x408: {  	[tilespmem:v10+s23+$0x0] =	vst.idx.msk vm0, v9  }
0x409: {  	v35 =	vor.u32 s17, v8;
	s5 =	sadd.s32 $0xFFFFFFF2, s13;
	v9 =	vld.idx.msk [tilespmem:v11+s20+$0x0], $0xffff  }
0x40a: {  	v36 =	vor.u32 s5, v7;
	_ =	sdelay $0x3  }
0x40b: {  	[tilespmem:v35+s23+$0x0] =	vst.idx.msk vm0, v9  }
0x40c: {  	s31 =	sadd.s32 $0xFFFFFFF3, s13;
	v37 =	vor.u32 s5, v8;
	v9 =	vld.idx.msk [tilespmem:v36+s20+$0x0], $0xffff  }
0x40d: {  	v38 =	vor.u32 s31, v7;
	_ =	sdelay $0x3  }
0x40e: {  	[tilespmem:v37+s23+$0x0] =	vst.idx.msk vm0, v9  }
0x40f: {  	s16 =	sadd.s32 $0xFFFFFFF4, s13;
	v39 =	vor.u32 s31, v8;
	v9 =	vld.idx.msk [tilespmem:v38+s20+$0x0], $0xffff  }
0x410: {  	v40 =	vor.u32 s16, v7;
	_ =	sdelay $0x3  }
0x411: {  	[tilespmem:v39+s23+$0x0] =	vst.idx.msk vm0, v9  }
0x412: {  	s17 =	sadd.s32 $0xFFFFFFF5, s13;
	v41 =	vor.u32 s16, v8;
	v9 =	vld.idx.msk [tilespmem:v40+s20+$0x0], $0xffff  }
0x413: {  	v42 =	vor.u32 s17, v7;
	_ =	sdelay $0x3  }
0x414: {  	[tilespmem:v41+s23+$0x0] =	vst.idx.msk vm0, v9  }
0x415: {  	s30 =	sadd.s32 $0xFFFFFFF6, s13;
	v43 =	vor.u32 s17, v8;
	v9 =	vld.idx.msk [tilespmem:v42+s20+$0x0], $0xffff  }
0x416: {  	v44 =	vor.u32 s30, v7;
	_ =	sdelay $0x3  }
0x417: {  	[tilespmem:v43+s23+$0x0] =	vst.idx.msk vm0, v9  }
0x418: {  	v45 =	vor.u32 s30, v8;
	s31 =	sadd.s32 $0xFFFFFFF7, s13;
	v9 =	vld.idx.msk [tilespmem:v44+s20+$0x0], $0xffff  }
0x419: {  	v46 =	vor.u32 s31, v7;
	_ =	sdelay $0x3  }
0x41a: {  	[tilespmem:v45+s23+$0x0] =	vst.idx.msk vm0, v9  }
0x41b: {  	s16 =	sadd.s32 $0xFFFFFFF8, s13;
	v47 =	vor.u32 s31, v8;
	v9 =	vld.idx.msk [tilespmem:v46+s20+$0x0], $0xffff  }
0x41c: {  	v48 =	vor.u32 s16, v7;
	_ =	sdelay $0x3  }
0x41d: {  	[tilespmem:v47+s23+$0x0] =	vst.idx.msk vm0, v9  }
0x41e: {  	s17 =	sadd.s32 $0xFFFFFFF9, s13;
	v49 =	vor.u32 s16, v8;
	v9 =	vld.idx.msk [tilespmem:v48+s20+$0x0], $0xffff  }
0x41f: {  	v50 =	vor.u32 s17, v7;
	_ =	sdelay $0x3  }
0x420: {  	[tilespmem:v49+s23+$0x0] =	vst.idx.msk vm0, v9  }
0x421: {  	s30 =	sadd.s32 $0xFFFFFFFA, s13;
	v51 =	vor.u32 s17, v8;
	v9 =	vld.idx.msk [tilespmem:v50+s20+$0x0], $0xffff  }
0x422: {  	v52 =	vor.u32 s30, v7;
	_ =	sdelay $0x3  }
0x423: {  	[tilespmem:v51+s23+$0x0] =	vst.idx.msk vm0, v9  }
0x424: {  	v53 =	vor.u32 s30, v8;
	s31 =	sadd.s32 $0xFFFFFFFB, s13;
	v9 =	vld.idx.msk [tilespmem:v52+s20+$0x0], $0xffff  }
0x425: {  	v54 =	vor.u32 s31, v7;
	_ =	sdelay $0x3  }
0x426: {  	[tilespmem:v53+s23+$0x0] =	vst.idx.msk vm0, v9  }
0x427: {  	s16 =	sadd.s32 $0xFFFFFFFC, s13;
	v55 =	vor.u32 s31, v8;
	v9 =	vld.idx.msk [tilespmem:v54+s20+$0x0], $0xffff  }
0x428: {  	v56 =	vor.u32 s16, v7;
	_ =	sdelay $0x3  }
0x429: {  	[tilespmem:v55+s23+$0x0] =	vst.idx.msk vm0, v9  }
0x42a: {  	s17 =	sadd.s32 $0xFFFFFFFD, s13;
	v57 =	vor.u32 s16, v8;
	v9 =	vld.idx.msk [tilespmem:v56+s20+$0x0], $0xffff  }
0x42b: {  	v58 =	vor.u32 s17, v7;
	_ =	sdelay $0x3  }
0x42c: {  	[tilespmem:v57+s23+$0x0] =	vst.idx.msk vm0, v9  }
0x42d: {  	s30 =	sadd.s32 $0xFFFFFFFE, s13;
	v59 =	vor.u32 s17, v8;
	v9 =	vld.idx.msk [tilespmem:v58+s20+$0x0], $0xffff  }
0x42e: {  	v60 =	vor.u32 s30, v7;
	_ =	sdelay $0x3  }
0x42f: {  	[tilespmem:v59+s23+$0x0] =	vst.idx.msk vm0, v9  }
0x430: {  	v61 =	vor.u32 s30, v8;
	s31 =	sadd.s32 $0xFFFFFFFF, s13;
	v9 =	vld.idx.msk [tilespmem:v60+s20+$0x0], $0xffff  }
0x431: {  	v62 =	vor.u32 s31, v7;
	_ =	sdelay $0x3  }
0x432: {  	[tilespmem:v61+s23+$0x0] =	vst.idx.msk vm0, v9  }
0x433: {  	v63 =	vor.u32 s31, v8;
	v9 =	vld.idx.msk [tilespmem:v62+s20+$0x0], $0xffff  }
0x434: {  	v7 =	vor.u32 s13, v7;
	_ =	sdelay $0x3  }
0x435: {  	s12 =	sadd.s32 $0x1, s12;
	[tilespmem:v63+s23+$0x0] =	vst.idx.msk vm0, v9  }
0x436: {  	p1 =	seq.s32 s12, $0x8;
	v8 =	vor.u32 s13, v8;
	v7 =	vld.idx.msk [tilespmem:v7+s20+$0x0], $0xffff  }
.Ltmp18:
0x437: {  	_ = 	snop;
	(pc) =	sbr.rel @!p1 .LBB2_30-.Ltmp18, $2  }
0x438: {  	_ =	sdelay $0x2  }
0x439: {  	[tilespmem:v8+s23+$0x0] =	vst.idx.msk vm0, v7  }
0x43a: {  	p1 =	sgt.s32 s0, s3  }
.Ltmp19:
0x43b: {  	_ = 	snop;
	(pc) =	sbr.rel @!p1 .LBB2_29-.Ltmp19, $4  }
.Ltmp20:
0x43c: {  	_ = 	snop;
	(pc) =	sbr.rel @p1 .LBB2_20-.Ltmp20, $4  }
0x43d: {  	_ = 	snop  }
0x43e: {  	_ = 	snop  }
0x43f: {  	_ = 	snop  }
0x440: {  	_ = 	snop  }
.LBB2_22:
0x441: {  	_ =	sfence.sel $0x180000  }
0x442: {  	[bflag:$0x0] =	sbarrier.arrive $0xFFFF  }
0x443: {  	_ =	strace $0x90000047  }
0x444: {  	s0 =	stileid.u32;
	[bflag:$0x2] =	sbarrier.arrive $0xFFFF  }
0x445: {  	p0 =	sne.s32 s0, $0x0;
	s0 =	rddreg [dreg:$0x5]  }
0x446: {  	s0 =	sadd.s32 @!p0 $0x100000, s0  }
0x447: {  	[sflag:s0] =	ssyncadd.tile.s32 @!p0 $0x1;
	_ =	shalt  }
.Lfunc_end2:
_tile_overlayer_lowered:
.L_overlay_start_2:
0x448: {  	(tag) =	ssettag $0x2  }
0x449: {  	s0 =	rddreg [dreg:$0x0];
	s2 =	stileid.u32  }
0x44a: {  	s1 =	rddreg [dreg:$0x1];
	p0 =	sne.s32 s2, $0x0  }
0x44b: {  	s3 =	rddreg [dreg:$0x2];
	[bflag:$0x3] =	sbarrier.arrive $0xFFFF;
	s2 =	simm.s32 @!p0 $0x1C05  }
0x44c: {  	[timem:s3], [sflag:s2] =	dma.local @!p0 [hbm:s0], s1  }
0x44d: {  	s0 =	simm.s32 @!p0 $0x5  }
0x44e: {  	_ =	swait.ge @!p0 [sflag:s0], s1  }
0x44f: {  	s1 =	ssub.s32 @!p0 $0x0, s1;
	[sflag:s0] =	ssyncset.done @!p0 $0x0  }
0x450: {  	[sflag:s0] =	ssyncadd.s32 @!p0 s1  }
0x451: {  	[bflag:$0x3] =	sbarrier.arrive $0xFFFF  }
0x452: {  	_ =	shalt  }

</sc_bundles>
